<compile_context>
chip_gen: v7x
topology: tpu7x:2x2x1
jax: 0.10.2.dev20260603
libtpu: 0.0.44.dev20260713+nightly
codegen_flags: <defaults>
</compile_context>

<pallas_src>
import functools

import jax
import jax.numpy as jnp
from jax import lax
from jax.experimental import pallas as pl
from jax.experimental.pallas import tpu as pltpu
from jax.experimental.pallas import tpu_sc as plsc

N_NODES = 10000
N_EDGES = 320000
D = 128

NC = 2
NS = 16
NW = NC * NS
EPW = N_EDGES // NW
CHUNK = 80
NITER = EPW // CHUNK
NBUF = 3
ACC = 10240
RPT = ACC // NS
CR = ACC // D
CRPT = CR // NS


def _agg_body(x_hbm, ei_hbm, psum_hbm, pcnt_hbm,
              acc_sh, cnt_sh, sbuf, dbuf, rows, hist, rowids,
              semg0, semg1, semg2, semi0, semi1, semi2,
              semd0, semd1, semd2, semc0, semc1, semc2):
    cid = lax.axis_index("c")
    sid = lax.axis_index("s")
    semg = (semg0, semg1, semg2)
    semi = (semi0, semi1, semi2)
    semd = (semd0, semd1, semd2)
    semc = (semc0, semc1, semc2)

    def fill_zero(i, _):
        for j in range(D // 16):
            rows[0, i, pl.ds(j * 16, 16)] = jnp.zeros((16,), jnp.float32)
        return _
    lax.fori_loop(0, CHUNK, fill_zero, None)

    def fill_hist(i, _):
        for j in range(D // 16):
            hist[i, pl.ds(j * 16, 16)] = jnp.zeros((16,), jnp.float32)
        return _
    lax.fori_loop(0, CR, fill_hist, None)

    for k in range(CR // 16):
        rowids[pl.ds(k * 16, 16)] = lax.iota(jnp.int32, 16) + (k * 16)

    for k in range(RPT // CHUNK):
        pltpu.sync_copy(rows.at[0], acc_sh.at[pl.ds(sid * RPT + k * CHUNK, CHUNK)])

    @pl.when(sid == 0)
    def _():
        pltpu.sync_copy(rows.at[0, pl.ds(0, CR)], cnt_sh)
    plsc.subcore_barrier()

    wid = sid * NC + cid
    ebase = wid * EPW

    def sidx_load(j, b):
        pltpu.async_copy(ei_hbm.at[0, pl.ds(ebase + j * CHUNK, CHUNK)],
                         sbuf.at[b], semi[b])

    def didx_load(j, b):
        pltpu.async_copy(ei_hbm.at[1, pl.ds(ebase + j * CHUNK, CHUNK)],
                         dbuf.at[b], semd[b])

    def hist_update(b):
        for k in range(CHUNK // 16):
            dv = dbuf[b, pl.ds(k * 16, 16)]
            hi = lax.shift_right_logical(dv, 7)
            lo = lax.bitwise_and(dv, 127)
            plsc.addupdate_scatter(hist, [hi, lo], jnp.ones((16,), jnp.float32))

    def gather_fire(b):
        pltpu.async_copy(x_hbm.at[sbuf.at[b]], rows.at[b], semg[b])

    def gather_wait(b):
        pltpu.make_async_copy(x_hbm.at[sbuf.at[b]], rows.at[b], semg[b]).wait()

    def idx_wait(sem, buf, b):
        pltpu.make_async_copy(ei_hbm.at[0, pl.ds(ebase, CHUNK)], buf.at[b],
                              sem[b]).wait()

    def scatter_wait(b):
        pltpu.make_async_copy(rows.at[b], acc_sh.at[dbuf.at[b]],
                              semc[b]).wait()

    for b in range(NBUF):
        sidx_load(b, b)
    didx_load(0, 0)
    didx_load(1, 1)
    idx_wait(semi, sbuf, 0)
    gather_fire(0)
    idx_wait(semi, sbuf, 1)
    gather_fire(1)

    def iter_body(j, b, first, has2, has3):
        bn = (b + 2) % 3
        gather_wait(b)
        if has3:
            sidx_load(j + 3, b)
        if not first:
            scatter_wait(bn)
        if has2:
            didx_load(j + 2, bn)
            idx_wait(semi, sbuf, bn)
            gather_fire(bn)
        idx_wait(semd, dbuf, b)
        pltpu.async_copy(rows.at[b], acc_sh.at[dbuf.at[b]], semc[b], add=True)
        hist_update(b)

    iter_body(0, 0, True, True, True)

    def edge_step(t, _):
        iter_body(3 * t + 1, 1, False, True, True)
        iter_body(3 * t + 2, 2, False, True, True)
        iter_body(3 * t + 3, 0, False, True, True)
        return _
    lax.fori_loop(0, (NITER - 5) // 3, edge_step, None)
    iter_body(NITER - 4, 1, False, True, True)
    iter_body(NITER - 3, 2, False, True, False)
    iter_body(NITER - 2, 0, False, False, False)
    iter_body(NITER - 1, 1, False, False, False)

    scatter_wait(1)

    plsc.subcore_barrier()

    pltpu.sync_copy(hist, cnt_sh.at[rowids], add=True)
    plsc.subcore_barrier()

    r0 = sid * RPT
    pltpu.sync_copy(acc_sh.at[pl.ds(r0, RPT)], psum_hbm.at[cid, pl.ds(r0, RPT)])
    pltpu.sync_copy(cnt_sh.at[pl.ds(sid * CRPT, CRPT)],
                    pcnt_hbm.at[cid, pl.ds(sid * CRPT, CRPT)])


@functools.cache
def _agg():
  return pl.kernel(
    _agg_body,
    out_type=(
        jax.ShapeDtypeStruct((NC, ACC, D), jnp.float32),
        jax.ShapeDtypeStruct((NC, CR, D), jnp.float32),
    ),
    mesh=plsc.VectorSubcoreMesh(
        core_axis_name="c", subcore_axis_name="s", num_cores=NC, num_subcores=NS
    ),
    scratch_types=[
        pltpu.VMEM_SHARED((ACC, D), jnp.float32),
        pltpu.VMEM_SHARED((CR, D), jnp.float32),
        pltpu.VMEM((NBUF, CHUNK), jnp.int32),
        pltpu.VMEM((NBUF, CHUNK), jnp.int32),
        pltpu.VMEM((NBUF, CHUNK, D), jnp.float32),
        pltpu.VMEM((CR, D), jnp.float32),
        pltpu.VMEM((CR,), jnp.int32),
        pltpu.SemaphoreType.DMA,
        pltpu.SemaphoreType.DMA,
        pltpu.SemaphoreType.DMA,
        pltpu.SemaphoreType.DMA,
        pltpu.SemaphoreType.DMA,
        pltpu.SemaphoreType.DMA,
        pltpu.SemaphoreType.DMA,
        pltpu.SemaphoreType.DMA,
        pltpu.SemaphoreType.DMA,
        pltpu.SemaphoreType.DMA,
        pltpu.SemaphoreType.DMA,
        pltpu.SemaphoreType.DMA,
    ],
    compiler_params=pltpu.CompilerParams(use_tc_tiling_on_sc=False,
                                         needs_layout_passes=False),
  )


BLK = 2048


def _dense_body(psum_ref, pcnt_ref, x_ref, wl_ref, wr_ref, b_ref, g_ref,
                be_ref, out_ref):
    s = psum_ref[0] + psum_ref[1]
    c8 = pcnt_ref[0] + pcnt_ref[1]
    crb = CR // (ACC // BLK)
    row = lax.broadcasted_iota(jnp.int32, (BLK, crb), 0) // D
    sel = (row == lax.broadcasted_iota(jnp.int32, (BLK, crb), 1)).astype(jnp.float32)
    t = lax.dot_general(sel, c8, (((1,), (0,)), ((), ())),
                        preferred_element_type=jnp.float32)
    lane = lax.broadcasted_iota(jnp.int32, (BLK, D), 0) % D
    msk = lane == lax.broadcasted_iota(jnp.int32, (BLK, D), 1)
    c = jnp.sum(jnp.where(msk, t, 0.0), axis=1, keepdims=True)
    mean = s / jnp.maximum(c, 1.0)
    dn = (((1,), (1,)), ((), ()))
    h = (lax.dot_general(mean, wl_ref[...], dn, preferred_element_type=jnp.float32)
         + lax.dot_general(x_ref[...], wr_ref[...], dn, preferred_element_type=jnp.float32)
         + b_ref[...])
    mu = jnp.mean(h, axis=1, keepdims=True)
    var = jnp.mean(jnp.square(h - mu), axis=1, keepdims=True)
    hn = (h - mu) * lax.rsqrt(var + 1e-5) * g_ref[...] + be_ref[...]
    out_ref[...] = jnp.where(hn >= 0, hn, 0.01 * hn)


_dense = pl.pallas_call(
    _dense_body,
    grid=(ACC // BLK,),
    in_specs=[
        pl.BlockSpec((NC, BLK, D), lambda i: (0, i, 0)),
        pl.BlockSpec((NC, CR // (ACC // BLK), D), lambda i: (0, i, 0)),
        pl.BlockSpec((BLK, D), lambda i: (i, 0)),
        pl.BlockSpec((D, D), lambda i: (0, 0)),
        pl.BlockSpec((D, D), lambda i: (0, 0)),
        pl.BlockSpec((1, D), lambda i: (0, 0)),
        pl.BlockSpec((1, D), lambda i: (0, 0)),
        pl.BlockSpec((1, D), lambda i: (0, 0)),
    ],
    out_specs=pl.BlockSpec((BLK, D), lambda i: (i, 0)),
    out_shape=jax.ShapeDtypeStruct((N_NODES, D), jnp.float32),
)


@jax.jit
def kernel(x, edge_index, W_l, b_l, W_r, gamma, beta):
    ei = edge_index.astype(jnp.int32)
    psum, pcnt = _agg()(x, ei)
    out = _dense(psum, pcnt, x, W_l, W_r,
                 b_l.reshape(1, D), gamma.reshape(1, D), beta.reshape(1, D))
    return out

# --- scband reference (transcript-rebuilt; emitter-appended) ---
"""Pipeline reference for scband-sagelayer-47502338293997 (READ-ONLY COPY).

The authoritative reference and input builder live on the scoring server;
editing this copy changes nothing except your own understanding.
"""

import jax, jax.numpy as jnp
import numpy as np

N_NODES = 10000
N_EDGES = 320000
D_IN = 128
D_OUT = 128

def setup_inputs(seed: int = 0) -> dict:
    key = jax.random.key(seed)
    k1, k2, k3, k4, k5 = jax.random.split(key, 5)
    x = jax.random.normal(k1, (N_NODES, D_IN), dtype=jnp.float32)
    edge_index = jax.random.randint(k2, (2, N_EDGES), 0, N_NODES, dtype=jnp.int64)
    # SAGEConv params: lin_l (applied to aggregated neighbors, has bias), lin_r (applied to root, no bias)
    scale = 1.0 / np.sqrt(D_IN)
    W_l = jax.random.uniform(k3, (D_OUT, D_IN), dtype=jnp.float32, minval=-scale, maxval=scale)
    b_l = jnp.zeros((D_OUT,), dtype=jnp.float32)
    W_r = jax.random.uniform(k4, (D_OUT, D_IN), dtype=jnp.float32, minval=-scale, maxval=scale)
    # LayerNorm params
    gamma = jnp.ones((D_OUT,), dtype=jnp.float32)
    beta = jnp.zeros((D_OUT,), dtype=jnp.float32)
    return {"x": x, "edge_index": edge_index, "W_l": W_l, "b_l": b_l, "W_r": W_r, "gamma": gamma, "beta": beta}

def reference(x, edge_index, W_l, b_l, W_r, gamma, beta):
    src = edge_index[0]
    dst = edge_index[1]
    # mean aggregation of neighbor (source) features at destination nodes
    msg = jnp.take(x, src, axis=0)
    summed = jax.ops.segment_sum(msg, dst, num_segments=N_NODES)
    count = jax.ops.segment_sum(jnp.ones((N_EDGES,), dtype=x.dtype), dst, num_segments=N_NODES)
    mean_agg = summed / jnp.clip(count, 1.0, None)[:, None]
    # SAGEConv: lin_l(mean_agg) + lin_r(x)
    h = mean_agg @ W_l.T + b_l + x @ W_r.T
    # LayerNorm (eps=1e-5)
    mu = jnp.mean(h, axis=-1, keepdims=True)
    var = jnp.mean(jnp.square(h - mu), axis=-1, keepdims=True)
    hn = (h - mu) / jnp.sqrt(var + 1e-5) * gamma + beta
    # LeakyReLU (negative_slope=0.01); Dropout is identity in eval mode
    out = jnp.where(hn >= 0, hn, 0.01 * hn)
    return out

if __name__ == "__main__":
    import jax
    _d = setup_inputs()
    print(jax.jit(kernel)(*tuple(_d.values())))

</pallas_src>

<mosaic_0001>
#map = affine_map<(d0, d1) -> (0, 0)>
#map1 = affine_map<(d0, d1) -> (0, 0, 0)>
module attributes {stable_mosaic.version = 14 : i64} {
  func.func @_agg_body(%arg0: i32, %arg1: i32, %arg2: memref<10000x128xf32, #tpu.memory_space<hbm>>, %arg3: memref<2x320000xi32, #tpu.memory_space<hbm>>, %arg4: memref<2x10240x128xf32, #tpu.memory_space<hbm>>, %arg5: memref<2x80x128xf32, #tpu.memory_space<hbm>>, %arg6: memref<10240x128xf32, #tpu.memory_space<vmem_shared>>, %arg7: memref<80x128xf32, #tpu.memory_space<vmem_shared>>, %arg8: memref<3x80xi32, #tpu.memory_space<vmem>>, %arg9: memref<3x80xi32, #tpu.memory_space<vmem>>, %arg10: memref<3x80x128xf32, #tpu.memory_space<vmem>>, %arg11: memref<80x128xf32, #tpu.memory_space<vmem>>, %arg12: memref<80xi32, #tpu.memory_space<vmem>>, %arg13: memref<!tpu.dma_semaphore, #tpu.memory_space<semaphore_mem>>, %arg14: memref<!tpu.dma_semaphore, #tpu.memory_space<semaphore_mem>>, %arg15: memref<!tpu.dma_semaphore, #tpu.memory_space<semaphore_mem>>, %arg16: memref<!tpu.dma_semaphore, #tpu.memory_space<semaphore_mem>>, %arg17: memref<!tpu.dma_semaphore, #tpu.memory_space<semaphore_mem>>, %arg18: memref<!tpu.dma_semaphore, #tpu.memory_space<semaphore_mem>>, %arg19: memref<!tpu.dma_semaphore, #tpu.memory_space<semaphore_mem>>, %arg20: memref<!tpu.dma_semaphore, #tpu.memory_space<semaphore_mem>>, %arg21: memref<!tpu.dma_semaphore, #tpu.memory_space<semaphore_mem>>, %arg22: memref<!tpu.dma_semaphore, #tpu.memory_space<semaphore_mem>>, %arg23: memref<!tpu.dma_semaphore, #tpu.memory_space<semaphore_mem>>, %arg24: memref<!tpu.dma_semaphore, #tpu.memory_space<semaphore_mem>>) attributes {dimension_semantics = [#tpu.dimension_semantics<core_parallel>, #tpu.dimension_semantics<subcore_parallel>], iteration_bounds = array<i64: 2, 16>, scalar_prefetch = 0 : i64, scratch_operands = 19 : i64, tpu.core_type = #tpu.core_type<sc_vector_subcore>, window_params = [{transform_indices = #map}, {transform_indices = #map}, {transform_indices = #map1}, {transform_indices = #map1}]} {
    %scan3A = arith.constant 0 : i32
    %scan3A_0 = arith.constant 80 : i32
    %scan3A_1 = arith.addi %scan3A, %scan3A_0 : i32
    %scan3A_2 = arith.constant 1 : i32
    scf.for %scan3A_888 = %scan3A to %scan3A_1 step %scan3A_2  : i32 {
      %broadcast_in_dim3A_889 = arith.constant 0.000000e+00 : f32
      %broadcast_in_dim3A_890 = vector.broadcast %broadcast_in_dim3A_889 : f32 to vector<16xf32>
      %swap3A_891 = arith.constant 0 : i32
      %swap3A_892 = arith.index_cast %swap3A_891 : i32 to index
      %swap3A_893 = arith.index_cast %scan3A_888 : i32 to index
      %swap3A_894 = arith.constant 0 : index
      %swap3A_895 = tpu.vector_load %arg10[%swap3A_892, %swap3A_893, %swap3A_894] {strides = array<i32>} : memref<3x80x128xf32, #tpu.memory_space<vmem>>, vector<16xf32>,
      tpu.vector_store %arg10[%swap3A_892, %swap3A_893, %swap3A_894], %broadcast_in_dim3A_890 {strides = array<i32>} : memref<3x80x128xf32, #tpu.memory_space<vmem>>, vector<16xf32>,
      %broadcast_in_dim3A_896 = arith.constant 0.000000e+00 : f32
      %broadcast_in_dim3A_897 = vector.broadcast %broadcast_in_dim3A_896 : f32 to vector<16xf32>
      %swap3A_898 = arith.constant 0 : i32
      %swap3A_899 = arith.index_cast %swap3A_898 : i32 to index
      %swap3A_900 = arith.index_cast %scan3A_888 : i32 to index
      %swap3A_901 = arith.constant 16 : index
      %swap3A_902 = tpu.vector_load %arg10[%swap3A_899, %swap3A_900, %swap3A_901] {strides = array<i32>} : memref<3x80x128xf32, #tpu.memory_space<vmem>>, vector<16xf32>,
      tpu.vector_store %arg10[%swap3A_899, %swap3A_900, %swap3A_901], %broadcast_in_dim3A_897 {strides = array<i32>} : memref<3x80x128xf32, #tpu.memory_space<vmem>>, vector<16xf32>,
      %broadcast_in_dim3A_903 = arith.constant 0.000000e+00 : f32
      %broadcast_in_dim3A_904 = vector.broadcast %broadcast_in_dim3A_903 : f32 to vector<16xf32>
      %swap3A_905 = arith.constant 0 : i32
      %swap3A_906 = arith.index_cast %swap3A_905 : i32 to index
      %swap3A_907 = arith.index_cast %scan3A_888 : i32 to index
      %swap3A_908 = arith.constant 32 : index
      %swap3A_909 = tpu.vector_load %arg10[%swap3A_906, %swap3A_907, %swap3A_908] {strides = array<i32>} : memref<3x80x128xf32, #tpu.memory_space<vmem>>, vector<16xf32>,
      tpu.vector_store %arg10[%swap3A_906, %swap3A_907, %swap3A_908], %broadcast_in_dim3A_904 {strides = array<i32>} : memref<3x80x128xf32, #tpu.memory_space<vmem>>, vector<16xf32>,
      %broadcast_in_dim3A_910 = arith.constant 0.000000e+00 : f32
      %broadcast_in_dim3A_911 = vector.broadcast %broadcast_in_dim3A_910 : f32 to vector<16xf32>
      %swap3A_912 = arith.constant 0 : i32
      %swap3A_913 = arith.index_cast %swap3A_912 : i32 to index
      %swap3A_914 = arith.index_cast %scan3A_888 : i32 to index
      %swap3A_915 = arith.constant 48 : index
      %swap3A_916 = tpu.vector_load %arg10[%swap3A_913, %swap3A_914, %swap3A_915] {strides = array<i32>} : memref<3x80x128xf32, #tpu.memory_space<vmem>>, vector<16xf32>,
      tpu.vector_store %arg10[%swap3A_913, %swap3A_914, %swap3A_915], %broadcast_in_dim3A_911 {strides = array<i32>} : memref<3x80x128xf32, #tpu.memory_space<vmem>>, vector<16xf32>,
      %broadcast_in_dim3A_917 = arith.constant 0.000000e+00 : f32
      %broadcast_in_dim3A_918 = vector.broadcast %broadcast_in_dim3A_917 : f32 to vector<16xf32>
      %swap3A_919 = arith.constant 0 : i32
      %swap3A_920 = arith.index_cast %swap3A_919 : i32 to index
      %swap3A_921 = arith.index_cast %scan3A_888 : i32 to index
      %swap3A_922 = arith.constant 64 : index
      %swap3A_923 = tpu.vector_load %arg10[%swap3A_920, %swap3A_921, %swap3A_922] {strides = array<i32>} : memref<3x80x128xf32, #tpu.memory_space<vmem>>, vector<16xf32>,
      tpu.vector_store %arg10[%swap3A_920, %swap3A_921, %swap3A_922], %broadcast_in_dim3A_918 {strides = array<i32>} : memref<3x80x128xf32, #tpu.memory_space<vmem>>, vector<16xf32>,
      %broadcast_in_dim3A_924 = arith.constant 0.000000e+00 : f32
      %broadcast_in_dim3A_925 = vector.broadcast %broadcast_in_dim3A_924 : f32 to vector<16xf32>
      %swap3A_926 = arith.constant 0 : i32
      %swap3A_927 = arith.index_cast %swap3A_926 : i32 to index
      %swap3A_928 = arith.index_cast %scan3A_888 : i32 to index
      %swap3A_929 = arith.constant 80 : index
      %swap3A_930 = tpu.vector_load %arg10[%swap3A_927, %swap3A_928, %swap3A_929] {strides = array<i32>} : memref<3x80x128xf32, #tpu.memory_space<vmem>>, vector<16xf32>,
      tpu.vector_store %arg10[%swap3A_927, %swap3A_928, %swap3A_929], %broadcast_in_dim3A_925 {strides = array<i32>} : memref<3x80x128xf32, #tpu.memory_space<vmem>>, vector<16xf32>,
      %broadcast_in_dim3A_931 = arith.constant 0.000000e+00 : f32
      %broadcast_in_dim3A_932 = vector.broadcast %broadcast_in_dim3A_931 : f32 to vector<16xf32>
      %swap3A_933 = arith.constant 0 : i32
      %swap3A_934 = arith.index_cast %swap3A_933 : i32 to index
      %swap3A_935 = arith.index_cast %scan3A_888 : i32 to index
      %swap3A_936 = arith.constant 96 : index
      %swap3A_937 = tpu.vector_load %arg10[%swap3A_934, %swap3A_935, %swap3A_936] {strides = array<i32>} : memref<3x80x128xf32, #tpu.memory_space<vmem>>, vector<16xf32>,
      tpu.vector_store %arg10[%swap3A_934, %swap3A_935, %swap3A_936], %broadcast_in_dim3A_932 {strides = array<i32>} : memref<3x80x128xf32, #tpu.memory_space<vmem>>, vector<16xf32>,
      %broadcast_in_dim3A_938 = arith.constant 0.000000e+00 : f32
      %broadcast_in_dim3A_939 = vector.broadcast %broadcast_in_dim3A_938 : f32 to vector<16xf32>
      %swap3A_940 = arith.constant 0 : i32
      %swap3A_941 = arith.index_cast %swap3A_940 : i32 to index
      %swap3A_942 = arith.index_cast %scan3A_888 : i32 to index
      %swap3A_943 = arith.constant 112 : index
      %swap3A_944 = tpu.vector_load %arg10[%swap3A_941, %swap3A_942, %swap3A_943] {strides = array<i32>} : memref<3x80x128xf32, #tpu.memory_space<vmem>>, vector<16xf32>,
      tpu.vector_store %arg10[%swap3A_941, %swap3A_942, %swap3A_943], %broadcast_in_dim3A_939 {strides = array<i32>} : memref<3x80x128xf32, #tpu.memory_space<vmem>>, vector<16xf32>,
    }
    %scan3A_3 = arith.constant 80 : i32
    %scan3A_4 = arith.constant 0 : i32
    %scan3A_5 = arith.constant 80 : i32
    %scan3A_6 = arith.addi %scan3A_4, %scan3A_5 : i32
    %scan3A_7 = arith.constant 1 : i32
    scf.for %scan3A_888 = %scan3A_4 to %scan3A_6 step %scan3A_7  : i32 {
      %broadcast_in_dim3A_889 = arith.constant 0.000000e+00 : f32
      %broadcast_in_dim3A_890 = vector.broadcast %broadcast_in_dim3A_889 : f32 to vector<16xf32>
      %swap3A_891 = arith.index_cast %scan3A_888 : i32 to index
      %swap3A_892 = arith.constant 0 : index
      %swap3A_893 = tpu.vector_load %arg11[%swap3A_891, %swap3A_892] {strides = array<i32>} : memref<80x128xf32, #tpu.memory_space<vmem>>, vector<16xf32>,
      tpu.vector_store %arg11[%swap3A_891, %swap3A_892], %broadcast_in_dim3A_890 {strides = array<i32>} : memref<80x128xf32, #tpu.memory_space<vmem>>, vector<16xf32>,
      %broadcast_in_dim3A_894 = arith.constant 0.000000e+00 : f32
      %broadcast_in_dim3A_895 = vector.broadcast %broadcast_in_dim3A_894 : f32 to vector<16xf32>
      %swap3A_896 = arith.index_cast %scan3A_888 : i32 to index
      %swap3A_897 = arith.constant 16 : index
      %swap3A_898 = tpu.vector_load %arg11[%swap3A_896, %swap3A_897] {strides = array<i32>} : memref<80x128xf32, #tpu.memory_space<vmem>>, vector<16xf32>,
      tpu.vector_store %arg11[%swap3A_896, %swap3A_897], %broadcast_in_dim3A_895 {strides = array<i32>} : memref<80x128xf32, #tpu.memory_space<vmem>>, vector<16xf32>,
      %broadcast_in_dim3A_899 = arith.constant 0.000000e+00 : f32
      %broadcast_in_dim3A_900 = vector.broadcast %broadcast_in_dim3A_899 : f32 to vector<16xf32>
      %swap3A_901 = arith.index_cast %scan3A_888 : i32 to index
      %swap3A_902 = arith.constant 32 : index
      %swap3A_903 = tpu.vector_load %arg11[%swap3A_901, %swap3A_902] {strides = array<i32>} : memref<80x128xf32, #tpu.memory_space<vmem>>, vector<16xf32>,
      tpu.vector_store %arg11[%swap3A_901, %swap3A_902], %broadcast_in_dim3A_900 {strides = array<i32>} : memref<80x128xf32, #tpu.memory_space<vmem>>, vector<16xf32>,
      %broadcast_in_dim3A_904 = arith.constant 0.000000e+00 : f32
      %broadcast_in_dim3A_905 = vector.broadcast %broadcast_in_dim3A_904 : f32 to vector<16xf32>
      %swap3A_906 = arith.index_cast %scan3A_888 : i32 to index
      %swap3A_907 = arith.constant 48 : index
      %swap3A_908 = tpu.vector_load %arg11[%swap3A_906, %swap3A_907] {strides = array<i32>} : memref<80x128xf32, #tpu.memory_space<vmem>>, vector<16xf32>,
      tpu.vector_store %arg11[%swap3A_906, %swap3A_907], %broadcast_in_dim3A_905 {strides = array<i32>} : memref<80x128xf32, #tpu.memory_space<vmem>>, vector<16xf32>,
      %broadcast_in_dim3A_909 = arith.constant 0.000000e+00 : f32
      %broadcast_in_dim3A_910 = vector.broadcast %broadcast_in_dim3A_909 : f32 to vector<16xf32>
      %swap3A_911 = arith.index_cast %scan3A_888 : i32 to index
      %swap3A_912 = arith.constant 64 : index
      %swap3A_913 = tpu.vector_load %arg11[%swap3A_911, %swap3A_912] {strides = array<i32>} : memref<80x128xf32, #tpu.memory_space<vmem>>, vector<16xf32>,
      tpu.vector_store %arg11[%swap3A_911, %swap3A_912], %broadcast_in_dim3A_910 {strides = array<i32>} : memref<80x128xf32, #tpu.memory_space<vmem>>, vector<16xf32>,
      %broadcast_in_dim3A_914 = arith.constant 0.000000e+00 : f32
      %broadcast_in_dim3A_915 = vector.broadcast %broadcast_in_dim3A_914 : f32 to vector<16xf32>
      %swap3A_916 = arith.index_cast %scan3A_888 : i32 to index
      %swap3A_917 = arith.constant 80 : index
      %swap3A_918 = tpu.vector_load %arg11[%swap3A_916, %swap3A_917] {strides = array<i32>} : memref<80x128xf32, #tpu.memory_space<vmem>>, vector<16xf32>,
      tpu.vector_store %arg11[%swap3A_916, %swap3A_917], %broadcast_in_dim3A_915 {strides = array<i32>} : memref<80x128xf32, #tpu.memory_space<vmem>>, vector<16xf32>,
      %broadcast_in_dim3A_919 = arith.constant 0.000000e+00 : f32
      %broadcast_in_dim3A_920 = vector.broadcast %broadcast_in_dim3A_919 : f32 to vector<16xf32>
      %swap3A_921 = arith.index_cast %scan3A_888 : i32 to index
      %swap3A_922 = arith.constant 96 : index
      %swap3A_923 = tpu.vector_load %arg11[%swap3A_921, %swap3A_922] {strides = array<i32>} : memref<80x128xf32, #tpu.memory_space<vmem>>, vector<16xf32>,
      tpu.vector_store %arg11[%swap3A_921, %swap3A_922], %broadcast_in_dim3A_920 {strides = array<i32>} : memref<80x128xf32, #tpu.memory_space<vmem>>, vector<16xf32>,
      %broadcast_in_dim3A_924 = arith.constant 0.000000e+00 : f32
      %broadcast_in_dim3A_925 = vector.broadcast %broadcast_in_dim3A_924 : f32 to vector<16xf32>
      %swap3A_926 = arith.index_cast %scan3A_888 : i32 to index
      %swap3A_927 = arith.constant 112 : index
      %swap3A_928 = tpu.vector_load %arg11[%swap3A_926, %swap3A_927] {strides = array<i32>} : memref<80x128xf32, #tpu.memory_space<vmem>>, vector<16xf32>,
      tpu.vector_store %arg11[%swap3A_926, %swap3A_927], %broadcast_in_dim3A_925 {strides = array<i32>} : memref<80x128xf32, #tpu.memory_space<vmem>>, vector<16xf32>,
    }
    %scan3A_8 = arith.constant 80 : i32
    %iota3A = tpu.iota {dimensions = array<i32: 0>} : vector<16xi32>
    %add3A = arith.constant 0 : i32
    %add3A_9 = vector.broadcast %add3A : i32 to vector<16xi32>
    %add3A_10 = arith.addi %iota3A, %add3A_9 : vector<16xi32>
    %swap3A = arith.constant 0 : index
    %swap3A_11 = tpu.vector_load %arg12[%swap3A] {strides = array<i32>} : memref<80xi32, #tpu.memory_space<vmem>>, vector<16xi32>,
    tpu.vector_store %arg12[%swap3A], %add3A_10 {strides = array<i32>} : memref<80xi32, #tpu.memory_space<vmem>>, vector<16xi32>,
    %iota3A_12 = tpu.iota {dimensions = array<i32: 0>} : vector<16xi32>
    %add3A_13 = arith.constant 16 : i32
    %add3A_14 = vector.broadcast %add3A_13 : i32 to vector<16xi32>
    %add3A_15 = arith.addi %iota3A_12, %add3A_14 : vector<16xi32>
    %swap3A_16 = arith.constant 16 : index
    %swap3A_17 = tpu.vector_load %arg12[%swap3A_16] {strides = array<i32>} : memref<80xi32, #tpu.memory_space<vmem>>, vector<16xi32>,
    tpu.vector_store %arg12[%swap3A_16], %add3A_15 {strides = array<i32>} : memref<80xi32, #tpu.memory_space<vmem>>, vector<16xi32>,
    %iota3A_18 = tpu.iota {dimensions = array<i32: 0>} : vector<16xi32>
    %add3A_19 = arith.constant 32 : i32
    %add3A_20 = vector.broadcast %add3A_19 : i32 to vector<16xi32>
    %add3A_21 = arith.addi %iota3A_18, %add3A_20 : vector<16xi32>
    %swap3A_22 = arith.constant 32 : index
    %swap3A_23 = tpu.vector_load %arg12[%swap3A_22] {strides = array<i32>} : memref<80xi32, #tpu.memory_space<vmem>>, vector<16xi32>,
    tpu.vector_store %arg12[%swap3A_22], %add3A_21 {strides = array<i32>} : memref<80xi32, #tpu.memory_space<vmem>>, vector<16xi32>,
    %iota3A_24 = tpu.iota {dimensions = array<i32: 0>} : vector<16xi32>
    %add3A_25 = arith.constant 48 : i32
    %add3A_26 = vector.broadcast %add3A_25 : i32 to vector<16xi32>
    %add3A_27 = arith.addi %iota3A_24, %add3A_26 : vector<16xi32>
    %swap3A_28 = arith.constant 48 : index
    %swap3A_29 = tpu.vector_load %arg12[%swap3A_28] {strides = array<i32>} : memref<80xi32, #tpu.memory_space<vmem>>, vector<16xi32>,
    tpu.vector_store %arg12[%swap3A_28], %add3A_27 {strides = array<i32>} : memref<80xi32, #tpu.memory_space<vmem>>, vector<16xi32>,
    %iota3A_30 = tpu.iota {dimensions = array<i32: 0>} : vector<16xi32>
    %add3A_31 = arith.constant 64 : i32
    %add3A_32 = vector.broadcast %add3A_31 : i32 to vector<16xi32>
    %add3A_33 = arith.addi %iota3A_30, %add3A_32 : vector<16xi32>
    %swap3A_34 = arith.constant 64 : index
    %swap3A_35 = tpu.vector_load %arg12[%swap3A_34] {strides = array<i32>} : memref<80xi32, #tpu.memory_space<vmem>>, vector<16xi32>,
    tpu.vector_store %arg12[%swap3A_34], %add3A_33 {strides = array<i32>} : memref<80xi32, #tpu.memory_space<vmem>>, vector<16xi32>,
    %mul3A = arith.constant 640 : i32
    %mul3A_36 = arith.muli %arg1, %mul3A : i32
    %add3A_37 = arith.constant 0 : i32
    %add3A_38 = arith.addi %mul3A_36, %add3A_37 : i32
    %run_scoped3A = arith.constant 0 : i32
    "tpu.region"() ({
      %run_scoped3A_888 = tpu.sem_alloc : memref<!tpu.dma_semaphore, #tpu.memory_space<semaphore_mem>>
      %dma_start3A_889 = arith.constant 0 : i32
      %dma_start3A_890 = arith.constant 0 : i32
      %dma_start3A_891 = tpu.memref_slice %arg10[%run_scoped3A, %dma_start3A_889, %dma_start3A_890] : memref<3x80x128xf32, #tpu.memory_space<vmem>> -> memref<1x80x128xf32, #tpu.memory_space<vmem>>
      %dma_start3A_892 = tpu.memref_squeeze %dma_start3A_891 : memref<1x80x128xf32, #tpu.memory_space<vmem>> -> memref<80x128xf32, #tpu.memory_space<vmem>>
      %dma_start3A_893 = arith.constant 0 : i32
      %dma_start3A_894 = tpu.memref_slice %arg6[%add3A_38, %dma_start3A_893] : memref<10240x128xf32, #tpu.memory_space<vmem_shared>> -> memref<80x128xf32, #tpu.memory_space<vmem_shared>>
      %dma_start3A_895 = arith.constant 0 : i32
      %dma_start3A_896 = tpu.memref_slice %arg6[%add3A_38, %dma_start3A_895] : memref<10240x128xf32, #tpu.memory_space<vmem_shared>> -> memref<80x128xf32, #tpu.memory_space<vmem_shared>>
      %dma_start3A_897 = arith.constant 0 : i32
      %dma_start3A_898 = arith.constant 0 : i32
      %dma_start3A_899 = tpu.memref_slice %arg10[%run_scoped3A, %dma_start3A_897, %dma_start3A_898] : memref<3x80x128xf32, #tpu.memory_space<vmem>> -> memref<1x80x128xf32, #tpu.memory_space<vmem>>
      %dma_start3A_900 = tpu.memref_squeeze %dma_start3A_899 : memref<1x80x128xf32, #tpu.memory_space<vmem>> -> memref<80x128xf32, #tpu.memory_space<vmem>>
      tpu.enqueue_dma source(%dma_start3A_900 : memref<80x128xf32, #tpu.memory_space<vmem>>) target(%dma_start3A_896 : memref<80x128xf32, #tpu.memory_space<vmem_shared>>) target_semaphore(%run_scoped3A_888 : memref<!tpu.dma_semaphore, #tpu.memory_space<semaphore_mem>>)
      %dma_wait3A_901 = arith.constant 0 : i32
      %dma_wait3A_902 = arith.constant 0 : i32
      %dma_wait3A_903 = tpu.memref_slice %arg10[%run_scoped3A, %dma_wait3A_901, %dma_wait3A_902] : memref<3x80x128xf32, #tpu.memory_space<vmem>> -> memref<1x80x128xf32, #tpu.memory_space<vmem>>
      %dma_wait3A_904 = tpu.memref_squeeze %dma_wait3A_903 : memref<1x80x128xf32, #tpu.memory_space<vmem>> -> memref<80x128xf32, #tpu.memory_space<vmem>>
      %dma_wait3A_905 = arith.constant 0 : i32
      %dma_wait3A_906 = tpu.memref_slice %arg6[%add3A_38, %dma_wait3A_905] : memref<10240x128xf32, #tpu.memory_space<vmem_shared>> -> memref<80x128xf32, #tpu.memory_space<vmem_shared>>
      %dma_wait3A_907 = arith.constant 0 : i32
      %dma_wait3A_908 = tpu.memref_slice %arg6[%add3A_38, %dma_wait3A_907] : memref<10240x128xf32, #tpu.memory_space<vmem_shared>> -> memref<80x128xf32, #tpu.memory_space<vmem_shared>>
      %dma_wait3A_909 = arith.constant 0 : i32
      %dma_wait3A_910 = arith.constant 0 : i32
      %dma_wait3A_911 = tpu.memref_slice %arg10[%run_scoped3A, %dma_wait3A_909, %dma_wait3A_910] : memref<3x80x128xf32, #tpu.memory_space<vmem>> -> memref<1x80x128xf32, #tpu.memory_space<vmem>>
      %dma_wait3A_912 = tpu.memref_squeeze %dma_wait3A_911 : memref<1x80x128xf32, #tpu.memory_space<vmem>> -> memref<80x128xf32, #tpu.memory_space<vmem>>
      tpu.wait_dma2 semaphore(%run_scoped3A_888 : memref<!tpu.dma_semaphore, #tpu.memory_space<semaphore_mem>>) src(%dma_wait3A_912 : memref<80x128xf32, #tpu.memory_space<vmem>>) dst(%dma_wait3A_908 : memref<80x128xf32, #tpu.memory_space<vmem_shared>>)
      tpu.yield
    }) : () -> ()
    %mul3A_39 = arith.constant 640 : i32
    %mul3A_40 = arith.muli %arg1, %mul3A_39 : i32
    %add3A_41 = arith.constant 80 : i32
    %add3A_42 = arith.addi %mul3A_40, %add3A_41 : i32
    %run_scoped3A_43 = arith.constant 0 : i32
    "tpu.region"() ({
      %run_scoped3A_888 = tpu.sem_alloc : memref<!tpu.dma_semaphore, #tpu.memory_space<semaphore_mem>>
      %dma_start3A_889 = arith.constant 0 : i32
      %dma_start3A_890 = arith.constant 0 : i32
      %dma_start3A_891 = tpu.memref_slice %arg10[%run_scoped3A_43, %dma_start3A_889, %dma_start3A_890] : memref<3x80x128xf32, #tpu.memory_space<vmem>> -> memref<1x80x128xf32, #tpu.memory_space<vmem>>
      %dma_start3A_892 = tpu.memref_squeeze %dma_start3A_891 : memref<1x80x128xf32, #tpu.memory_space<vmem>> -> memref<80x128xf32, #tpu.memory_space<vmem>>
      %dma_start3A_893 = arith.constant 0 : i32
      %dma_start3A_894 = tpu.memref_slice %arg6[%add3A_42, %dma_start3A_893] : memref<10240x128xf32, #tpu.memory_space<vmem_shared>> -> memref<80x128xf32, #tpu.memory_space<vmem_shared>>
      %dma_start3A_895 = arith.constant 0 : i32
      %dma_start3A_896 = tpu.memref_slice %arg6[%add3A_42, %dma_start3A_895] : memref<10240x128xf32, #tpu.memory_space<vmem_shared>> -> memref<80x128xf32, #tpu.memory_space<vmem_shared>>
      %dma_start3A_897 = arith.constant 0 : i32
      %dma_start3A_898 = arith.constant 0 : i32
      %dma_start3A_899 = tpu.memref_slice %arg10[%run_scoped3A_43, %dma_start3A_897, %dma_start3A_898] : memref<3x80x128xf32, #tpu.memory_space<vmem>> -> memref<1x80x128xf32, #tpu.memory_space<vmem>>
      %dma_start3A_900 = tpu.memref_squeeze %dma_start3A_899 : memref<1x80x128xf32, #tpu.memory_space<vmem>> -> memref<80x128xf32, #tpu.memory_space<vmem>>
      tpu.enqueue_dma source(%dma_start3A_900 : memref<80x128xf32, #tpu.memory_space<vmem>>) target(%dma_start3A_896 : memref<80x128xf32, #tpu.memory_space<vmem_shared>>) target_semaphore(%run_scoped3A_888 : memref<!tpu.dma_semaphore, #tpu.memory_space<semaphore_mem>>)
      %dma_wait3A_901 = arith.constant 0 : i32
      %dma_wait3A_902 = arith.constant 0 : i32
      %dma_wait3A_903 = tpu.memref_slice %arg10[%run_scoped3A_43, %dma_wait3A_901, %dma_wait3A_902] : memref<3x80x128xf32, #tpu.memory_space<vmem>> -> memref<1x80x128xf32, #tpu.memory_space<vmem>>
      %dma_wait3A_904 = tpu.memref_squeeze %dma_wait3A_903 : memref<1x80x128xf32, #tpu.memory_space<vmem>> -> memref<80x128xf32, #tpu.memory_space<vmem>>
      %dma_wait3A_905 = arith.constant 0 : i32
      %dma_wait3A_906 = tpu.memref_slice %arg6[%add3A_42, %dma_wait3A_905] : memref<10240x128xf32, #tpu.memory_space<vmem_shared>> -> memref<80x128xf32, #tpu.memory_space<vmem_shared>>
      %dma_wait3A_907 = arith.constant 0 : i32
      %dma_wait3A_908 = tpu.memref_slice %arg6[%add3A_42, %dma_wait3A_907] : memref<10240x128xf32, #tpu.memory_space<vmem_shared>> -> memref<80x128xf32, #tpu.memory_space<vmem_shared>>
      %dma_wait3A_909 = arith.constant 0 : i32
      %dma_wait3A_910 = arith.constant 0 : i32
      %dma_wait3A_911 = tpu.memref_slice %arg10[%run_scoped3A_43, %dma_wait3A_909, %dma_wait3A_910] : memref<3x80x128xf32, #tpu.memory_space<vmem>> -> memref<1x80x128xf32, #tpu.memory_space<vmem>>
      %dma_wait3A_912 = tpu.memref_squeeze %dma_wait3A_911 : memref<1x80x128xf32, #tpu.memory_space<vmem>> -> memref<80x128xf32, #tpu.memory_space<vmem>>
      tpu.wait_dma2 semaphore(%run_scoped3A_888 : memref<!tpu.dma_semaphore, #tpu.memory_space<semaphore_mem>>) src(%dma_wait3A_912 : memref<80x128xf32, #tpu.memory_space<vmem>>) dst(%dma_wait3A_908 : memref<80x128xf32, #tpu.memory_space<vmem_shared>>)
      tpu.yield
    }) : () -> ()
    %mul3A_44 = arith.constant 640 : i32
    %mul3A_45 = arith.muli %arg1, %mul3A_44 : i32
    %add3A_46 = arith.constant 160 : i32
    %add3A_47 = arith.addi %mul3A_45, %add3A_46 : i32
    %run_scoped3A_48 = arith.constant 0 : i32
    "tpu.region"() ({
      %run_scoped3A_888 = tpu.sem_alloc : memref<!tpu.dma_semaphore, #tpu.memory_space<semaphore_mem>>
      %dma_start3A_889 = arith.constant 0 : i32
      %dma_start3A_890 = arith.constant 0 : i32
      %dma_start3A_891 = tpu.memref_slice %arg10[%run_scoped3A_48, %dma_start3A_889, %dma_start3A_890] : memref<3x80x128xf32, #tpu.memory_space<vmem>> -> memref<1x80x128xf32, #tpu.memory_space<vmem>>
      %dma_start3A_892 = tpu.memref_squeeze %dma_start3A_891 : memref<1x80x128xf32, #tpu.memory_space<vmem>> -> memref<80x128xf32, #tpu.memory_space<vmem>>
      %dma_start3A_893 = arith.constant 0 : i32
      %dma_start3A_894 = tpu.memref_slice %arg6[%add3A_47, %dma_start3A_893] : memref<10240x128xf32, #tpu.memory_space<vmem_shared>> -> memref<80x128xf32, #tpu.memory_space<vmem_shared>>
      %dma_start3A_895 = arith.constant 0 : i32
      %dma_start3A_896 = tpu.memref_slice %arg6[%add3A_47, %dma_start3A_895] : memref<10240x128xf32, #tpu.memory_space<vmem_shared>> -> memref<80x128xf32, #tpu.memory_space<vmem_shared>>
      %dma_start3A_897 = arith.constant 0 : i32
      %dma_start3A_898 = arith.constant 0 : i32
      %dma_start3A_899 = tpu.memref_slice %arg10[%run_scoped3A_48, %dma_start3A_897, %dma_start3A_898] : memref<3x80x128xf32, #tpu.memory_space<vmem>> -> memref<1x80x128xf32, #tpu.memory_space<vmem>>
      %dma_start3A_900 = tpu.memref_squeeze %dma_start3A_899 : memref<1x80x128xf32, #tpu.memory_space<vmem>> -> memref<80x128xf32, #tpu.memory_space<vmem>>
      tpu.enqueue_dma source(%dma_start3A_900 : memref<80x128xf32, #tpu.memory_space<vmem>>) target(%dma_start3A_896 : memref<80x128xf32, #tpu.memory_space<vmem_shared>>) target_semaphore(%run_scoped3A_888 : memref<!tpu.dma_semaphore, #tpu.memory_space<semaphore_mem>>)
      %dma_wait3A_901 = arith.constant 0 : i32
      %dma_wait3A_902 = arith.constant 0 : i32
      %dma_wait3A_903 = tpu.memref_slice %arg10[%run_scoped3A_48, %dma_wait3A_901, %dma_wait3A_902] : memref<3x80x128xf32, #tpu.memory_space<vmem>> -> memref<1x80x128xf32, #tpu.memory_space<vmem>>
      %dma_wait3A_904 = tpu.memref_squeeze %dma_wait3A_903 : memref<1x80x128xf32, #tpu.memory_space<vmem>> -> memref<80x128xf32, #tpu.memory_space<vmem>>
      %dma_wait3A_905 = arith.constant 0 : i32
      %dma_wait3A_906 = tpu.memref_slice %arg6[%add3A_47, %dma_wait3A_905] : memref<10240x128xf32, #tpu.memory_space<vmem_shared>> -> memref<80x128xf32, #tpu.memory_space<vmem_shared>>
      %dma_wait3A_907 = arith.constant 0 : i32
      %dma_wait3A_908 = tpu.memref_slice %arg6[%add3A_47, %dma_wait3A_907] : memref<10240x128xf32, #tpu.memory_space<vmem_shared>> -> memref<80x128xf32, #tpu.memory_space<vmem_shared>>
      %dma_wait3A_909 = arith.constant 0 : i32
      %dma_wait3A_910 = arith.constant 0 : i32
      %dma_wait3A_911 = tpu.memref_slice %arg10[%run_scoped3A_48, %dma_wait3A_909, %dma_wait3A_910] : memref<3x80x128xf32, #tpu.memory_space<vmem>> -> memref<1x80x128xf32, #tpu.memory_space<vmem>>
      %dma_wait3A_912 = tpu.memref_squeeze %dma_wait3A_911 : memref<1x80x128xf32, #tpu.memory_space<vmem>> -> memref<80x128xf32, #tpu.memory_space<vmem>>
      tpu.wait_dma2 semaphore(%run_scoped3A_888 : memref<!tpu.dma_semaphore, #tpu.memory_space<semaphore_mem>>) src(%dma_wait3A_912 : memref<80x128xf32, #tpu.memory_space<vmem>>) dst(%dma_wait3A_908 : memref<80x128xf32, #tpu.memory_space<vmem_shared>>)
      tpu.yield
    }) : () -> ()
    %mul3A_49 = arith.constant 640 : i32
    %mul3A_50 = arith.muli %arg1, %mul3A_49 : i32
    %add3A_51 = arith.constant 240 : i32
    %add3A_52 = arith.addi %mul3A_50, %add3A_51 : i32
    %run_scoped3A_53 = arith.constant 0 : i32
    "tpu.region"() ({
      %run_scoped3A_888 = tpu.sem_alloc : memref<!tpu.dma_semaphore, #tpu.memory_space<semaphore_mem>>
      %dma_start3A_889 = arith.constant 0 : i32
      %dma_start3A_890 = arith.constant 0 : i32
      %dma_start3A_891 = tpu.memref_slice %arg10[%run_scoped3A_53, %dma_start3A_889, %dma_start3A_890] : memref<3x80x128xf32, #tpu.memory_space<vmem>> -> memref<1x80x128xf32, #tpu.memory_space<vmem>>
      %dma_start3A_892 = tpu.memref_squeeze %dma_start3A_891 : memref<1x80x128xf32, #tpu.memory_space<vmem>> -> memref<80x128xf32, #tpu.memory_space<vmem>>
      %dma_start3A_893 = arith.constant 0 : i32
      %dma_start3A_894 = tpu.memref_slice %arg6[%add3A_52, %dma_start3A_893] : memref<10240x128xf32, #tpu.memory_space<vmem_shared>> -> memref<80x128xf32, #tpu.memory_space<vmem_shared>>
      %dma_start3A_895 = arith.constant 0 : i32
      %dma_start3A_896 = tpu.memref_slice %arg6[%add3A_52, %dma_start3A_895] : memref<10240x128xf32, #tpu.memory_space<vmem_shared>> -> memref<80x128xf32, #tpu.memory_space<vmem_shared>>
      %dma_start3A_897 = arith.constant 0 : i32
      %dma_start3A_898 = arith.constant 0 : i32
      %dma_start3A_899 = tpu.memref_slice %arg10[%run_scoped3A_53, %dma_start3A_897, %dma_start3A_898] : memref<3x80x128xf32, #tpu.memory_space<vmem>> -> memref<1x80x128xf32, #tpu.memory_space<vmem>>
      %dma_start3A_900 = tpu.memref_squeeze %dma_start3A_899 : memref<1x80x128xf32, #tpu.memory_space<vmem>> -> memref<80x128xf32, #tpu.memory_space<vmem>>
      tpu.enqueue_dma source(%dma_start3A_900 : memref<80x128xf32, #tpu.memory_space<vmem>>) target(%dma_start3A_896 : memref<80x128xf32, #tpu.memory_space<vmem_shared>>) target_semaphore(%run_scoped3A_888 : memref<!tpu.dma_semaphore, #tpu.memory_space<semaphore_mem>>)
      %dma_wait3A_901 = arith.constant 0 : i32
      %dma_wait3A_902 = arith.constant 0 : i32
      %dma_wait3A_903 = tpu.memref_slice %arg10[%run_scoped3A_53, %dma_wait3A_901, %dma_wait3A_902] : memref<3x80x128xf32, #tpu.memory_space<vmem>> -> memref<1x80x128xf32, #tpu.memory_space<vmem>>
      %dma_wait3A_904 = tpu.memref_squeeze %dma_wait3A_903 : memref<1x80x128xf32, #tpu.memory_space<vmem>> -> memref<80x128xf32, #tpu.memory_space<vmem>>
      %dma_wait3A_905 = arith.constant 0 : i32
      %dma_wait3A_906 = tpu.memref_slice %arg6[%add3A_52, %dma_wait3A_905] : memref<10240x128xf32, #tpu.memory_space<vmem_shared>> -> memref<80x128xf32, #tpu.memory_space<vmem_shared>>
      %dma_wait3A_907 = arith.constant 0 : i32
      %dma_wait3A_908 = tpu.memref_slice %arg6[%add3A_52, %dma_wait3A_907] : memref<10240x128xf32, #tpu.memory_space<vmem_shared>> -> memref<80x128xf32, #tpu.memory_space<vmem_shared>>
      %dma_wait3A_909 = arith.constant 0 : i32
      %dma_wait3A_910 = arith.constant 0 : i32
      %dma_wait3A_911 = tpu.memref_slice %arg10[%run_scoped3A_53, %dma_wait3A_909, %dma_wait3A_910] : memref<3x80x128xf32, #tpu.memory_space<vmem>> -> memref<1x80x128xf32, #tpu.memory_space<vmem>>
      %dma_wait3A_912 = tpu.memref_squeeze %dma_wait3A_911 : memref<1x80x128xf32, #tpu.memory_space<vmem>> -> memref<80x128xf32, #tpu.memory_space<vmem>>
      tpu.wait_dma2 semaphore(%run_scoped3A_888 : memref<!tpu.dma_semaphore, #tpu.memory_space<semaphore_mem>>) src(%dma_wait3A_912 : memref<80x128xf32, #tpu.memory_space<vmem>>) dst(%dma_wait3A_908 : memref<80x128xf32, #tpu.memory_space<vmem_shared>>)
      tpu.yield
    }) : () -> ()
    %mul3A_54 = arith.constant 640 : i32
    %mul3A_55 = arith.muli %arg1, %mul3A_54 : i32
    %add3A_56 = arith.constant 320 : i32
    %add3A_57 = arith.addi %mul3A_55, %add3A_56 : i32
    %run_scoped3A_58 = arith.constant 0 : i32
    "tpu.region"() ({
      %run_scoped3A_888 = tpu.sem_alloc : memref<!tpu.dma_semaphore, #tpu.memory_space<semaphore_mem>>
      %dma_start3A_889 = arith.constant 0 : i32
      %dma_start3A_890 = arith.constant 0 : i32
      %dma_start3A_891 = tpu.memref_slice %arg10[%run_scoped3A_58, %dma_start3A_889, %dma_start3A_890] : memref<3x80x128xf32, #tpu.memory_space<vmem>> -> memref<1x80x128xf32, #tpu.memory_space<vmem>>
      %dma_start3A_892 = tpu.memref_squeeze %dma_start3A_891 : memref<1x80x128xf32, #tpu.memory_space<vmem>> -> memref<80x128xf32, #tpu.memory_space<vmem>>
      %dma_start3A_893 = arith.constant 0 : i32
      %dma_start3A_894 = tpu.memref_slice %arg6[%add3A_57, %dma_start3A_893] : memref<10240x128xf32, #tpu.memory_space<vmem_shared>> -> memref<80x128xf32, #tpu.memory_space<vmem_shared>>
      %dma_start3A_895 = arith.constant 0 : i32
      %dma_start3A_896 = tpu.memref_slice %arg6[%add3A_57, %dma_start3A_895] : memref<10240x128xf32, #tpu.memory_space<vmem_shared>> -> memref<80x128xf32, #tpu.memory_space<vmem_shared>>
      %dma_start3A_897 = arith.constant 0 : i32
      %dma_start3A_898 = arith.constant 0 : i32
      %dma_start3A_899 = tpu.memref_slice %arg10[%run_scoped3A_58, %dma_start3A_897, %dma_start3A_898] : memref<3x80x128xf32, #tpu.memory_space<vmem>> -> memref<1x80x128xf32, #tpu.memory_space<vmem>>
      %dma_start3A_900 = tpu.memref_squeeze %dma_start3A_899 : memref<1x80x128xf32, #tpu.memory_space<vmem>> -> memref<80x128xf32, #tpu.memory_space<vmem>>
      tpu.enqueue_dma source(%dma_start3A_900 : memref<80x128xf32, #tpu.memory_space<vmem>>) target(%dma_start3A_896 : memref<80x128xf32, #tpu.memory_space<vmem_shared>>) target_semaphore(%run_scoped3A_888 : memref<!tpu.dma_semaphore, #tpu.memory_space<semaphore_mem>>)
      %dma_wait3A_901 = arith.constant 0 : i32
      %dma_wait3A_902 = arith.constant 0 : i32
      %dma_wait3A_903 = tpu.memref_slice %arg10[%run_scoped3A_58, %dma_wait3A_901, %dma_wait3A_902] : memref<3x80x128xf32, #tpu.memory_space<vmem>> -> memref<1x80x128xf32, #tpu.memory_space<vmem>>
      %dma_wait3A_904 = tpu.memref_squeeze %dma_wait3A_903 : memref<1x80x128xf32, #tpu.memory_space<vmem>> -> memref<80x128xf32, #tpu.memory_space<vmem>>
      %dma_wait3A_905 = arith.constant 0 : i32
      %dma_wait3A_906 = tpu.memref_slice %arg6[%add3A_57, %dma_wait3A_905] : memref<10240x128xf32, #tpu.memory_space<vmem_shared>> -> memref<80x128xf32, #tpu.memory_space<vmem_shared>>
      %dma_wait3A_907 = arith.constant 0 : i32
      %dma_wait3A_908 = tpu.memref_slice %arg6[%add3A_57, %dma_wait3A_907] : memref<10240x128xf32, #tpu.memory_space<vmem_shared>> -> memref<80x128xf32, #tpu.memory_space<vmem_shared>>
      %dma_wait3A_909 = arith.constant 0 : i32
      %dma_wait3A_910 = arith.constant 0 : i32
      %dma_wait3A_911 = tpu.memref_slice %arg10[%run_scoped3A_58, %dma_wait3A_909, %dma_wait3A_910] : memref<3x80x128xf32, #tpu.memory_space<vmem>> -> memref<1x80x128xf32, #tpu.memory_space<vmem>>
      %dma_wait3A_912 = tpu.memref_squeeze %dma_wait3A_911 : memref<1x80x128xf32, #tpu.memory_space<vmem>> -> memref<80x128xf32, #tpu.memory_space<vmem>>
      tpu.wait_dma2 semaphore(%run_scoped3A_888 : memref<!tpu.dma_semaphore, #tpu.memory_space<semaphore_mem>>) src(%dma_wait3A_912 : memref<80x128xf32, #tpu.memory_space<vmem>>) dst(%dma_wait3A_908 : memref<80x128xf32, #tpu.memory_space<vmem_shared>>)
      tpu.yield
    }) : () -> ()
    %mul3A_59 = arith.constant 640 : i32
    %mul3A_60 = arith.muli %arg1, %mul3A_59 : i32
    %add3A_61 = arith.constant 400 : i32
    %add3A_62 = arith.addi %mul3A_60, %add3A_61 : i32
    %run_scoped3A_63 = arith.constant 0 : i32
    "tpu.region"() ({
      %run_scoped3A_888 = tpu.sem_alloc : memref<!tpu.dma_semaphore, #tpu.memory_space<semaphore_mem>>
      %dma_start3A_889 = arith.constant 0 : i32
      %dma_start3A_890 = arith.constant 0 : i32
      %dma_start3A_891 = tpu.memref_slice %arg10[%run_scoped3A_63, %dma_start3A_889, %dma_start3A_890] : memref<3x80x128xf32, #tpu.memory_space<vmem>> -> memref<1x80x128xf32, #tpu.memory_space<vmem>>
      %dma_start3A_892 = tpu.memref_squeeze %dma_start3A_891 : memref<1x80x128xf32, #tpu.memory_space<vmem>> -> memref<80x128xf32, #tpu.memory_space<vmem>>
      %dma_start3A_893 = arith.constant 0 : i32
      %dma_start3A_894 = tpu.memref_slice %arg6[%add3A_62, %dma_start3A_893] : memref<10240x128xf32, #tpu.memory_space<vmem_shared>> -> memref<80x128xf32, #tpu.memory_space<vmem_shared>>
      %dma_start3A_895 = arith.constant 0 : i32
      %dma_start3A_896 = tpu.memref_slice %arg6[%add3A_62, %dma_start3A_895] : memref<10240x128xf32, #tpu.memory_space<vmem_shared>> -> memref<80x128xf32, #tpu.memory_space<vmem_shared>>
      %dma_start3A_897 = arith.constant 0 : i32
      %dma_start3A_898 = arith.constant 0 : i32
      %dma_start3A_899 = tpu.memref_slice %arg10[%run_scoped3A_63, %dma_start3A_897, %dma_start3A_898] : memref<3x80x128xf32, #tpu.memory_space<vmem>> -> memref<1x80x128xf32, #tpu.memory_space<vmem>>
      %dma_start3A_900 = tpu.memref_squeeze %dma_start3A_899 : memref<1x80x128xf32, #tpu.memory_space<vmem>> -> memref<80x128xf32, #tpu.memory_space<vmem>>
      tpu.enqueue_dma source(%dma_start3A_900 : memref<80x128xf32, #tpu.memory_space<vmem>>) target(%dma_start3A_896 : memref<80x128xf32, #tpu.memory_space<vmem_shared>>) target_semaphore(%run_scoped3A_888 : memref<!tpu.dma_semaphore, #tpu.memory_space<semaphore_mem>>)
      %dma_wait3A_901 = arith.constant 0 : i32
      %dma_wait3A_902 = arith.constant 0 : i32
      %dma_wait3A_903 = tpu.memref_slice %arg10[%run_scoped3A_63, %dma_wait3A_901, %dma_wait3A_902] : memref<3x80x128xf32, #tpu.memory_space<vmem>> -> memref<1x80x128xf32, #tpu.memory_space<vmem>>
      %dma_wait3A_904 = tpu.memref_squeeze %dma_wait3A_903 : memref<1x80x128xf32, #tpu.memory_space<vmem>> -> memref<80x128xf32, #tpu.memory_space<vmem>>
      %dma_wait3A_905 = arith.constant 0 : i32
      %dma_wait3A_906 = tpu.memref_slice %arg6[%add3A_62, %dma_wait3A_905] : memref<10240x128xf32, #tpu.memory_space<vmem_shared>> -> memref<80x128xf32, #tpu.memory_space<vmem_shared>>
      %dma_wait3A_907 = arith.constant 0 : i32
      %dma_wait3A_908 = tpu.memref_slice %arg6[%add3A_62, %dma_wait3A_907] : memref<10240x128xf32, #tpu.memory_space<vmem_shared>> -> memref<80x128xf32, #tpu.memory_space<vmem_shared>>
      %dma_wait3A_909 = arith.constant 0 : i32
      %dma_wait3A_910 = arith.constant 0 : i32
      %dma_wait3A_911 = tpu.memref_slice %arg10[%run_scoped3A_63, %dma_wait3A_909, %dma_wait3A_910] : memref<3x80x128xf32, #tpu.memory_space<vmem>> -> memref<1x80x128xf32, #tpu.memory_space<vmem>>
      %dma_wait3A_912 = tpu.memref_squeeze %dma_wait3A_911 : memref<1x80x128xf32, #tpu.memory_space<vmem>> -> memref<80x128xf32, #tpu.memory_space<vmem>>
      tpu.wait_dma2 semaphore(%run_scoped3A_888 : memref<!tpu.dma_semaphore, #tpu.memory_space<semaphore_mem>>) src(%dma_wait3A_912 : memref<80x128xf32, #tpu.memory_space<vmem>>) dst(%dma_wait3A_908 : memref<80x128xf32, #tpu.memory_space<vmem_shared>>)
      tpu.yield
    }) : () -> ()
    %mul3A_64 = arith.constant 640 : i32
    %mul3A_65 = arith.muli %arg1, %mul3A_64 : i32
    %add3A_66 = arith.constant 480 : i32
    %add3A_67 = arith.addi %mul3A_65, %add3A_66 : i32
    %run_scoped3A_68 = arith.constant 0 : i32
    "tpu.region"() ({
      %run_scoped3A_888 = tpu.sem_alloc : memref<!tpu.dma_semaphore, #tpu.memory_space<semaphore_mem>>
      %dma_start3A_889 = arith.constant 0 : i32
      %dma_start3A_890 = arith.constant 0 : i32
      %dma_start3A_891 = tpu.memref_slice %arg10[%run_scoped3A_68, %dma_start3A_889, %dma_start3A_890] : memref<3x80x128xf32, #tpu.memory_space<vmem>> -> memref<1x80x128xf32, #tpu.memory_space<vmem>>
      %dma_start3A_892 = tpu.memref_squeeze %dma_start3A_891 : memref<1x80x128xf32, #tpu.memory_space<vmem>> -> memref<80x128xf32, #tpu.memory_space<vmem>>
      %dma_start3A_893 = arith.constant 0 : i32
      %dma_start3A_894 = tpu.memref_slice %arg6[%add3A_67, %dma_start3A_893] : memref<10240x128xf32, #tpu.memory_space<vmem_shared>> -> memref<80x128xf32, #tpu.memory_space<vmem_shared>>
      %dma_start3A_895 = arith.constant 0 : i32
      %dma_start3A_896 = tpu.memref_slice %arg6[%add3A_67, %dma_start3A_895] : memref<10240x128xf32, #tpu.memory_space<vmem_shared>> -> memref<80x128xf32, #tpu.memory_space<vmem_shared>>
      %dma_start3A_897 = arith.constant 0 : i32
      %dma_start3A_898 = arith.constant 0 : i32
      %dma_start3A_899 = tpu.memref_slice %arg10[%run_scoped3A_68, %dma_start3A_897, %dma_start3A_898] : memref<3x80x128xf32, #tpu.memory_space<vmem>> -> memref<1x80x128xf32, #tpu.memory_space<vmem>>
      %dma_start3A_900 = tpu.memref_squeeze %dma_start3A_899 : memref<1x80x128xf32, #tpu.memory_space<vmem>> -> memref<80x128xf32, #tpu.memory_space<vmem>>
      tpu.enqueue_dma source(%dma_start3A_900 : memref<80x128xf32, #tpu.memory_space<vmem>>) target(%dma_start3A_896 : memref<80x128xf32, #tpu.memory_space<vmem_shared>>) target_semaphore(%run_scoped3A_888 : memref<!tpu.dma_semaphore, #tpu.memory_space<semaphore_mem>>)
      %dma_wait3A_901 = arith.constant 0 : i32
      %dma_wait3A_902 = arith.constant 0 : i32
      %dma_wait3A_903 = tpu.memref_slice %arg10[%run_scoped3A_68, %dma_wait3A_901, %dma_wait3A_902] : memref<3x80x128xf32, #tpu.memory_space<vmem>> -> memref<1x80x128xf32, #tpu.memory_space<vmem>>
      %dma_wait3A_904 = tpu.memref_squeeze %dma_wait3A_903 : memref<1x80x128xf32, #tpu.memory_space<vmem>> -> memref<80x128xf32, #tpu.memory_space<vmem>>
      %dma_wait3A_905 = arith.constant 0 : i32
      %dma_wait3A_906 = tpu.memref_slice %arg6[%add3A_67, %dma_wait3A_905] : memref<10240x128xf32, #tpu.memory_space<vmem_shared>> -> memref<80x128xf32, #tpu.memory_space<vmem_shared>>
      %dma_wait3A_907 = arith.constant 0 : i32
      %dma_wait3A_908 = tpu.memref_slice %arg6[%add3A_67, %dma_wait3A_907] : memref<10240x128xf32, #tpu.memory_space<vmem_shared>> -> memref<80x128xf32, #tpu.memory_space<vmem_shared>>
      %dma_wait3A_909 = arith.constant 0 : i32
      %dma_wait3A_910 = arith.constant 0 : i32
      %dma_wait3A_911 = tpu.memref_slice %arg10[%run_scoped3A_68, %dma_wait3A_909, %dma_wait3A_910] : memref<3x80x128xf32, #tpu.memory_space<vmem>> -> memref<1x80x128xf32, #tpu.memory_space<vmem>>
      %dma_wait3A_912 = tpu.memref_squeeze %dma_wait3A_911 : memref<1x80x128xf32, #tpu.memory_space<vmem>> -> memref<80x128xf32, #tpu.memory_space<vmem>>
      tpu.wait_dma2 semaphore(%run_scoped3A_888 : memref<!tpu.dma_semaphore, #tpu.memory_space<semaphore_mem>>) src(%dma_wait3A_912 : memref<80x128xf32, #tpu.memory_space<vmem>>) dst(%dma_wait3A_908 : memref<80x128xf32, #tpu.memory_space<vmem_shared>>)
      tpu.yield
    }) : () -> ()
    %mul3A_69 = arith.constant 640 : i32
    %mul3A_70 = arith.muli %arg1, %mul3A_69 : i32
    %add3A_71 = arith.constant 560 : i32
    %add3A_72 = arith.addi %mul3A_70, %add3A_71 : i32
    %run_scoped3A_73 = arith.constant 0 : i32
    "tpu.region"() ({
      %run_scoped3A_888 = tpu.sem_alloc : memref<!tpu.dma_semaphore, #tpu.memory_space<semaphore_mem>>
      %dma_start3A_889 = arith.constant 0 : i32
      %dma_start3A_890 = arith.constant 0 : i32
      %dma_start3A_891 = tpu.memref_slice %arg10[%run_scoped3A_73, %dma_start3A_889, %dma_start3A_890] : memref<3x80x128xf32, #tpu.memory_space<vmem>> -> memref<1x80x128xf32, #tpu.memory_space<vmem>>
      %dma_start3A_892 = tpu.memref_squeeze %dma_start3A_891 : memref<1x80x128xf32, #tpu.memory_space<vmem>> -> memref<80x128xf32, #tpu.memory_space<vmem>>
      %dma_start3A_893 = arith.constant 0 : i32
      %dma_start3A_894 = tpu.memref_slice %arg6[%add3A_72, %dma_start3A_893] : memref<10240x128xf32, #tpu.memory_space<vmem_shared>> -> memref<80x128xf32, #tpu.memory_space<vmem_shared>>
      %dma_start3A_895 = arith.constant 0 : i32
      %dma_start3A_896 = tpu.memref_slice %arg6[%add3A_72, %dma_start3A_895] : memref<10240x128xf32, #tpu.memory_space<vmem_shared>> -> memref<80x128xf32, #tpu.memory_space<vmem_shared>>
      %dma_start3A_897 = arith.constant 0 : i32
      %dma_start3A_898 = arith.constant 0 : i32
      %dma_start3A_899 = tpu.memref_slice %arg10[%run_scoped3A_73, %dma_start3A_897, %dma_start3A_898] : memref<3x80x128xf32, #tpu.memory_space<vmem>> -> memref<1x80x128xf32, #tpu.memory_space<vmem>>
      %dma_start3A_900 = tpu.memref_squeeze %dma_start3A_899 : memref<1x80x128xf32, #tpu.memory_space<vmem>> -> memref<80x128xf32, #tpu.memory_space<vmem>>
      tpu.enqueue_dma source(%dma_start3A_900 : memref<80x128xf32, #tpu.memory_space<vmem>>) target(%dma_start3A_896 : memref<80x128xf32, #tpu.memory_space<vmem_shared>>) target_semaphore(%run_scoped3A_888 : memref<!tpu.dma_semaphore, #tpu.memory_space<semaphore_mem>>)
      %dma_wait3A_901 = arith.constant 0 : i32
      %dma_wait3A_902 = arith.constant 0 : i32
      %dma_wait3A_903 = tpu.memref_slice %arg10[%run_scoped3A_73, %dma_wait3A_901, %dma_wait3A_902] : memref<3x80x128xf32, #tpu.memory_space<vmem>> -> memref<1x80x128xf32, #tpu.memory_space<vmem>>
      %dma_wait3A_904 = tpu.memref_squeeze %dma_wait3A_903 : memref<1x80x128xf32, #tpu.memory_space<vmem>> -> memref<80x128xf32, #tpu.memory_space<vmem>>
      %dma_wait3A_905 = arith.constant 0 : i32
      %dma_wait3A_906 = tpu.memref_slice %arg6[%add3A_72, %dma_wait3A_905] : memref<10240x128xf32, #tpu.memory_space<vmem_shared>> -> memref<80x128xf32, #tpu.memory_space<vmem_shared>>
      %dma_wait3A_907 = arith.constant 0 : i32
      %dma_wait3A_908 = tpu.memref_slice %arg6[%add3A_72, %dma_wait3A_907] : memref<10240x128xf32, #tpu.memory_space<vmem_shared>> -> memref<80x128xf32, #tpu.memory_space<vmem_shared>>
      %dma_wait3A_909 = arith.constant 0 : i32
      %dma_wait3A_910 = arith.constant 0 : i32
      %dma_wait3A_911 = tpu.memref_slice %arg10[%run_scoped3A_73, %dma_wait3A_909, %dma_wait3A_910] : memref<3x80x128xf32, #tpu.memory_space<vmem>> -> memref<1x80x128xf32, #tpu.memory_space<vmem>>
      %dma_wait3A_912 = tpu.memref_squeeze %dma_wait3A_911 : memref<1x80x128xf32, #tpu.memory_space<vmem>> -> memref<80x128xf32, #tpu.memory_space<vmem>>
      tpu.wait_dma2 semaphore(%run_scoped3A_888 : memref<!tpu.dma_semaphore, #tpu.memory_space<semaphore_mem>>) src(%dma_wait3A_912 : memref<80x128xf32, #tpu.memory_space<vmem>>) dst(%dma_wait3A_908 : memref<80x128xf32, #tpu.memory_space<vmem_shared>>)
      tpu.yield
    }) : () -> ()
    %eq3A = arith.constant 0 : i32
    %eq3A_74 = arith.cmpi eq, %arg1, %eq3A : i32
    %convert_element_type3A = arith.extui %eq3A_74 : i1 to i32
    %cond3A = arith.constant 0 : i32
    %cond3A_75 = arith.cmpi ne, %convert_element_type3A, %cond3A : i32
    scf.if %cond3A_75 {
      %run_scoped3A_888 = arith.constant 0 : i32
      "tpu.region"() ({
        %run_scoped3A_889 = tpu.sem_alloc : memref<!tpu.dma_semaphore, #tpu.memory_space<semaphore_mem>>
        %dma_start3A_890 = arith.constant 0 : i32
        %dma_start3A_891 = arith.constant 0 : i32
        %dma_start3A_892 = tpu.memref_slice %arg10[%run_scoped3A_888, %dma_start3A_890, %dma_start3A_891] : memref<3x80x128xf32, #tpu.memory_space<vmem>> -> memref<1x80x128xf32, #tpu.memory_space<vmem>>
        %dma_start3A_893 = tpu.memref_squeeze %dma_start3A_892 : memref<1x80x128xf32, #tpu.memory_space<vmem>> -> memref<80x128xf32, #tpu.memory_space<vmem>>
        %dma_start3A_894 = arith.constant 0 : i32
        %dma_start3A_895 = arith.constant 0 : i32
        %dma_start3A_896 = tpu.memref_slice %arg10[%run_scoped3A_888, %dma_start3A_894, %dma_start3A_895] : memref<3x80x128xf32, #tpu.memory_space<vmem>> -> memref<1x80x128xf32, #tpu.memory_space<vmem>>
        %dma_start3A_897 = tpu.memref_squeeze %dma_start3A_896 : memref<1x80x128xf32, #tpu.memory_space<vmem>> -> memref<80x128xf32, #tpu.memory_space<vmem>>
        tpu.enqueue_dma source(%dma_start3A_897 : memref<80x128xf32, #tpu.memory_space<vmem>>) target(%arg7 : memref<80x128xf32, #tpu.memory_space<vmem_shared>>) target_semaphore(%run_scoped3A_889 : memref<!tpu.dma_semaphore, #tpu.memory_space<semaphore_mem>>)
        %dma_wait3A_898 = arith.constant 0 : i32
        %dma_wait3A_899 = arith.constant 0 : i32
        %dma_wait3A_900 = tpu.memref_slice %arg10[%run_scoped3A_888, %dma_wait3A_898, %dma_wait3A_899] : memref<3x80x128xf32, #tpu.memory_space<vmem>> -> memref<1x80x128xf32, #tpu.memory_space<vmem>>
        %dma_wait3A_901 = tpu.memref_squeeze %dma_wait3A_900 : memref<1x80x128xf32, #tpu.memory_space<vmem>> -> memref<80x128xf32, #tpu.memory_space<vmem>>
        %dma_wait3A_902 = arith.constant 0 : i32
        %dma_wait3A_903 = arith.constant 0 : i32
        %dma_wait3A_904 = tpu.memref_slice %arg10[%run_scoped3A_888, %dma_wait3A_902, %dma_wait3A_903] : memref<3x80x128xf32, #tpu.memory_space<vmem>> -> memref<1x80x128xf32, #tpu.memory_space<vmem>>
        %dma_wait3A_905 = tpu.memref_squeeze %dma_wait3A_904 : memref<1x80x128xf32, #tpu.memory_space<vmem>> -> memref<80x128xf32, #tpu.memory_space<vmem>>
        tpu.wait_dma2 semaphore(%run_scoped3A_889 : memref<!tpu.dma_semaphore, #tpu.memory_space<semaphore_mem>>) src(%dma_wait3A_905 : memref<80x128xf32, #tpu.memory_space<vmem>>) dst(%arg7 : memref<80x128xf32, #tpu.memory_space<vmem_shared>>)
        tpu.yield
      }) : () -> ()
    } else {
    }
    %barrier3A = arith.constant 0 : index
    tpu.barrier barrier_id(%barrier3A)
    %mul3A_76 = arith.constant 2 : i32
    %mul3A_77 = arith.muli %arg1, %mul3A_76 : i32
    %add3A_78 = arith.addi %mul3A_77, %arg0 : i32
    %mul3A_79 = arith.constant 10000 : i32
    %mul3A_80 = arith.muli %add3A_78, %mul3A_79 : i32
    %add3A_81 = arith.constant 0 : i32
    %add3A_82 = arith.addi %mul3A_80, %add3A_81 : i32
    %dma_start3A = arith.constant 0 : i32
    %dma_start3A_83 = arith.constant 0 : i32
    %dma_start3A_84 = arith.constant 0 : i32
    %dma_start3A_85 = tpu.memref_slice %arg8[%dma_start3A_83, %dma_start3A_84] : memref<3x80xi32, #tpu.memory_space<vmem>> -> memref<1x80xi32, #tpu.memory_space<vmem>>
    %dma_start3A_86 = tpu.memref_squeeze %dma_start3A_85 : memref<1x80xi32, #tpu.memory_space<vmem>> -> memref<80xi32, #tpu.memory_space<vmem>>
    %dma_start3A_87 = tpu.memref_slice %arg3[%dma_start3A, %add3A_82] : memref<2x320000xi32, #tpu.memory_space<hbm>> -> memref<1x80xi32, #tpu.memory_space<hbm>>
    %dma_start3A_88 = tpu.memref_squeeze %dma_start3A_87 : memref<1x80xi32, #tpu.memory_space<hbm>> -> memref<80xi32, #tpu.memory_space<hbm>>
    %dma_start3A_89 = arith.constant 0 : i32
    %dma_start3A_90 = tpu.memref_slice %arg8[%dma_start3A_83, %dma_start3A_89] : memref<3x80xi32, #tpu.memory_space<vmem>> -> memref<1x80xi32, #tpu.memory_space<vmem>>
    %dma_start3A_91 = tpu.memref_squeeze %dma_start3A_90 : memref<1x80xi32, #tpu.memory_space<vmem>> -> memref<80xi32, #tpu.memory_space<vmem>>
    %dma_start3A_92 = tpu.memref_slice %arg3[%dma_start3A, %add3A_82] : memref<2x320000xi32, #tpu.memory_space<hbm>> -> memref<1x80xi32, #tpu.memory_space<hbm>>
    %dma_start3A_93 = tpu.memref_squeeze %dma_start3A_92 : memref<1x80xi32, #tpu.memory_space<hbm>> -> memref<80xi32, #tpu.memory_space<hbm>>
    tpu.enqueue_dma source(%dma_start3A_93 : memref<80xi32, #tpu.memory_space<hbm>>) target(%dma_start3A_91 : memref<80xi32, #tpu.memory_space<vmem>>) target_semaphore(%arg16 : memref<!tpu.dma_semaphore, #tpu.memory_space<semaphore_mem>>)
    %add3A_94 = arith.constant 80 : i32
    %add3A_95 = arith.addi %mul3A_80, %add3A_94 : i32
    %dma_start3A_96 = arith.constant 0 : i32
    %dma_start3A_97 = arith.constant 1 : i32
    %dma_start3A_98 = arith.constant 0 : i32
    %dma_start3A_99 = tpu.memref_slice %arg8[%dma_start3A_97, %dma_start3A_98] : memref<3x80xi32, #tpu.memory_space<vmem>> -> memref<1x80xi32, #tpu.memory_space<vmem>>
    %dma_start3A_100 = tpu.memref_squeeze %dma_start3A_99 : memref<1x80xi32, #tpu.memory_space<vmem>> -> memref<80xi32, #tpu.memory_space<vmem>>
    %dma_start3A_101 = tpu.memref_slice %arg3[%dma_start3A_96, %add3A_95] : memref<2x320000xi32, #tpu.memory_space<hbm>> -> memref<1x80xi32, #tpu.memory_space<hbm>>
    %dma_start3A_102 = tpu.memref_squeeze %dma_start3A_101 : memref<1x80xi32, #tpu.memory_space<hbm>> -> memref<80xi32, #tpu.memory_space<hbm>>
    %dma_start3A_103 = arith.constant 0 : i32
    %dma_start3A_104 = tpu.memref_slice %arg8[%dma_start3A_97, %dma_start3A_103] : memref<3x80xi32, #tpu.memory_space<vmem>> -> memref<1x80xi32, #tpu.memory_space<vmem>>
    %dma_start3A_105 = tpu.memref_squeeze %dma_start3A_104 : memref<1x80xi32, #tpu.memory_space<vmem>> -> memref<80xi32, #tpu.memory_space<vmem>>
    %dma_start3A_106 = tpu.memref_slice %arg3[%dma_start3A_96, %add3A_95] : memref<2x320000xi32, #tpu.memory_space<hbm>> -> memref<1x80xi32, #tpu.memory_space<hbm>>
    %dma_start3A_107 = tpu.memref_squeeze %dma_start3A_106 : memref<1x80xi32, #tpu.memory_space<hbm>> -> memref<80xi32, #tpu.memory_space<hbm>>
    tpu.enqueue_dma source(%dma_start3A_107 : memref<80xi32, #tpu.memory_space<hbm>>) target(%dma_start3A_105 : memref<80xi32, #tpu.memory_space<vmem>>) target_semaphore(%arg17 : memref<!tpu.dma_semaphore, #tpu.memory_space<semaphore_mem>>)
    %add3A_108 = arith.constant 160 : i32
    %add3A_109 = arith.addi %mul3A_80, %add3A_108 : i32
    %dma_start3A_110 = arith.constant 0 : i32
    %dma_start3A_111 = arith.constant 2 : i32
    %dma_start3A_112 = arith.constant 0 : i32
    %dma_start3A_113 = tpu.memref_slice %arg8[%dma_start3A_111, %dma_start3A_112] : memref<3x80xi32, #tpu.memory_space<vmem>> -> memref<1x80xi32, #tpu.memory_space<vmem>>
    %dma_start3A_114 = tpu.memref_squeeze %dma_start3A_113 : memref<1x80xi32, #tpu.memory_space<vmem>> -> memref<80xi32, #tpu.memory_space<vmem>>
    %dma_start3A_115 = tpu.memref_slice %arg3[%dma_start3A_110, %add3A_109] : memref<2x320000xi32, #tpu.memory_space<hbm>> -> memref<1x80xi32, #tpu.memory_space<hbm>>
    %dma_start3A_116 = tpu.memref_squeeze %dma_start3A_115 : memref<1x80xi32, #tpu.memory_space<hbm>> -> memref<80xi32, #tpu.memory_space<hbm>>
    %dma_start3A_117 = arith.constant 0 : i32
    %dma_start3A_118 = tpu.memref_slice %arg8[%dma_start3A_111, %dma_start3A_117] : memref<3x80xi32, #tpu.memory_space<vmem>> -> memref<1x80xi32, #tpu.memory_space<vmem>>
    %dma_start3A_119 = tpu.memref_squeeze %dma_start3A_118 : memref<1x80xi32, #tpu.memory_space<vmem>> -> memref<80xi32, #tpu.memory_space<vmem>>
    %dma_start3A_120 = tpu.memref_slice %arg3[%dma_start3A_110, %add3A_109] : memref<2x320000xi32, #tpu.memory_space<hbm>> -> memref<1x80xi32, #tpu.memory_space<hbm>>
    %dma_start3A_121 = tpu.memref_squeeze %dma_start3A_120 : memref<1x80xi32, #tpu.memory_space<hbm>> -> memref<80xi32, #tpu.memory_space<hbm>>
    tpu.enqueue_dma source(%dma_start3A_121 : memref<80xi32, #tpu.memory_space<hbm>>) target(%dma_start3A_119 : memref<80xi32, #tpu.memory_space<vmem>>) target_semaphore(%arg18 : memref<!tpu.dma_semaphore, #tpu.memory_space<semaphore_mem>>)
    %add3A_122 = arith.constant 0 : i32
    %add3A_123 = arith.addi %mul3A_80, %add3A_122 : i32
    %dma_start3A_124 = arith.constant 1 : i32
    %dma_start3A_125 = arith.constant 0 : i32
    %dma_start3A_126 = arith.constant 0 : i32
    %dma_start3A_127 = tpu.memref_slice %arg9[%dma_start3A_125, %dma_start3A_126] : memref<3x80xi32, #tpu.memory_space<vmem>> -> memref<1x80xi32, #tpu.memory_space<vmem>>
    %dma_start3A_128 = tpu.memref_squeeze %dma_start3A_127 : memref<1x80xi32, #tpu.memory_space<vmem>> -> memref<80xi32, #tpu.memory_space<vmem>>
    %dma_start3A_129 = tpu.memref_slice %arg3[%dma_start3A_124, %add3A_123] : memref<2x320000xi32, #tpu.memory_space<hbm>> -> memref<1x80xi32, #tpu.memory_space<hbm>>
    %dma_start3A_130 = tpu.memref_squeeze %dma_start3A_129 : memref<1x80xi32, #tpu.memory_space<hbm>> -> memref<80xi32, #tpu.memory_space<hbm>>
    %dma_start3A_131 = arith.constant 0 : i32
    %dma_start3A_132 = tpu.memref_slice %arg9[%dma_start3A_125, %dma_start3A_131] : memref<3x80xi32, #tpu.memory_space<vmem>> -> memref<1x80xi32, #tpu.memory_space<vmem>>
    %dma_start3A_133 = tpu.memref_squeeze %dma_start3A_132 : memref<1x80xi32, #tpu.memory_space<vmem>> -> memref<80xi32, #tpu.memory_space<vmem>>
    %dma_start3A_134 = tpu.memref_slice %arg3[%dma_start3A_124, %add3A_123] : memref<2x320000xi32, #tpu.memory_space<hbm>> -> memref<1x80xi32, #tpu.memory_space<hbm>>
    %dma_start3A_135 = tpu.memref_squeeze %dma_start3A_134 : memref<1x80xi32, #tpu.memory_space<hbm>> -> memref<80xi32, #tpu.memory_space<hbm>>
    tpu.enqueue_dma source(%dma_start3A_135 : memref<80xi32, #tpu.memory_space<hbm>>) target(%dma_start3A_133 : memref<80xi32, #tpu.memory_space<vmem>>) target_semaphore(%arg19 : memref<!tpu.dma_semaphore, #tpu.memory_space<semaphore_mem>>)
    %add3A_136 = arith.constant 80 : i32
    %add3A_137 = arith.addi %mul3A_80, %add3A_136 : i32
    %dma_start3A_138 = arith.constant 1 : i32
    %dma_start3A_139 = arith.constant 1 : i32
    %dma_start3A_140 = arith.constant 0 : i32
    %dma_start3A_141 = tpu.memref_slice %arg9[%dma_start3A_139, %dma_start3A_140] : memref<3x80xi32, #tpu.memory_space<vmem>> -> memref<1x80xi32, #tpu.memory_space<vmem>>
    %dma_start3A_142 = tpu.memref_squeeze %dma_start3A_141 : memref<1x80xi32, #tpu.memory_space<vmem>> -> memref<80xi32, #tpu.memory_space<vmem>>
    %dma_start3A_143 = tpu.memref_slice %arg3[%dma_start3A_138, %add3A_137] : memref<2x320000xi32, #tpu.memory_space<hbm>> -> memref<1x80xi32, #tpu.memory_space<hbm>>
    %dma_start3A_144 = tpu.memref_squeeze %dma_start3A_143 : memref<1x80xi32, #tpu.memory_space<hbm>> -> memref<80xi32, #tpu.memory_space<hbm>>
    %dma_start3A_145 = arith.constant 0 : i32
    %dma_start3A_146 = tpu.memref_slice %arg9[%dma_start3A_139, %dma_start3A_145] : memref<3x80xi32, #tpu.memory_space<vmem>> -> memref<1x80xi32, #tpu.memory_space<vmem>>
    %dma_start3A_147 = tpu.memref_squeeze %dma_start3A_146 : memref<1x80xi32, #tpu.memory_space<vmem>> -> memref<80xi32, #tpu.memory_space<vmem>>
    %dma_start3A_148 = tpu.memref_slice %arg3[%dma_start3A_138, %add3A_137] : memref<2x320000xi32, #tpu.memory_space<hbm>> -> memref<1x80xi32, #tpu.memory_space<hbm>>
    %dma_start3A_149 = tpu.memref_squeeze %dma_start3A_148 : memref<1x80xi32, #tpu.memory_space<hbm>> -> memref<80xi32, #tpu.memory_space<hbm>>
    tpu.enqueue_dma source(%dma_start3A_149 : memref<80xi32, #tpu.memory_space<hbm>>) target(%dma_start3A_147 : memref<80xi32, #tpu.memory_space<vmem>>) target_semaphore(%arg20 : memref<!tpu.dma_semaphore, #tpu.memory_space<semaphore_mem>>)
    %dma_wait3A = arith.constant 0 : i32
    %dma_wait3A_150 = arith.constant 0 : i32
    %dma_wait3A_151 = arith.constant 0 : i32
    %dma_wait3A_152 = tpu.memref_slice %arg8[%dma_wait3A_150, %dma_wait3A_151] : memref<3x80xi32, #tpu.memory_space<vmem>> -> memref<1x80xi32, #tpu.memory_space<vmem>>
    %dma_wait3A_153 = tpu.memref_squeeze %dma_wait3A_152 : memref<1x80xi32, #tpu.memory_space<vmem>> -> memref<80xi32, #tpu.memory_space<vmem>>
    %dma_wait3A_154 = tpu.memref_slice %arg3[%dma_wait3A, %mul3A_80] : memref<2x320000xi32, #tpu.memory_space<hbm>> -> memref<1x80xi32, #tpu.memory_space<hbm>>
    %dma_wait3A_155 = tpu.memref_squeeze %dma_wait3A_154 : memref<1x80xi32, #tpu.memory_space<hbm>> -> memref<80xi32, #tpu.memory_space<hbm>>
    %dma_wait3A_156 = arith.constant 0 : i32
    %dma_wait3A_157 = tpu.memref_slice %arg8[%dma_wait3A_150, %dma_wait3A_156] : memref<3x80xi32, #tpu.memory_space<vmem>> -> memref<1x80xi32, #tpu.memory_space<vmem>>
    %dma_wait3A_158 = tpu.memref_squeeze %dma_wait3A_157 : memref<1x80xi32, #tpu.memory_space<vmem>> -> memref<80xi32, #tpu.memory_space<vmem>>
    %dma_wait3A_159 = tpu.memref_slice %arg3[%dma_wait3A, %mul3A_80] : memref<2x320000xi32, #tpu.memory_space<hbm>> -> memref<1x80xi32, #tpu.memory_space<hbm>>
    %dma_wait3A_160 = tpu.memref_squeeze %dma_wait3A_159 : memref<1x80xi32, #tpu.memory_space<hbm>> -> memref<80xi32, #tpu.memory_space<hbm>>
    tpu.wait_dma2 semaphore(%arg16 : memref<!tpu.dma_semaphore, #tpu.memory_space<semaphore_mem>>) src(%dma_wait3A_160 : memref<80xi32, #tpu.memory_space<hbm>>) dst(%dma_wait3A_158 : memref<80xi32, #tpu.memory_space<vmem>>)
    %dma_start3A_161 = arith.constant 0 : i32
    %dma_start3A_162 = arith.constant 0 : i32
    %dma_start3A_163 = arith.constant 0 : i32
    %dma_start3A_164 = arith.constant 0 : i32
    %dma_start3A_165 = tpu.memref_slice %arg10[%dma_start3A_162, %dma_start3A_163, %dma_start3A_164] : memref<3x80x128xf32, #tpu.memory_space<vmem>> -> memref<1x80x128xf32, #tpu.memory_space<vmem>>
    %dma_start3A_166 = tpu.memref_squeeze %dma_start3A_165 : memref<1x80x128xf32, #tpu.memory_space<vmem>> -> memref<80x128xf32, #tpu.memory_space<vmem>>
    %dma_start3A_167 = arith.constant 0 : i32
    %dma_start3A_168 = tpu.memref_slice %arg8[%dma_start3A_161, %dma_start3A_167] : memref<3x80xi32, #tpu.memory_space<vmem>> -> memref<1x80xi32, #tpu.memory_space<vmem>>
    %dma_start3A_169 = tpu.memref_squeeze %dma_start3A_168 : memref<1x80xi32, #tpu.memory_space<vmem>> -> memref<80xi32, #tpu.memory_space<vmem>>
    %dma_start3A_170 = arith.constant 0 : i32
    %dma_start3A_171 = arith.constant 0 : i32
    %dma_start3A_172 = tpu.memref_slice %arg2[%dma_start3A_170, %dma_start3A_171] : memref<10000x128xf32, #tpu.memory_space<hbm>> -> memref<10000x128xf32, #tpu.memory_space<hbm>>
    tpu.enqueue_indirect_dma source(%dma_start3A_172 : memref<10000x128xf32, #tpu.memory_space<hbm>>) target(%dma_start3A_166 : memref<80x128xf32, #tpu.memory_space<vmem>>) offsets(%dma_start3A_169 : memref<80xi32, #tpu.memory_space<vmem>>) semaphore(%arg13 : memref<!tpu.dma_semaphore, #tpu.memory_space<semaphore_mem>>)
    %dma_wait3A_173 = arith.constant 0 : i32
    %dma_wait3A_174 = arith.constant 1 : i32
    %dma_wait3A_175 = arith.constant 0 : i32
    %dma_wait3A_176 = tpu.memref_slice %arg8[%dma_wait3A_174, %dma_wait3A_175] : memref<3x80xi32, #tpu.memory_space<vmem>> -> memref<1x80xi32, #tpu.memory_space<vmem>>
    %dma_wait3A_177 = tpu.memref_squeeze %dma_wait3A_176 : memref<1x80xi32, #tpu.memory_space<vmem>> -> memref<80xi32, #tpu.memory_space<vmem>>
    %dma_wait3A_178 = tpu.memref_slice %arg3[%dma_wait3A_173, %mul3A_80] : memref<2x320000xi32, #tpu.memory_space<hbm>> -> memref<1x80xi32, #tpu.memory_space<hbm>>
    %dma_wait3A_179 = tpu.memref_squeeze %dma_wait3A_178 : memref<1x80xi32, #tpu.memory_space<hbm>> -> memref<80xi32, #tpu.memory_space<hbm>>
    %dma_wait3A_180 = arith.constant 0 : i32
    %dma_wait3A_181 = tpu.memref_slice %arg8[%dma_wait3A_174, %dma_wait3A_180] : memref<3x80xi32, #tpu.memory_space<vmem>> -> memref<1x80xi32, #tpu.memory_space<vmem>>
    %dma_wait3A_182 = tpu.memref_squeeze %dma_wait3A_181 : memref<1x80xi32, #tpu.memory_space<vmem>> -> memref<80xi32, #tpu.memory_space<vmem>>
    %dma_wait3A_183 = tpu.memref_slice %arg3[%dma_wait3A_173, %mul3A_80] : memref<2x320000xi32, #tpu.memory_space<hbm>> -> memref<1x80xi32, #tpu.memory_space<hbm>>
    %dma_wait3A_184 = tpu.memref_squeeze %dma_wait3A_183 : memref<1x80xi32, #tpu.memory_space<hbm>> -> memref<80xi32, #tpu.memory_space<hbm>>
    tpu.wait_dma2 semaphore(%arg17 : memref<!tpu.dma_semaphore, #tpu.memory_space<semaphore_mem>>) src(%dma_wait3A_184 : memref<80xi32, #tpu.memory_space<hbm>>) dst(%dma_wait3A_182 : memref<80xi32, #tpu.memory_space<vmem>>)
    %dma_start3A_185 = arith.constant 1 : i32
    %dma_start3A_186 = arith.constant 1 : i32
    %dma_start3A_187 = arith.constant 0 : i32
    %dma_start3A_188 = arith.constant 0 : i32
    %dma_start3A_189 = tpu.memref_slice %arg10[%dma_start3A_186, %dma_start3A_187, %dma_start3A_188] : memref<3x80x128xf32, #tpu.memory_space<vmem>> -> memref<1x80x128xf32, #tpu.memory_space<vmem>>
    %dma_start3A_190 = tpu.memref_squeeze %dma_start3A_189 : memref<1x80x128xf32, #tpu.memory_space<vmem>> -> memref<80x128xf32, #tpu.memory_space<vmem>>
    %dma_start3A_191 = arith.constant 0 : i32
    %dma_start3A_192 = tpu.memref_slice %arg8[%dma_start3A_185, %dma_start3A_191] : memref<3x80xi32, #tpu.memory_space<vmem>> -> memref<1x80xi32, #tpu.memory_space<vmem>>
    %dma_start3A_193 = tpu.memref_squeeze %dma_start3A_192 : memref<1x80xi32, #tpu.memory_space<vmem>> -> memref<80xi32, #tpu.memory_space<vmem>>
    %dma_start3A_194 = arith.constant 0 : i32
    %dma_start3A_195 = arith.constant 0 : i32
    %dma_start3A_196 = tpu.memref_slice %arg2[%dma_start3A_194, %dma_start3A_195] : memref<10000x128xf32, #tpu.memory_space<hbm>> -> memref<10000x128xf32, #tpu.memory_space<hbm>>
    tpu.enqueue_indirect_dma source(%dma_start3A_196 : memref<10000x128xf32, #tpu.memory_space<hbm>>) target(%dma_start3A_190 : memref<80x128xf32, #tpu.memory_space<vmem>>) offsets(%dma_start3A_193 : memref<80xi32, #tpu.memory_space<vmem>>) semaphore(%arg14 : memref<!tpu.dma_semaphore, #tpu.memory_space<semaphore_mem>>)
    %dma_wait3A_197 = arith.constant 0 : i32
    %dma_wait3A_198 = arith.constant 0 : i32
    %dma_wait3A_199 = arith.constant 0 : i32
    %dma_wait3A_200 = arith.constant 0 : i32
    %dma_wait3A_201 = tpu.memref_slice %arg10[%dma_wait3A_198, %dma_wait3A_199, %dma_wait3A_200] : memref<3x80x128xf32, #tpu.memory_space<vmem>> -> memref<1x80x128xf32, #tpu.memory_space<vmem>>
    %dma_wait3A_202 = tpu.memref_squeeze %dma_wait3A_201 : memref<1x80x128xf32, #tpu.memory_space<vmem>> -> memref<80x128xf32, #tpu.memory_space<vmem>>
    %dma_wait3A_203 = arith.constant 0 : i32
    %dma_wait3A_204 = tpu.memref_slice %arg8[%dma_wait3A_197, %dma_wait3A_203] : memref<3x80xi32, #tpu.memory_space<vmem>> -> memref<1x80xi32, #tpu.memory_space<vmem>>
    %dma_wait3A_205 = tpu.memref_squeeze %dma_wait3A_204 : memref<1x80xi32, #tpu.memory_space<vmem>> -> memref<80xi32, #tpu.memory_space<vmem>>
    %dma_wait3A_206 = arith.constant 0 : i32
    %dma_wait3A_207 = arith.constant 0 : i32
    %dma_wait3A_208 = tpu.memref_slice %arg2[%dma_wait3A_206, %dma_wait3A_207] : memref<10000x128xf32, #tpu.memory_space<hbm>> -> memref<10000x128xf32, #tpu.memory_space<hbm>>
    tpu.wait_indirect_dma semaphore(%arg13 : memref<!tpu.dma_semaphore, #tpu.memory_space<semaphore_mem>>) src(%dma_wait3A_208 : memref<10000x128xf32, #tpu.memory_space<hbm>>) dst(%dma_wait3A_202 : memref<80x128xf32, #tpu.memory_space<vmem>>)
    %add3A_209 = arith.constant 240 : i32
    %add3A_210 = arith.addi %mul3A_80, %add3A_209 : i32
    %dma_start3A_211 = arith.constant 0 : i32
    %dma_start3A_212 = arith.constant 0 : i32
    %dma_start3A_213 = arith.constant 0 : i32
    %dma_start3A_214 = tpu.memref_slice %arg8[%dma_start3A_212, %dma_start3A_213] : memref<3x80xi32, #tpu.memory_space<vmem>> -> memref<1x80xi32, #tpu.memory_space<vmem>>
    %dma_start3A_215 = tpu.memref_squeeze %dma_start3A_214 : memref<1x80xi32, #tpu.memory_space<vmem>> -> memref<80xi32, #tpu.memory_space<vmem>>
    %dma_start3A_216 = tpu.memref_slice %arg3[%dma_start3A_211, %add3A_210] : memref<2x320000xi32, #tpu.memory_space<hbm>> -> memref<1x80xi32, #tpu.memory_space<hbm>>
    %dma_start3A_217 = tpu.memref_squeeze %dma_start3A_216 : memref<1x80xi32, #tpu.memory_space<hbm>> -> memref<80xi32, #tpu.memory_space<hbm>>
    %dma_start3A_218 = arith.constant 0 : i32
    %dma_start3A_219 = tpu.memref_slice %arg8[%dma_start3A_212, %dma_start3A_218] : memref<3x80xi32, #tpu.memory_space<vmem>> -> memref<1x80xi32, #tpu.memory_space<vmem>>
    %dma_start3A_220 = tpu.memref_squeeze %dma_start3A_219 : memref<1x80xi32, #tpu.memory_space<vmem>> -> memref<80xi32, #tpu.memory_space<vmem>>
    %dma_start3A_221 = tpu.memref_slice %arg3[%dma_start3A_211, %add3A_210] : memref<2x320000xi32, #tpu.memory_space<hbm>> -> memref<1x80xi32, #tpu.memory_space<hbm>>
    %dma_start3A_222 = tpu.memref_squeeze %dma_start3A_221 : memref<1x80xi32, #tpu.memory_space<hbm>> -> memref<80xi32, #tpu.memory_space<hbm>>
    tpu.enqueue_dma source(%dma_start3A_222 : memref<80xi32, #tpu.memory_space<hbm>>) target(%dma_start3A_220 : memref<80xi32, #tpu.memory_space<vmem>>) target_semaphore(%arg16 : memref<!tpu.dma_semaphore, #tpu.memory_space<semaphore_mem>>)
    %add3A_223 = arith.constant 160 : i32
    %add3A_224 = arith.addi %mul3A_80, %add3A_223 : i32
    %dma_start3A_225 = arith.constant 1 : i32
    %dma_start3A_226 = arith.constant 2 : i32
    %dma_start3A_227 = arith.constant 0 : i32
    %dma_start3A_228 = tpu.memref_slice %arg9[%dma_start3A_226, %dma_start3A_227] : memref<3x80xi32, #tpu.memory_space<vmem>> -> memref<1x80xi32, #tpu.memory_space<vmem>>
    %dma_start3A_229 = tpu.memref_squeeze %dma_start3A_228 : memref<1x80xi32, #tpu.memory_space<vmem>> -> memref<80xi32, #tpu.memory_space<vmem>>
    %dma_start3A_230 = tpu.memref_slice %arg3[%dma_start3A_225, %add3A_224] : memref<2x320000xi32, #tpu.memory_space<hbm>> -> memref<1x80xi32, #tpu.memory_space<hbm>>
    %dma_start3A_231 = tpu.memref_squeeze %dma_start3A_230 : memref<1x80xi32, #tpu.memory_space<hbm>> -> memref<80xi32, #tpu.memory_space<hbm>>
    %dma_start3A_232 = arith.constant 0 : i32
    %dma_start3A_233 = tpu.memref_slice %arg9[%dma_start3A_226, %dma_start3A_232] : memref<3x80xi32, #tpu.memory_space<vmem>> -> memref<1x80xi32, #tpu.memory_space<vmem>>
    %dma_start3A_234 = tpu.memref_squeeze %dma_start3A_233 : memref<1x80xi32, #tpu.memory_space<vmem>> -> memref<80xi32, #tpu.memory_space<vmem>>
    %dma_start3A_235 = tpu.memref_slice %arg3[%dma_start3A_225, %add3A_224] : memref<2x320000xi32, #tpu.memory_space<hbm>> -> memref<1x80xi32, #tpu.memory_space<hbm>>
    %dma_start3A_236 = tpu.memref_squeeze %dma_start3A_235 : memref<1x80xi32, #tpu.memory_space<hbm>> -> memref<80xi32, #tpu.memory_space<hbm>>
    tpu.enqueue_dma source(%dma_start3A_236 : memref<80xi32, #tpu.memory_space<hbm>>) target(%dma_start3A_234 : memref<80xi32, #tpu.memory_space<vmem>>) target_semaphore(%arg21 : memref<!tpu.dma_semaphore, #tpu.memory_space<semaphore_mem>>)
    %dma_wait3A_237 = arith.constant 0 : i32
    %dma_wait3A_238 = arith.constant 2 : i32
    %dma_wait3A_239 = arith.constant 0 : i32
    %dma_wait3A_240 = tpu.memref_slice %arg8[%dma_wait3A_238, %dma_wait3A_239] : memref<3x80xi32, #tpu.memory_space<vmem>> -> memref<1x80xi32, #tpu.memory_space<vmem>>
    %dma_wait3A_241 = tpu.memref_squeeze %dma_wait3A_240 : memref<1x80xi32, #tpu.memory_space<vmem>> -> memref<80xi32, #tpu.memory_space<vmem>>
    %dma_wait3A_242 = tpu.memref_slice %arg3[%dma_wait3A_237, %mul3A_80] : memref<2x320000xi32, #tpu.memory_space<hbm>> -> memref<1x80xi32, #tpu.memory_space<hbm>>
    %dma_wait3A_243 = tpu.memref_squeeze %dma_wait3A_242 : memref<1x80xi32, #tpu.memory_space<hbm>> -> memref<80xi32, #tpu.memory_space<hbm>>
    %dma_wait3A_244 = arith.constant 0 : i32
    %dma_wait3A_245 = tpu.memref_slice %arg8[%dma_wait3A_238, %dma_wait3A_244] : memref<3x80xi32, #tpu.memory_space<vmem>> -> memref<1x80xi32, #tpu.memory_space<vmem>>
    %dma_wait3A_246 = tpu.memref_squeeze %dma_wait3A_245 : memref<1x80xi32, #tpu.memory_space<vmem>> -> memref<80xi32, #tpu.memory_space<vmem>>
    %dma_wait3A_247 = tpu.memref_slice %arg3[%dma_wait3A_237, %mul3A_80] : memref<2x320000xi32, #tpu.memory_space<hbm>> -> memref<1x80xi32, #tpu.memory_space<hbm>>
    %dma_wait3A_248 = tpu.memref_squeeze %dma_wait3A_247 : memref<1x80xi32, #tpu.memory_space<hbm>> -> memref<80xi32, #tpu.memory_space<hbm>>
    tpu.wait_dma2 semaphore(%arg18 : memref<!tpu.dma_semaphore, #tpu.memory_space<semaphore_mem>>) src(%dma_wait3A_248 : memref<80xi32, #tpu.memory_space<hbm>>) dst(%dma_wait3A_246 : memref<80xi32, #tpu.memory_space<vmem>>)
    %dma_start3A_249 = arith.constant 2 : i32
    %dma_start3A_250 = arith.constant 2 : i32
    %dma_start3A_251 = arith.constant 0 : i32
    %dma_start3A_252 = arith.constant 0 : i32
    %dma_start3A_253 = tpu.memref_slice %arg10[%dma_start3A_250, %dma_start3A_251, %dma_start3A_252] : memref<3x80x128xf32, #tpu.memory_space<vmem>> -> memref<1x80x128xf32, #tpu.memory_space<vmem>>
    %dma_start3A_254 = tpu.memref_squeeze %dma_start3A_253 : memref<1x80x128xf32, #tpu.memory_space<vmem>> -> memref<80x128xf32, #tpu.memory_space<vmem>>
    %dma_start3A_255 = arith.constant 0 : i32
    %dma_start3A_256 = tpu.memref_slice %arg8[%dma_start3A_249, %dma_start3A_255] : memref<3x80xi32, #tpu.memory_space<vmem>> -> memref<1x80xi32, #tpu.memory_space<vmem>>
    %dma_start3A_257 = tpu.memref_squeeze %dma_start3A_256 : memref<1x80xi32, #tpu.memory_space<vmem>> -> memref<80xi32, #tpu.memory_space<vmem>>
    %dma_start3A_258 = arith.constant 0 : i32
    %dma_start3A_259 = arith.constant 0 : i32
    %dma_start3A_260 = tpu.memref_slice %arg2[%dma_start3A_258, %dma_start3A_259] : memref<10000x128xf32, #tpu.memory_space<hbm>> -> memref<10000x128xf32, #tpu.memory_space<hbm>>
    tpu.enqueue_indirect_dma source(%dma_start3A_260 : memref<10000x128xf32, #tpu.memory_space<hbm>>) target(%dma_start3A_254 : memref<80x128xf32, #tpu.memory_space<vmem>>) offsets(%dma_start3A_257 : memref<80xi32, #tpu.memory_space<vmem>>) semaphore(%arg15 : memref<!tpu.dma_semaphore, #tpu.memory_space<semaphore_mem>>)
    %dma_wait3A_261 = arith.constant 0 : i32
    %dma_wait3A_262 = arith.constant 0 : i32
    %dma_wait3A_263 = arith.constant 0 : i32
    %dma_wait3A_264 = tpu.memref_slice %arg9[%dma_wait3A_262, %dma_wait3A_263] : memref<3x80xi32, #tpu.memory_space<vmem>> -> memref<1x80xi32, #tpu.memory_space<vmem>>
    %dma_wait3A_265 = tpu.memref_squeeze %dma_wait3A_264 : memref<1x80xi32, #tpu.memory_space<vmem>> -> memref<80xi32, #tpu.memory_space<vmem>>
    %dma_wait3A_266 = tpu.memref_slice %arg3[%dma_wait3A_261, %mul3A_80] : memref<2x320000xi32, #tpu.memory_space<hbm>> -> memref<1x80xi32, #tpu.memory_space<hbm>>
    %dma_wait3A_267 = tpu.memref_squeeze %dma_wait3A_266 : memref<1x80xi32, #tpu.memory_space<hbm>> -> memref<80xi32, #tpu.memory_space<hbm>>
    %dma_wait3A_268 = arith.constant 0 : i32
    %dma_wait3A_269 = tpu.memref_slice %arg9[%dma_wait3A_262, %dma_wait3A_268] : memref<3x80xi32, #tpu.memory_space<vmem>> -> memref<1x80xi32, #tpu.memory_space<vmem>>
    %dma_wait3A_270 = tpu.memref_squeeze %dma_wait3A_269 : memref<1x80xi32, #tpu.memory_space<vmem>> -> memref<80xi32, #tpu.memory_space<vmem>>
    %dma_wait3A_271 = tpu.memref_slice %arg3[%dma_wait3A_261, %mul3A_80] : memref<2x320000xi32, #tpu.memory_space<hbm>> -> memref<1x80xi32, #tpu.memory_space<hbm>>
    %dma_wait3A_272 = tpu.memref_squeeze %dma_wait3A_271 : memref<1x80xi32, #tpu.memory_space<hbm>> -> memref<80xi32, #tpu.memory_space<hbm>>
    tpu.wait_dma2 semaphore(%arg19 : memref<!tpu.dma_semaphore, #tpu.memory_space<semaphore_mem>>) src(%dma_wait3A_272 : memref<80xi32, #tpu.memory_space<hbm>>) dst(%dma_wait3A_270 : memref<80xi32, #tpu.memory_space<vmem>>)
    %dma_start3A_273 = arith.constant 0 : i32
    %dma_start3A_274 = arith.constant 0 : i32
    %dma_start3A_275 = arith.constant 0 : i32
    %dma_start3A_276 = arith.constant 0 : i32
    %dma_start3A_277 = tpu.memref_slice %arg10[%dma_start3A_273, %dma_start3A_275, %dma_start3A_276] : memref<3x80x128xf32, #tpu.memory_space<vmem>> -> memref<1x80x128xf32, #tpu.memory_space<vmem>>
    %dma_start3A_278 = tpu.memref_squeeze %dma_start3A_277 : memref<1x80x128xf32, #tpu.memory_space<vmem>> -> memref<80x128xf32, #tpu.memory_space<vmem>>
    %dma_start3A_279 = arith.constant 0 : i32
    %dma_start3A_280 = tpu.memref_slice %arg9[%dma_start3A_274, %dma_start3A_279] : memref<3x80xi32, #tpu.memory_space<vmem>> -> memref<1x80xi32, #tpu.memory_space<vmem>>
    %dma_start3A_281 = tpu.memref_squeeze %dma_start3A_280 : memref<1x80xi32, #tpu.memory_space<vmem>> -> memref<80xi32, #tpu.memory_space<vmem>>
    %dma_start3A_282 = arith.constant 0 : i32
    %dma_start3A_283 = arith.constant 0 : i32
    %dma_start3A_284 = tpu.memref_slice %arg6[%dma_start3A_282, %dma_start3A_283] : memref<10240x128xf32, #tpu.memory_space<vmem_shared>> -> memref<10240x128xf32, #tpu.memory_space<vmem_shared>>
    tpu.enqueue_indirect_dma source(%dma_start3A_278 : memref<80x128xf32, #tpu.memory_space<vmem>>) target(%dma_start3A_284 : memref<10240x128xf32, #tpu.memory_space<vmem_shared>>) offsets(%dma_start3A_281 : memref<80xi32, #tpu.memory_space<vmem>>) semaphore(%arg22 : memref<!tpu.dma_semaphore, #tpu.memory_space<semaphore_mem>>) {add = true}
    %get3A = arith.constant 0 : i32
    %get3A_285 = arith.index_cast %get3A : i32 to index
    %get3A_286 = arith.constant 0 : index
    %get3A_287 = tpu.vector_load %arg9[%get3A_285, %get3A_286] {strides = array<i32>} : memref<3x80xi32, #tpu.memory_space<vmem>>, vector<16xi32>,
    %shift_right_logical3A = arith.constant 7 : i32
    %shift_right_logical3A_288 = vector.broadcast %shift_right_logical3A : i32 to vector<16xi32>
    %shift_right_logical3A_289 = arith.shrui %get3A_287, %shift_right_logical3A_288 : vector<16xi32>
    %and3A = arith.constant 127 : i32
    %and3A_290 = vector.broadcast %and3A : i32 to vector<16xi32>
    %and3A_291 = arith.andi %get3A_287, %and3A_290 : vector<16xi32>
    %broadcast_in_dim3A = arith.constant 1.000000e+00 : f32
    %broadcast_in_dim3A_292 = vector.broadcast %broadcast_in_dim3A : f32 to vector<16xf32>
    tpu.vector_store_idx %arg11[%shift_right_logical3A_289, %and3A_291], %broadcast_in_dim3A_292 {add = true} : memref<80x128xf32, #tpu.memory_space<vmem>>[vector<16xi32>, vector<16xi32>], vector<16xf32>,
    %get3A_293 = arith.constant 0 : i32
    %get3A_294 = arith.index_cast %get3A_293 : i32 to index
    %get3A_295 = arith.constant 16 : index
    %get3A_296 = tpu.vector_load %arg9[%get3A_294, %get3A_295] {strides = array<i32>} : memref<3x80xi32, #tpu.memory_space<vmem>>, vector<16xi32>,
    %shift_right_logical3A_297 = arith.constant 7 : i32
    %shift_right_logical3A_298 = vector.broadcast %shift_right_logical3A_297 : i32 to vector<16xi32>
    %shift_right_logical3A_299 = arith.shrui %get3A_296, %shift_right_logical3A_298 : vector<16xi32>
    %and3A_300 = arith.constant 127 : i32
    %and3A_301 = vector.broadcast %and3A_300 : i32 to vector<16xi32>
    %and3A_302 = arith.andi %get3A_296, %and3A_301 : vector<16xi32>
    %broadcast_in_dim3A_303 = arith.constant 1.000000e+00 : f32
    %broadcast_in_dim3A_304 = vector.broadcast %broadcast_in_dim3A_303 : f32 to vector<16xf32>
    tpu.vector_store_idx %arg11[%shift_right_logical3A_299, %and3A_302], %broadcast_in_dim3A_304 {add = true} : memref<80x128xf32, #tpu.memory_space<vmem>>[vector<16xi32>, vector<16xi32>], vector<16xf32>,
    %get3A_305 = arith.constant 0 : i32
    %get3A_306 = arith.index_cast %get3A_305 : i32 to index
    %get3A_307 = arith.constant 32 : index
    %get3A_308 = tpu.vector_load %arg9[%get3A_306, %get3A_307] {strides = array<i32>} : memref<3x80xi32, #tpu.memory_space<vmem>>, vector<16xi32>,
    %shift_right_logical3A_309 = arith.constant 7 : i32
    %shift_right_logical3A_310 = vector.broadcast %shift_right_logical3A_309 : i32 to vector<16xi32>
    %shift_right_logical3A_311 = arith.shrui %get3A_308, %shift_right_logical3A_310 : vector<16xi32>
    %and3A_312 = arith.constant 127 : i32
    %and3A_313 = vector.broadcast %and3A_312 : i32 to vector<16xi32>
    %and3A_314 = arith.andi %get3A_308, %and3A_313 : vector<16xi32>
    %broadcast_in_dim3A_315 = arith.constant 1.000000e+00 : f32
    %broadcast_in_dim3A_316 = vector.broadcast %broadcast_in_dim3A_315 : f32 to vector<16xf32>
    tpu.vector_store_idx %arg11[%shift_right_logical3A_311, %and3A_314], %broadcast_in_dim3A_316 {add = true} : memref<80x128xf32, #tpu.memory_space<vmem>>[vector<16xi32>, vector<16xi32>], vector<16xf32>,
    %get3A_317 = arith.constant 0 : i32
    %get3A_318 = arith.index_cast %get3A_317 : i32 to index
    %get3A_319 = arith.constant 48 : index
    %get3A_320 = tpu.vector_load %arg9[%get3A_318, %get3A_319] {strides = array<i32>} : memref<3x80xi32, #tpu.memory_space<vmem>>, vector<16xi32>,
    %shift_right_logical3A_321 = arith.constant 7 : i32
    %shift_right_logical3A_322 = vector.broadcast %shift_right_logical3A_321 : i32 to vector<16xi32>
    %shift_right_logical3A_323 = arith.shrui %get3A_320, %shift_right_logical3A_322 : vector<16xi32>
    %and3A_324 = arith.constant 127 : i32
    %and3A_325 = vector.broadcast %and3A_324 : i32 to vector<16xi32>
    %and3A_326 = arith.andi %get3A_320, %and3A_325 : vector<16xi32>
    %broadcast_in_dim3A_327 = arith.constant 1.000000e+00 : f32
    %broadcast_in_dim3A_328 = vector.broadcast %broadcast_in_dim3A_327 : f32 to vector<16xf32>
    tpu.vector_store_idx %arg11[%shift_right_logical3A_323, %and3A_326], %broadcast_in_dim3A_328 {add = true} : memref<80x128xf32, #tpu.memory_space<vmem>>[vector<16xi32>, vector<16xi32>], vector<16xf32>,
    %get3A_329 = arith.constant 0 : i32
    %get3A_330 = arith.index_cast %get3A_329 : i32 to index
    %get3A_331 = arith.constant 64 : index
    %get3A_332 = tpu.vector_load %arg9[%get3A_330, %get3A_331] {strides = array<i32>} : memref<3x80xi32, #tpu.memory_space<vmem>>, vector<16xi32>,
    %shift_right_logical3A_333 = arith.constant 7 : i32
    %shift_right_logical3A_334 = vector.broadcast %shift_right_logical3A_333 : i32 to vector<16xi32>
    %shift_right_logical3A_335 = arith.shrui %get3A_332, %shift_right_logical3A_334 : vector<16xi32>
    %and3A_336 = arith.constant 127 : i32
    %and3A_337 = vector.broadcast %and3A_336 : i32 to vector<16xi32>
    %and3A_338 = arith.andi %get3A_332, %and3A_337 : vector<16xi32>
    %broadcast_in_dim3A_339 = arith.constant 1.000000e+00 : f32
    %broadcast_in_dim3A_340 = vector.broadcast %broadcast_in_dim3A_339 : f32 to vector<16xf32>
    tpu.vector_store_idx %arg11[%shift_right_logical3A_335, %and3A_338], %broadcast_in_dim3A_340 {add = true} : memref<80x128xf32, #tpu.memory_space<vmem>>[vector<16xi32>, vector<16xi32>], vector<16xf32>,
    %scan3A_341 = arith.constant 0 : i32
    %scan3A_342 = arith.constant 40 : i32
    %scan3A_343 = arith.addi %scan3A_341, %scan3A_342 : i32
    %scan3A_344 = arith.constant 1 : i32
    scf.for %scan3A_888 = %scan3A_341 to %scan3A_343 step %scan3A_344  : i32 {
      %mul3A_889 = arith.constant 3 : i32
      %mul3A_890 = arith.muli %mul3A_889, %scan3A_888 : i32
      %add3A_891 = arith.constant 1 : i32
      %add3A_892 = arith.addi %mul3A_890, %add3A_891 : i32
      %dma_wait3A_893 = arith.constant 1 : i32
      %dma_wait3A_894 = arith.constant 1 : i32
      %dma_wait3A_895 = arith.constant 0 : i32
      %dma_wait3A_896 = arith.constant 0 : i32
      %dma_wait3A_897 = tpu.memref_slice %arg10[%dma_wait3A_894, %dma_wait3A_895, %dma_wait3A_896] : memref<3x80x128xf32, #tpu.memory_space<vmem>> -> memref<1x80x128xf32, #tpu.memory_space<vmem>>
      %dma_wait3A_898 = tpu.memref_squeeze %dma_wait3A_897 : memref<1x80x128xf32, #tpu.memory_space<vmem>> -> memref<80x128xf32, #tpu.memory_space<vmem>>
      %dma_wait3A_899 = arith.constant 0 : i32
      %dma_wait3A_900 = tpu.memref_slice %arg8[%dma_wait3A_893, %dma_wait3A_899] : memref<3x80xi32, #tpu.memory_space<vmem>> -> memref<1x80xi32, #tpu.memory_space<vmem>>
      %dma_wait3A_901 = tpu.memref_squeeze %dma_wait3A_900 : memref<1x80xi32, #tpu.memory_space<vmem>> -> memref<80xi32, #tpu.memory_space<vmem>>
      %dma_wait3A_902 = arith.constant 0 : i32
      %dma_wait3A_903 = arith.constant 0 : i32
      %dma_wait3A_904 = tpu.memref_slice %arg2[%dma_wait3A_902, %dma_wait3A_903] : memref<10000x128xf32, #tpu.memory_space<hbm>> -> memref<10000x128xf32, #tpu.memory_space<hbm>>
      tpu.wait_indirect_dma semaphore(%arg14 : memref<!tpu.dma_semaphore, #tpu.memory_space<semaphore_mem>>) src(%dma_wait3A_904 : memref<10000x128xf32, #tpu.memory_space<hbm>>) dst(%dma_wait3A_898 : memref<80x128xf32, #tpu.memory_space<vmem>>)
      %add3A_905 = arith.constant 3 : i32
      %add3A_906 = arith.addi %add3A_892, %add3A_905 : i32
      %mul3A_907 = arith.constant 80 : i32
      %mul3A_908 = arith.muli %add3A_906, %mul3A_907 : i32
      %add3A_909 = arith.addi %mul3A_80, %mul3A_908 : i32
      %dma_start3A_910 = arith.constant 0 : i32
      %dma_start3A_911 = arith.constant 1 : i32
      %dma_start3A_912 = arith.constant 0 : i32
      %dma_start3A_913 = tpu.memref_slice %arg8[%dma_start3A_911, %dma_start3A_912] : memref<3x80xi32, #tpu.memory_space<vmem>> -> memref<1x80xi32, #tpu.memory_space<vmem>>
      %dma_start3A_914 = tpu.memref_squeeze %dma_start3A_913 : memref<1x80xi32, #tpu.memory_space<vmem>> -> memref<80xi32, #tpu.memory_space<vmem>>
      %dma_start3A_915 = tpu.memref_slice %arg3[%dma_start3A_910, %add3A_909] : memref<2x320000xi32, #tpu.memory_space<hbm>> -> memref<1x80xi32, #tpu.memory_space<hbm>>
      %dma_start3A_916 = tpu.memref_squeeze %dma_start3A_915 : memref<1x80xi32, #tpu.memory_space<hbm>> -> memref<80xi32, #tpu.memory_space<hbm>>
      %dma_start3A_917 = arith.constant 0 : i32
      %dma_start3A_918 = tpu.memref_slice %arg8[%dma_start3A_911, %dma_start3A_917] : memref<3x80xi32, #tpu.memory_space<vmem>> -> memref<1x80xi32, #tpu.memory_space<vmem>>
      %dma_start3A_919 = tpu.memref_squeeze %dma_start3A_918 : memref<1x80xi32, #tpu.memory_space<vmem>> -> memref<80xi32, #tpu.memory_space<vmem>>
      %dma_start3A_920 = tpu.memref_slice %arg3[%dma_start3A_910, %add3A_909] : memref<2x320000xi32, #tpu.memory_space<hbm>> -> memref<1x80xi32, #tpu.memory_space<hbm>>
      %dma_start3A_921 = tpu.memref_squeeze %dma_start3A_920 : memref<1x80xi32, #tpu.memory_space<hbm>> -> memref<80xi32, #tpu.memory_space<hbm>>
      tpu.enqueue_dma source(%dma_start3A_921 : memref<80xi32, #tpu.memory_space<hbm>>) target(%dma_start3A_919 : memref<80xi32, #tpu.memory_space<vmem>>) target_semaphore(%arg17 : memref<!tpu.dma_semaphore, #tpu.memory_space<semaphore_mem>>)
      %dma_wait3A_922 = arith.constant 0 : i32
      %dma_wait3A_923 = arith.constant 0 : i32
      %dma_wait3A_924 = arith.constant 0 : i32
      %dma_wait3A_925 = arith.constant 0 : i32
      %dma_wait3A_926 = tpu.memref_slice %arg10[%dma_wait3A_922, %dma_wait3A_924, %dma_wait3A_925] : memref<3x80x128xf32, #tpu.memory_space<vmem>> -> memref<1x80x128xf32, #tpu.memory_space<vmem>>
      %dma_wait3A_927 = tpu.memref_squeeze %dma_wait3A_926 : memref<1x80x128xf32, #tpu.memory_space<vmem>> -> memref<80x128xf32, #tpu.memory_space<vmem>>
      %dma_wait3A_928 = arith.constant 0 : i32
      %dma_wait3A_929 = tpu.memref_slice %arg9[%dma_wait3A_923, %dma_wait3A_928] : memref<3x80xi32, #tpu.memory_space<vmem>> -> memref<1x80xi32, #tpu.memory_space<vmem>>
      %dma_wait3A_930 = tpu.memref_squeeze %dma_wait3A_929 : memref<1x80xi32, #tpu.memory_space<vmem>> -> memref<80xi32, #tpu.memory_space<vmem>>
      %dma_wait3A_931 = arith.constant 0 : i32
      %dma_wait3A_932 = arith.constant 0 : i32
      %dma_wait3A_933 = tpu.memref_slice %arg6[%dma_wait3A_931, %dma_wait3A_932] : memref<10240x128xf32, #tpu.memory_space<vmem_shared>> -> memref<10240x128xf32, #tpu.memory_space<vmem_shared>>
      tpu.wait_indirect_dma semaphore(%arg22 : memref<!tpu.dma_semaphore, #tpu.memory_space<semaphore_mem>>) src(%dma_wait3A_927 : memref<80x128xf32, #tpu.memory_space<vmem>>) dst(%dma_wait3A_933 : memref<10240x128xf32, #tpu.memory_space<vmem_shared>>)
      %add3A_934 = arith.constant 2 : i32
      %add3A_935 = arith.addi %add3A_892, %add3A_934 : i32
      %mul3A_936 = arith.constant 80 : i32
      %mul3A_937 = arith.muli %add3A_935, %mul3A_936 : i32
      %add3A_938 = arith.addi %mul3A_80, %mul3A_937 : i32
      %dma_start3A_939 = arith.constant 1 : i32
      %dma_start3A_940 = arith.constant 0 : i32
      %dma_start3A_941 = arith.constant 0 : i32
      %dma_start3A_942 = tpu.memref_slice %arg9[%dma_start3A_940, %dma_start3A_941] : memref<3x80xi32, #tpu.memory_space<vmem>> -> memref<1x80xi32, #tpu.memory_space<vmem>>
      %dma_start3A_943 = tpu.memref_squeeze %dma_start3A_942 : memref<1x80xi32, #tpu.memory_space<vmem>> -> memref<80xi32, #tpu.memory_space<vmem>>
      %dma_start3A_944 = tpu.memref_slice %arg3[%dma_start3A_939, %add3A_938] : memref<2x320000xi32, #tpu.memory_space<hbm>> -> memref<1x80xi32, #tpu.memory_space<hbm>>
      %dma_start3A_945 = tpu.memref_squeeze %dma_start3A_944 : memref<1x80xi32, #tpu.memory_space<hbm>> -> memref<80xi32, #tpu.memory_space<hbm>>
      %dma_start3A_946 = arith.constant 0 : i32
      %dma_start3A_947 = tpu.memref_slice %arg9[%dma_start3A_940, %dma_start3A_946] : memref<3x80xi32, #tpu.memory_space<vmem>> -> memref<1x80xi32, #tpu.memory_space<vmem>>
      %dma_start3A_948 = tpu.memref_squeeze %dma_start3A_947 : memref<1x80xi32, #tpu.memory_space<vmem>> -> memref<80xi32, #tpu.memory_space<vmem>>
      %dma_start3A_949 = tpu.memref_slice %arg3[%dma_start3A_939, %add3A_938] : memref<2x320000xi32, #tpu.memory_space<hbm>> -> memref<1x80xi32, #tpu.memory_space<hbm>>
      %dma_start3A_950 = tpu.memref_squeeze %dma_start3A_949 : memref<1x80xi32, #tpu.memory_space<hbm>> -> memref<80xi32, #tpu.memory_space<hbm>>
      tpu.enqueue_dma source(%dma_start3A_950 : memref<80xi32, #tpu.memory_space<hbm>>) target(%dma_start3A_948 : memref<80xi32, #tpu.memory_space<vmem>>) target_semaphore(%arg19 : memref<!tpu.dma_semaphore, #tpu.memory_space<semaphore_mem>>)
      %dma_wait3A_951 = arith.constant 0 : i32
      %dma_wait3A_952 = arith.constant 0 : i32
      %dma_wait3A_953 = arith.constant 0 : i32
      %dma_wait3A_954 = tpu.memref_slice %arg8[%dma_wait3A_952, %dma_wait3A_953] : memref<3x80xi32, #tpu.memory_space<vmem>> -> memref<1x80xi32, #tpu.memory_space<vmem>>
      %dma_wait3A_955 = tpu.memref_squeeze %dma_wait3A_954 : memref<1x80xi32, #tpu.memory_space<vmem>> -> memref<80xi32, #tpu.memory_space<vmem>>
      %dma_wait3A_956 = tpu.memref_slice %arg3[%dma_wait3A_951, %mul3A_80] : memref<2x320000xi32, #tpu.memory_space<hbm>> -> memref<1x80xi32, #tpu.memory_space<hbm>>
      %dma_wait3A_957 = tpu.memref_squeeze %dma_wait3A_956 : memref<1x80xi32, #tpu.memory_space<hbm>> -> memref<80xi32, #tpu.memory_space<hbm>>
      %dma_wait3A_958 = arith.constant 0 : i32
      %dma_wait3A_959 = tpu.memref_slice %arg8[%dma_wait3A_952, %dma_wait3A_958] : memref<3x80xi32, #tpu.memory_space<vmem>> -> memref<1x80xi32, #tpu.memory_space<vmem>>
      %dma_wait3A_960 = tpu.memref_squeeze %dma_wait3A_959 : memref<1x80xi32, #tpu.memory_space<vmem>> -> memref<80xi32, #tpu.memory_space<vmem>>
      %dma_wait3A_961 = tpu.memref_slice %arg3[%dma_wait3A_951, %mul3A_80] : memref<2x320000xi32, #tpu.memory_space<hbm>> -> memref<1x80xi32, #tpu.memory_space<hbm>>
      %dma_wait3A_962 = tpu.memref_squeeze %dma_wait3A_961 : memref<1x80xi32, #tpu.memory_space<hbm>> -> memref<80xi32, #tpu.memory_space<hbm>>
      tpu.wait_dma2 semaphore(%arg16 : memref<!tpu.dma_semaphore, #tpu.memory_space<semaphore_mem>>) src(%dma_wait3A_962 : memref<80xi32, #tpu.memory_space<hbm>>) dst(%dma_wait3A_960 : memref<80xi32, #tpu.memory_space<vmem>>)
      %dma_start3A_963 = arith.constant 0 : i32
      %dma_start3A_964 = arith.constant 0 : i32
      %dma_start3A_965 = arith.constant 0 : i32
      %dma_start3A_966 = arith.constant 0 : i32
      %dma_start3A_967 = tpu.memref_slice %arg10[%dma_start3A_964, %dma_start3A_965, %dma_start3A_966] : memref<3x80x128xf32, #tpu.memory_space<vmem>> -> memref<1x80x128xf32, #tpu.memory_space<vmem>>
      %dma_start3A_968 = tpu.memref_squeeze %dma_start3A_967 : memref<1x80x128xf32, #tpu.memory_space<vmem>> -> memref<80x128xf32, #tpu.memory_space<vmem>>
      %dma_start3A_969 = arith.constant 0 : i32
      %dma_start3A_970 = tpu.memref_slice %arg8[%dma_start3A_963, %dma_start3A_969] : memref<3x80xi32, #tpu.memory_space<vmem>> -> memref<1x80xi32, #tpu.memory_space<vmem>>
      %dma_start3A_971 = tpu.memref_squeeze %dma_start3A_970 : memref<1x80xi32, #tpu.memory_space<vmem>> -> memref<80xi32, #tpu.memory_space<vmem>>
      %dma_start3A_972 = arith.constant 0 : i32
      %dma_start3A_973 = arith.constant 0 : i32
      %dma_start3A_974 = tpu.memref_slice %arg2[%dma_start3A_972, %dma_start3A_973] : memref<10000x128xf32, #tpu.memory_space<hbm>> -> memref<10000x128xf32, #tpu.memory_space<hbm>>
      tpu.enqueue_indirect_dma source(%dma_start3A_974 : memref<10000x128xf32, #tpu.memory_space<hbm>>) target(%dma_start3A_968 : memref<80x128xf32, #tpu.memory_space<vmem>>) offsets(%dma_start3A_971 : memref<80xi32, #tpu.memory_space<vmem>>) semaphore(%arg13 : memref<!tpu.dma_semaphore, #tpu.memory_space<semaphore_mem>>)
      %dma_wait3A_975 = arith.constant 0 : i32
      %dma_wait3A_976 = arith.constant 1 : i32
      %dma_wait3A_977 = arith.constant 0 : i32
      %dma_wait3A_978 = tpu.memref_slice %arg9[%dma_wait3A_976, %dma_wait3A_977] : memref<3x80xi32, #tpu.memory_space<vmem>> -> memref<1x80xi32, #tpu.memory_space<vmem>>
      %dma_wait3A_979 = tpu.memref_squeeze %dma_wait3A_978 : memref<1x80xi32, #tpu.memory_space<vmem>> -> memref<80xi32, #tpu.memory_space<vmem>>
      %dma_wait3A_980 = tpu.memref_slice %arg3[%dma_wait3A_975, %mul3A_80] : memref<2x320000xi32, #tpu.memory_space<hbm>> -> memref<1x80xi32, #tpu.memory_space<hbm>>
      %dma_wait3A_981 = tpu.memref_squeeze %dma_wait3A_980 : memref<1x80xi32, #tpu.memory_space<hbm>> -> memref<80xi32, #tpu.memory_space<hbm>>
      %dma_wait3A_982 = arith.constant 0 : i32
      %dma_wait3A_983 = tpu.memref_slice %arg9[%dma_wait3A_976, %dma_wait3A_982] : memref<3x80xi32, #tpu.memory_space<vmem>> -> memref<1x80xi32, #tpu.memory_space<vmem>>
      %dma_wait3A_984 = tpu.memref_squeeze %dma_wait3A_983 : memref<1x80xi32, #tpu.memory_space<vmem>> -> memref<80xi32, #tpu.memory_space<vmem>>
      %dma_wait3A_985 = tpu.memref_slice %arg3[%dma_wait3A_975, %mul3A_80] : memref<2x320000xi32, #tpu.memory_space<hbm>> -> memref<1x80xi32, #tpu.memory_space<hbm>>
      %dma_wait3A_986 = tpu.memref_squeeze %dma_wait3A_985 : memref<1x80xi32, #tpu.memory_space<hbm>> -> memref<80xi32, #tpu.memory_space<hbm>>
      tpu.wait_dma2 semaphore(%arg20 : memref<!tpu.dma_semaphore, #tpu.memory_space<semaphore_mem>>) src(%dma_wait3A_986 : memref<80xi32, #tpu.memory_space<hbm>>) dst(%dma_wait3A_984 : memref<80xi32, #tpu.memory_space<vmem>>)
      %dma_start3A_987 = arith.constant 1 : i32
      %dma_start3A_988 = arith.constant 1 : i32
      %dma_start3A_989 = arith.constant 0 : i32
      %dma_start3A_990 = arith.constant 0 : i32
      %dma_start3A_991 = tpu.memref_slice %arg10[%dma_start3A_987, %dma_start3A_989, %dma_start3A_990] : memref<3x80x128xf32, #tpu.memory_space<vmem>> -> memref<1x80x128xf32, #tpu.memory_space<vmem>>
      %dma_start3A_992 = tpu.memref_squeeze %dma_start3A_991 : memref<1x80x128xf32, #tpu.memory_space<vmem>> -> memref<80x128xf32, #tpu.memory_space<vmem>>
      %dma_start3A_993 = arith.constant 0 : i32
      %dma_start3A_994 = tpu.memref_slice %arg9[%dma_start3A_988, %dma_start3A_993] : memref<3x80xi32, #tpu.memory_space<vmem>> -> memref<1x80xi32, #tpu.memory_space<vmem>>
      %dma_start3A_995 = tpu.memref_squeeze %dma_start3A_994 : memref<1x80xi32, #tpu.memory_space<vmem>> -> memref<80xi32, #tpu.memory_space<vmem>>
      %dma_start3A_996 = arith.constant 0 : i32
      %dma_start3A_997 = arith.constant 0 : i32
      %dma_start3A_998 = tpu.memref_slice %arg6[%dma_start3A_996, %dma_start3A_997] : memref<10240x128xf32, #tpu.memory_space<vmem_shared>> -> memref<10240x128xf32, #tpu.memory_space<vmem_shared>>
      tpu.enqueue_indirect_dma source(%dma_start3A_992 : memref<80x128xf32, #tpu.memory_space<vmem>>) target(%dma_start3A_998 : memref<10240x128xf32, #tpu.memory_space<vmem_shared>>) offsets(%dma_start3A_995 : memref<80xi32, #tpu.memory_space<vmem>>) semaphore(%arg23 : memref<!tpu.dma_semaphore, #tpu.memory_space<semaphore_mem>>) {add = true}
      %get3A_999 = arith.constant 1 : i32
      %get3A_1000 = arith.index_cast %get3A_999 : i32 to index
      %get3A_1001 = arith.constant 0 : index
      %get3A_1002 = tpu.vector_load %arg9[%get3A_1000, %get3A_1001] {strides = array<i32>} : memref<3x80xi32, #tpu.memory_space<vmem>>, vector<16xi32>,
      %shift_right_logical3A_1003 = arith.constant 7 : i32
      %shift_right_logical3A_1004 = vector.broadcast %shift_right_logical3A_1003 : i32 to vector<16xi32>
      %shift_right_logical3A_1005 = arith.shrui %get3A_1002, %shift_right_logical3A_1004 : vector<16xi32>
      %and3A_1006 = arith.constant 127 : i32
      %and3A_1007 = vector.broadcast %and3A_1006 : i32 to vector<16xi32>
      %and3A_1008 = arith.andi %get3A_1002, %and3A_1007 : vector<16xi32>
      %broadcast_in_dim3A_1009 = arith.constant 1.000000e+00 : f32
      %broadcast_in_dim3A_1010 = vector.broadcast %broadcast_in_dim3A_1009 : f32 to vector<16xf32>
      tpu.vector_store_idx %arg11[%shift_right_logical3A_1005, %and3A_1008], %broadcast_in_dim3A_1010 {add = true} : memref<80x128xf32, #tpu.memory_space<vmem>>[vector<16xi32>, vector<16xi32>], vector<16xf32>,
      %get3A_1011 = arith.constant 1 : i32
      %get3A_1012 = arith.index_cast %get3A_1011 : i32 to index
      %get3A_1013 = arith.constant 16 : index
      %get3A_1014 = tpu.vector_load %arg9[%get3A_1012, %get3A_1013] {strides = array<i32>} : memref<3x80xi32, #tpu.memory_space<vmem>>, vector<16xi32>,
      %shift_right_logical3A_1015 = arith.constant 7 : i32
      %shift_right_logical3A_1016 = vector.broadcast %shift_right_logical3A_1015 : i32 to vector<16xi32>
      %shift_right_logical3A_1017 = arith.shrui %get3A_1014, %shift_right_logical3A_1016 : vector<16xi32>
      %and3A_1018 = arith.constant 127 : i32
      %and3A_1019 = vector.broadcast %and3A_1018 : i32 to vector<16xi32>
      %and3A_1020 = arith.andi %get3A_1014, %and3A_1019 : vector<16xi32>
      %broadcast_in_dim3A_1021 = arith.constant 1.000000e+00 : f32
      %broadcast_in_dim3A_1022 = vector.broadcast %broadcast_in_dim3A_1021 : f32 to vector<16xf32>
      tpu.vector_store_idx %arg11[%shift_right_logical3A_1017, %and3A_1020], %broadcast_in_dim3A_1022 {add = true} : memref<80x128xf32, #tpu.memory_space<vmem>>[vector<16xi32>, vector<16xi32>], vector<16xf32>,
      %get3A_1023 = arith.constant 1 : i32
      %get3A_1024 = arith.index_cast %get3A_1023 : i32 to index
      %get3A_1025 = arith.constant 32 : index
      %get3A_1026 = tpu.vector_load %arg9[%get3A_1024, %get3A_1025] {strides = array<i32>} : memref<3x80xi32, #tpu.memory_space<vmem>>, vector<16xi32>,
      %shift_right_logical3A_1027 = arith.constant 7 : i32
      %shift_right_logical3A_1028 = vector.broadcast %shift_right_logical3A_1027 : i32 to vector<16xi32>
      %shift_right_logical3A_1029 = arith.shrui %get3A_1026, %shift_right_logical3A_1028 : vector<16xi32>
      %and3A_1030 = arith.constant 127 : i32
      %and3A_1031 = vector.broadcast %and3A_1030 : i32 to vector<16xi32>
      %and3A_1032 = arith.andi %get3A_1026, %and3A_1031 : vector<16xi32>
      %broadcast_in_dim3A_1033 = arith.constant 1.000000e+00 : f32
      %broadcast_in_dim3A_1034 = vector.broadcast %broadcast_in_dim3A_1033 : f32 to vector<16xf32>
      tpu.vector_store_idx %arg11[%shift_right_logical3A_1029, %and3A_1032], %broadcast_in_dim3A_1034 {add = true} : memref<80x128xf32, #tpu.memory_space<vmem>>[vector<16xi32>, vector<16xi32>], vector<16xf32>,
      %get3A_1035 = arith.constant 1 : i32
      %get3A_1036 = arith.index_cast %get3A_1035 : i32 to index
      %get3A_1037 = arith.constant 48 : index
      %get3A_1038 = tpu.vector_load %arg9[%get3A_1036, %get3A_1037] {strides = array<i32>} : memref<3x80xi32, #tpu.memory_space<vmem>>, vector<16xi32>,
      %shift_right_logical3A_1039 = arith.constant 7 : i32
      %shift_right_logical3A_1040 = vector.broadcast %shift_right_logical3A_1039 : i32 to vector<16xi32>
      %shift_right_logical3A_1041 = arith.shrui %get3A_1038, %shift_right_logical3A_1040 : vector<16xi32>
      %and3A_1042 = arith.constant 127 : i32
      %and3A_1043 = vector.broadcast %and3A_1042 : i32 to vector<16xi32>
      %and3A_1044 = arith.andi %get3A_1038, %and3A_1043 : vector<16xi32>
      %broadcast_in_dim3A_1045 = arith.constant 1.000000e+00 : f32
      %broadcast_in_dim3A_1046 = vector.broadcast %broadcast_in_dim3A_1045 : f32 to vector<16xf32>
      tpu.vector_store_idx %arg11[%shift_right_logical3A_1041, %and3A_1044], %broadcast_in_dim3A_1046 {add = true} : memref<80x128xf32, #tpu.memory_space<vmem>>[vector<16xi32>, vector<16xi32>], vector<16xf32>,
      %get3A_1047 = arith.constant 1 : i32
      %get3A_1048 = arith.index_cast %get3A_1047 : i32 to index
      %get3A_1049 = arith.constant 64 : index
      %get3A_1050 = tpu.vector_load %arg9[%get3A_1048, %get3A_1049] {strides = array<i32>} : memref<3x80xi32, #tpu.memory_space<vmem>>, vector<16xi32>,
      %shift_right_logical3A_1051 = arith.constant 7 : i32
      %shift_right_logical3A_1052 = vector.broadcast %shift_right_logical3A_1051 : i32 to vector<16xi32>
      %shift_right_logical3A_1053 = arith.shrui %get3A_1050, %shift_right_logical3A_1052 : vector<16xi32>
      %and3A_1054 = arith.constant 127 : i32
      %and3A_1055 = vector.broadcast %and3A_1054 : i32 to vector<16xi32>
      %and3A_1056 = arith.andi %get3A_1050, %and3A_1055 : vector<16xi32>
      %broadcast_in_dim3A_1057 = arith.constant 1.000000e+00 : f32
      %broadcast_in_dim3A_1058 = vector.broadcast %broadcast_in_dim3A_1057 : f32 to vector<16xf32>
      tpu.vector_store_idx %arg11[%shift_right_logical3A_1053, %and3A_1056], %broadcast_in_dim3A_1058 {add = true} : memref<80x128xf32, #tpu.memory_space<vmem>>[vector<16xi32>, vector<16xi32>], vector<16xf32>,
      %mul3A_1059 = arith.constant 3 : i32
      %mul3A_1060 = arith.muli %mul3A_1059, %scan3A_888 : i32
      %add3A_1061 = arith.constant 2 : i32
      %add3A_1062 = arith.addi %mul3A_1060, %add3A_1061 : i32
      %dma_wait3A_1063 = arith.constant 2 : i32
      %dma_wait3A_1064 = arith.constant 2 : i32
      %dma_wait3A_1065 = arith.constant 0 : i32
      %dma_wait3A_1066 = arith.constant 0 : i32
      %dma_wait3A_1067 = tpu.memref_slice %arg10[%dma_wait3A_1064, %dma_wait3A_1065, %dma_wait3A_1066] : memref<3x80x128xf32, #tpu.memory_space<vmem>> -> memref<1x80x128xf32, #tpu.memory_space<vmem>>
      %dma_wait3A_1068 = tpu.memref_squeeze %dma_wait3A_1067 : memref<1x80x128xf32, #tpu.memory_space<vmem>> -> memref<80x128xf32, #tpu.memory_space<vmem>>
      %dma_wait3A_1069 = arith.constant 0 : i32
      %dma_wait3A_1070 = tpu.memref_slice %arg8[%dma_wait3A_1063, %dma_wait3A_1069] : memref<3x80xi32, #tpu.memory_space<vmem>> -> memref<1x80xi32, #tpu.memory_space<vmem>>
      %dma_wait3A_1071 = tpu.memref_squeeze %dma_wait3A_1070 : memref<1x80xi32, #tpu.memory_space<vmem>> -> memref<80xi32, #tpu.memory_space<vmem>>
      %dma_wait3A_1072 = arith.constant 0 : i32
      %dma_wait3A_1073 = arith.constant 0 : i32
      %dma_wait3A_1074 = tpu.memref_slice %arg2[%dma_wait3A_1072, %dma_wait3A_1073] : memref<10000x128xf32, #tpu.memory_space<hbm>> -> memref<10000x128xf32, #tpu.memory_space<hbm>>
      tpu.wait_indirect_dma semaphore(%arg15 : memref<!tpu.dma_semaphore, #tpu.memory_space<semaphore_mem>>) src(%dma_wait3A_1074 : memref<10000x128xf32, #tpu.memory_space<hbm>>) dst(%dma_wait3A_1068 : memref<80x128xf32, #tpu.memory_space<vmem>>)
      %add3A_1075 = arith.constant 3 : i32
      %add3A_1076 = arith.addi %add3A_1062, %add3A_1075 : i32
      %mul3A_1077 = arith.constant 80 : i32
      %mul3A_1078 = arith.muli %add3A_1076, %mul3A_1077 : i32
      %add3A_1079 = arith.addi %mul3A_80, %mul3A_1078 : i32
      %dma_start3A_1080 = arith.constant 0 : i32
      %dma_start3A_1081 = arith.constant 2 : i32
      %dma_start3A_1082 = arith.constant 0 : i32
      %dma_start3A_1083 = tpu.memref_slice %arg8[%dma_start3A_1081, %dma_start3A_1082] : memref<3x80xi32, #tpu.memory_space<vmem>> -> memref<1x80xi32, #tpu.memory_space<vmem>>
      %dma_start3A_1084 = tpu.memref_squeeze %dma_start3A_1083 : memref<1x80xi32, #tpu.memory_space<vmem>> -> memref<80xi32, #tpu.memory_space<vmem>>
      %dma_start3A_1085 = tpu.memref_slice %arg3[%dma_start3A_1080, %add3A_1079] : memref<2x320000xi32, #tpu.memory_space<hbm>> -> memref<1x80xi32, #tpu.memory_space<hbm>>
      %dma_start3A_1086 = tpu.memref_squeeze %dma_start3A_1085 : memref<1x80xi32, #tpu.memory_space<hbm>> -> memref<80xi32, #tpu.memory_space<hbm>>
      %dma_start3A_1087 = arith.constant 0 : i32
      %dma_start3A_1088 = tpu.memref_slice %arg8[%dma_start3A_1081, %dma_start3A_1087] : memref<3x80xi32, #tpu.memory_space<vmem>> -> memref<1x80xi32, #tpu.memory_space<vmem>>
      %dma_start3A_1089 = tpu.memref_squeeze %dma_start3A_1088 : memref<1x80xi32, #tpu.memory_space<vmem>> -> memref<80xi32, #tpu.memory_space<vmem>>
      %dma_start3A_1090 = tpu.memref_slice %arg3[%dma_start3A_1080, %add3A_1079] : memref<2x320000xi32, #tpu.memory_space<hbm>> -> memref<1x80xi32, #tpu.memory_space<hbm>>
      %dma_start3A_1091 = tpu.memref_squeeze %dma_start3A_1090 : memref<1x80xi32, #tpu.memory_space<hbm>> -> memref<80xi32, #tpu.memory_space<hbm>>
      tpu.enqueue_dma source(%dma_start3A_1091 : memref<80xi32, #tpu.memory_space<hbm>>) target(%dma_start3A_1089 : memref<80xi32, #tpu.memory_space<vmem>>) target_semaphore(%arg18 : memref<!tpu.dma_semaphore, #tpu.memory_space<semaphore_mem>>)
      %dma_wait3A_1092 = arith.constant 1 : i32
      %dma_wait3A_1093 = arith.constant 1 : i32
      %dma_wait3A_1094 = arith.constant 0 : i32
      %dma_wait3A_1095 = arith.constant 0 : i32
      %dma_wait3A_1096 = tpu.memref_slice %arg10[%dma_wait3A_1092, %dma_wait3A_1094, %dma_wait3A_1095] : memref<3x80x128xf32, #tpu.memory_space<vmem>> -> memref<1x80x128xf32, #tpu.memory_space<vmem>>
      %dma_wait3A_1097 = tpu.memref_squeeze %dma_wait3A_1096 : memref<1x80x128xf32, #tpu.memory_space<vmem>> -> memref<80x128xf32, #tpu.memory_space<vmem>>
      %dma_wait3A_1098 = arith.constant 0 : i32
      %dma_wait3A_1099 = tpu.memref_slice %arg9[%dma_wait3A_1093, %dma_wait3A_1098] : memref<3x80xi32, #tpu.memory_space<vmem>> -> memref<1x80xi32, #tpu.memory_space<vmem>>
      %dma_wait3A_1100 = tpu.memref_squeeze %dma_wait3A_1099 : memref<1x80xi32, #tpu.memory_space<vmem>> -> memref<80xi32, #tpu.memory_space<vmem>>
      %dma_wait3A_1101 = arith.constant 0 : i32
      %dma_wait3A_1102 = arith.constant 0 : i32
      %dma_wait3A_1103 = tpu.memref_slice %arg6[%dma_wait3A_1101, %dma_wait3A_1102] : memref<10240x128xf32, #tpu.memory_space<vmem_shared>> -> memref<10240x128xf32, #tpu.memory_space<vmem_shared>>
      tpu.wait_indirect_dma semaphore(%arg23 : memref<!tpu.dma_semaphore, #tpu.memory_space<semaphore_mem>>) src(%dma_wait3A_1097 : memref<80x128xf32, #tpu.memory_space<vmem>>) dst(%dma_wait3A_1103 : memref<10240x128xf32, #tpu.memory_space<vmem_shared>>)
      %add3A_1104 = arith.constant 2 : i32
      %add3A_1105 = arith.addi %add3A_1062, %add3A_1104 : i32
      %mul3A_1106 = arith.constant 80 : i32
      %mul3A_1107 = arith.muli %add3A_1105, %mul3A_1106 : i32
      %add3A_1108 = arith.addi %mul3A_80, %mul3A_1107 : i32
      %dma_start3A_1109 = arith.constant 1 : i32
      %dma_start3A_1110 = arith.constant 1 : i32
      %dma_start3A_1111 = arith.constant 0 : i32
      %dma_start3A_1112 = tpu.memref_slice %arg9[%dma_start3A_1110, %dma_start3A_1111] : memref<3x80xi32, #tpu.memory_space<vmem>> -> memref<1x80xi32, #tpu.memory_space<vmem>>
      %dma_start3A_1113 = tpu.memref_squeeze %dma_start3A_1112 : memref<1x80xi32, #tpu.memory_space<vmem>> -> memref<80xi32, #tpu.memory_space<vmem>>
      %dma_start3A_1114 = tpu.memref_slice %arg3[%dma_start3A_1109, %add3A_1108] : memref<2x320000xi32, #tpu.memory_space<hbm>> -> memref<1x80xi32, #tpu.memory_space<hbm>>
      %dma_start3A_1115 = tpu.memref_squeeze %dma_start3A_1114 : memref<1x80xi32, #tpu.memory_space<hbm>> -> memref<80xi32, #tpu.memory_space<hbm>>
      %dma_start3A_1116 = arith.constant 0 : i32
      %dma_start3A_1117 = tpu.memref_slice %arg9[%dma_start3A_1110, %dma_start3A_1116] : memref<3x80xi32, #tpu.memory_space<vmem>> -> memref<1x80xi32, #tpu.memory_space<vmem>>
      %dma_start3A_1118 = tpu.memref_squeeze %dma_start3A_1117 : memref<1x80xi32, #tpu.memory_space<vmem>> -> memref<80xi32, #tpu.memory_space<vmem>>
      %dma_start3A_1119 = tpu.memref_slice %arg3[%dma_start3A_1109, %add3A_1108] : memref<2x320000xi32, #tpu.memory_space<hbm>> -> memref<1x80xi32, #tpu.memory_space<hbm>>
      %dma_start3A_1120 = tpu.memref_squeeze %dma_start3A_1119 : memref<1x80xi32, #tpu.memory_space<hbm>> -> memref<80xi32, #tpu.memory_space<hbm>>
      tpu.enqueue_dma source(%dma_start3A_1120 : memref<80xi32, #tpu.memory_space<hbm>>) target(%dma_start3A_1118 : memref<80xi32, #tpu.memory_space<vmem>>) target_semaphore(%arg20 : memref<!tpu.dma_semaphore, #tpu.memory_space<semaphore_mem>>)
      %dma_wait3A_1121 = arith.constant 0 : i32
      %dma_wait3A_1122 = arith.constant 1 : i32
      %dma_wait3A_1123 = arith.constant 0 : i32
      %dma_wait3A_1124 = tpu.memref_slice %arg8[%dma_wait3A_1122, %dma_wait3A_1123] : memref<3x80xi32, #tpu.memory_space<vmem>> -> memref<1x80xi32, #tpu.memory_space<vmem>>
      %dma_wait3A_1125 = tpu.memref_squeeze %dma_wait3A_1124 : memref<1x80xi32, #tpu.memory_space<vmem>> -> memref<80xi32, #tpu.memory_space<vmem>>
      %dma_wait3A_1126 = tpu.memref_slice %arg3[%dma_wait3A_1121, %mul3A_80] : memref<2x320000xi32, #tpu.memory_space<hbm>> -> memref<1x80xi32, #tpu.memory_space<hbm>>
      %dma_wait3A_1127 = tpu.memref_squeeze %dma_wait3A_1126 : memref<1x80xi32, #tpu.memory_space<hbm>> -> memref<80xi32, #tpu.memory_space<hbm>>
      %dma_wait3A_1128 = arith.constant 0 : i32
      %dma_wait3A_1129 = tpu.memref_slice %arg8[%dma_wait3A_1122, %dma_wait3A_1128] : memref<3x80xi32, #tpu.memory_space<vmem>> -> memref<1x80xi32, #tpu.memory_space<vmem>>
      %dma_wait3A_1130 = tpu.memref_squeeze %dma_wait3A_1129 : memref<1x80xi32, #tpu.memory_space<vmem>> -> memref<80xi32, #tpu.memory_space<vmem>>
      %dma_wait3A_1131 = tpu.memref_slice %arg3[%dma_wait3A_1121, %mul3A_80] : memref<2x320000xi32, #tpu.memory_space<hbm>> -> memref<1x80xi32, #tpu.memory_space<hbm>>
      %dma_wait3A_1132 = tpu.memref_squeeze %dma_wait3A_1131 : memref<1x80xi32, #tpu.memory_space<hbm>> -> memref<80xi32, #tpu.memory_space<hbm>>
      tpu.wait_dma2 semaphore(%arg17 : memref<!tpu.dma_semaphore, #tpu.memory_space<semaphore_mem>>) src(%dma_wait3A_1132 : memref<80xi32, #tpu.memory_space<hbm>>) dst(%dma_wait3A_1130 : memref<80xi32, #tpu.memory_space<vmem>>)
      %dma_start3A_1133 = arith.constant 1 : i32
      %dma_start3A_1134 = arith.constant 1 : i32
      %dma_start3A_1135 = arith.constant 0 : i32
      %dma_start3A_1136 = arith.constant 0 : i32
      %dma_start3A_1137 = tpu.memref_slice %arg10[%dma_start3A_1134, %dma_start3A_1135, %dma_start3A_1136] : memref<3x80x128xf32, #tpu.memory_space<vmem>> -> memref<1x80x128xf32, #tpu.memory_space<vmem>>
      %dma_start3A_1138 = tpu.memref_squeeze %dma_start3A_1137 : memref<1x80x128xf32, #tpu.memory_space<vmem>> -> memref<80x128xf32, #tpu.memory_space<vmem>>
      %dma_start3A_1139 = arith.constant 0 : i32
      %dma_start3A_1140 = tpu.memref_slice %arg8[%dma_start3A_1133, %dma_start3A_1139] : memref<3x80xi32, #tpu.memory_space<vmem>> -> memref<1x80xi32, #tpu.memory_space<vmem>>
      %dma_start3A_1141 = tpu.memref_squeeze %dma_start3A_1140 : memref<1x80xi32, #tpu.memory_space<vmem>> -> memref<80xi32, #tpu.memory_space<vmem>>
      %dma_start3A_1142 = arith.constant 0 : i32
      %dma_start3A_1143 = arith.constant 0 : i32
      %dma_start3A_1144 = tpu.memref_slice %arg2[%dma_start3A_1142, %dma_start3A_1143] : memref<10000x128xf32, #tpu.memory_space<hbm>> -> memref<10000x128xf32, #tpu.memory_space<hbm>>
      tpu.enqueue_indirect_dma source(%dma_start3A_1144 : memref<10000x128xf32, #tpu.memory_space<hbm>>) target(%dma_start3A_1138 : memref<80x128xf32, #tpu.memory_space<vmem>>) offsets(%dma_start3A_1141 : memref<80xi32, #tpu.memory_space<vmem>>) semaphore(%arg14 : memref<!tpu.dma_semaphore, #tpu.memory_space<semaphore_mem>>)
      %dma_wait3A_1145 = arith.constant 0 : i32
      %dma_wait3A_1146 = arith.constant 2 : i32
      %dma_wait3A_1147 = arith.constant 0 : i32
      %dma_wait3A_1148 = tpu.memref_slice %arg9[%dma_wait3A_1146, %dma_wait3A_1147] : memref<3x80xi32, #tpu.memory_space<vmem>> -> memref<1x80xi32, #tpu.memory_space<vmem>>
      %dma_wait3A_1149 = tpu.memref_squeeze %dma_wait3A_1148 : memref<1x80xi32, #tpu.memory_space<vmem>> -> memref<80xi32, #tpu.memory_space<vmem>>
      %dma_wait3A_1150 = tpu.memref_slice %arg3[%dma_wait3A_1145, %mul3A_80] : memref<2x320000xi32, #tpu.memory_space<hbm>> -> memref<1x80xi32, #tpu.memory_space<hbm>>
      %dma_wait3A_1151 = tpu.memref_squeeze %dma_wait3A_1150 : memref<1x80xi32, #tpu.memory_space<hbm>> -> memref<80xi32, #tpu.memory_space<hbm>>
      %dma_wait3A_1152 = arith.constant 0 : i32
      %dma_wait3A_1153 = tpu.memref_slice %arg9[%dma_wait3A_1146, %dma_wait3A_1152] : memref<3x80xi32, #tpu.memory_space<vmem>> -> memref<1x80xi32, #tpu.memory_space<vmem>>
      %dma_wait3A_1154 = tpu.memref_squeeze %dma_wait3A_1153 : memref<1x80xi32, #tpu.memory_space<vmem>> -> memref<80xi32, #tpu.memory_space<vmem>>
      %dma_wait3A_1155 = tpu.memref_slice %arg3[%dma_wait3A_1145, %mul3A_80] : memref<2x320000xi32, #tpu.memory_space<hbm>> -> memref<1x80xi32, #tpu.memory_space<hbm>>
      %dma_wait3A_1156 = tpu.memref_squeeze %dma_wait3A_1155 : memref<1x80xi32, #tpu.memory_space<hbm>> -> memref<80xi32, #tpu.memory_space<hbm>>
      tpu.wait_dma2 semaphore(%arg21 : memref<!tpu.dma_semaphore, #tpu.memory_space<semaphore_mem>>) src(%dma_wait3A_1156 : memref<80xi32, #tpu.memory_space<hbm>>) dst(%dma_wait3A_1154 : memref<80xi32, #tpu.memory_space<vmem>>)
      %dma_start3A_1157 = arith.constant 2 : i32
      %dma_start3A_1158 = arith.constant 2 : i32
      %dma_start3A_1159 = arith.constant 0 : i32
      %dma_start3A_1160 = arith.constant 0 : i32
      %dma_start3A_1161 = tpu.memref_slice %arg10[%dma_start3A_1157, %dma_start3A_1159, %dma_start3A_1160] : memref<3x80x128xf32, #tpu.memory_space<vmem>> -> memref<1x80x128xf32, #tpu.memory_space<vmem>>
      %dma_start3A_1162 = tpu.memref_squeeze %dma_start3A_1161 : memref<1x80x128xf32, #tpu.memory_space<vmem>> -> memref<80x128xf32, #tpu.memory_space<vmem>>
      %dma_start3A_1163 = arith.constant 0 : i32
      %dma_start3A_1164 = tpu.memref_slice %arg9[%dma_start3A_1158, %dma_start3A_1163] : memref<3x80xi32, #tpu.memory_space<vmem>> -> memref<1x80xi32, #tpu.memory_space<vmem>>
      %dma_start3A_1165 = tpu.memref_squeeze %dma_start3A_1164 : memref<1x80xi32, #tpu.memory_space<vmem>> -> memref<80xi32, #tpu.memory_space<vmem>>
      %dma_start3A_1166 = arith.constant 0 : i32
      %dma_start3A_1167 = arith.constant 0 : i32
      %dma_start3A_1168 = tpu.memref_slice %arg6[%dma_start3A_1166, %dma_start3A_1167] : memref<10240x128xf32, #tpu.memory_space<vmem_shared>> -> memref<10240x128xf32, #tpu.memory_space<vmem_shared>>
      tpu.enqueue_indirect_dma source(%dma_start3A_1162 : memref<80x128xf32, #tpu.memory_space<vmem>>) target(%dma_start3A_1168 : memref<10240x128xf32, #tpu.memory_space<vmem_shared>>) offsets(%dma_start3A_1165 : memref<80xi32, #tpu.memory_space<vmem>>) semaphore(%arg24 : memref<!tpu.dma_semaphore, #tpu.memory_space<semaphore_mem>>) {add = true}
      %get3A_1169 = arith.constant 2 : i32
      %get3A_1170 = arith.index_cast %get3A_1169 : i32 to index
      %get3A_1171 = arith.constant 0 : index
      %get3A_1172 = tpu.vector_load %arg9[%get3A_1170, %get3A_1171] {strides = array<i32>} : memref<3x80xi32, #tpu.memory_space<vmem>>, vector<16xi32>,
      %shift_right_logical3A_1173 = arith.constant 7 : i32
      %shift_right_logical3A_1174 = vector.broadcast %shift_right_logical3A_1173 : i32 to vector<16xi32>
      %shift_right_logical3A_1175 = arith.shrui %get3A_1172, %shift_right_logical3A_1174 : vector<16xi32>
      %and3A_1176 = arith.constant 127 : i32
      %and3A_1177 = vector.broadcast %and3A_1176 : i32 to vector<16xi32>
      %and3A_1178 = arith.andi %get3A_1172, %and3A_1177 : vector<16xi32>
      %broadcast_in_dim3A_1179 = arith.constant 1.000000e+00 : f32
      %broadcast_in_dim3A_1180 = vector.broadcast %broadcast_in_dim3A_1179 : f32 to vector<16xf32>
      tpu.vector_store_idx %arg11[%shift_right_logical3A_1175, %and3A_1178], %broadcast_in_dim3A_1180 {add = true} : memref<80x128xf32, #tpu.memory_space<vmem>>[vector<16xi32>, vector<16xi32>], vector<16xf32>,
      %get3A_1181 = arith.constant 2 : i32
      %get3A_1182 = arith.index_cast %get3A_1181 : i32 to index
      %get3A_1183 = arith.constant 16 : index
      %get3A_1184 = tpu.vector_load %arg9[%get3A_1182, %get3A_1183] {strides = array<i32>} : memref<3x80xi32, #tpu.memory_space<vmem>>, vector<16xi32>,
      %shift_right_logical3A_1185 = arith.constant 7 : i32
      %shift_right_logical3A_1186 = vector.broadcast %shift_right_logical3A_1185 : i32 to vector<16xi32>
      %shift_right_logical3A_1187 = arith.shrui %get3A_1184, %shift_right_logical3A_1186 : vector<16xi32>
      %and3A_1188 = arith.constant 127 : i32
      %and3A_1189 = vector.broadcast %and3A_1188 : i32 to vector<16xi32>
      %and3A_1190 = arith.andi %get3A_1184, %and3A_1189 : vector<16xi32>
      %broadcast_in_dim3A_1191 = arith.constant 1.000000e+00 : f32
      %broadcast_in_dim3A_1192 = vector.broadcast %broadcast_in_dim3A_1191 : f32 to vector<16xf32>
      tpu.vector_store_idx %arg11[%shift_right_logical3A_1187, %and3A_1190], %broadcast_in_dim3A_1192 {add = true} : memref<80x128xf32, #tpu.memory_space<vmem>>[vector<16xi32>, vector<16xi32>], vector<16xf32>,
      %get3A_1193 = arith.constant 2 : i32
      %get3A_1194 = arith.index_cast %get3A_1193 : i32 to index
      %get3A_1195 = arith.constant 32 : index
      %get3A_1196 = tpu.vector_load %arg9[%get3A_1194, %get3A_1195] {strides = array<i32>} : memref<3x80xi32, #tpu.memory_space<vmem>>, vector<16xi32>,
      %shift_right_logical3A_1197 = arith.constant 7 : i32
      %shift_right_logical3A_1198 = vector.broadcast %shift_right_logical3A_1197 : i32 to vector<16xi32>
      %shift_right_logical3A_1199 = arith.shrui %get3A_1196, %shift_right_logical3A_1198 : vector<16xi32>
      %and3A_1200 = arith.constant 127 : i32
      %and3A_1201 = vector.broadcast %and3A_1200 : i32 to vector<16xi32>
      %and3A_1202 = arith.andi %get3A_1196, %and3A_1201 : vector<16xi32>
      %broadcast_in_dim3A_1203 = arith.constant 1.000000e+00 : f32
      %broadcast_in_dim3A_1204 = vector.broadcast %broadcast_in_dim3A_1203 : f32 to vector<16xf32>
      tpu.vector_store_idx %arg11[%shift_right_logical3A_1199, %and3A_1202], %broadcast_in_dim3A_1204 {add = true} : memref<80x128xf32, #tpu.memory_space<vmem>>[vector<16xi32>, vector<16xi32>], vector<16xf32>,
      %get3A_1205 = arith.constant 2 : i32
      %get3A_1206 = arith.index_cast %get3A_1205 : i32 to index
      %get3A_1207 = arith.constant 48 : index
      %get3A_1208 = tpu.vector_load %arg9[%get3A_1206, %get3A_1207] {strides = array<i32>} : memref<3x80xi32, #tpu.memory_space<vmem>>, vector<16xi32>,
      %shift_right_logical3A_1209 = arith.constant 7 : i32
      %shift_right_logical3A_1210 = vector.broadcast %shift_right_logical3A_1209 : i32 to vector<16xi32>
      %shift_right_logical3A_1211 = arith.shrui %get3A_1208, %shift_right_logical3A_1210 : vector<16xi32>
      %and3A_1212 = arith.constant 127 : i32
      %and3A_1213 = vector.broadcast %and3A_1212 : i32 to vector<16xi32>
      %and3A_1214 = arith.andi %get3A_1208, %and3A_1213 : vector<16xi32>
      %broadcast_in_dim3A_1215 = arith.constant 1.000000e+00 : f32
      %broadcast_in_dim3A_1216 = vector.broadcast %broadcast_in_dim3A_1215 : f32 to vector<16xf32>
      tpu.vector_store_idx %arg11[%shift_right_logical3A_1211, %and3A_1214], %broadcast_in_dim3A_1216 {add = true} : memref<80x128xf32, #tpu.memory_space<vmem>>[vector<16xi32>, vector<16xi32>], vector<16xf32>,
      %get3A_1217 = arith.constant 2 : i32
      %get3A_1218 = arith.index_cast %get3A_1217 : i32 to index
      %get3A_1219 = arith.constant 64 : index
      %get3A_1220 = tpu.vector_load %arg9[%get3A_1218, %get3A_1219] {strides = array<i32>} : memref<3x80xi32, #tpu.memory_space<vmem>>, vector<16xi32>,
      %shift_right_logical3A_1221 = arith.constant 7 : i32
      %shift_right_logical3A_1222 = vector.broadcast %shift_right_logical3A_1221 : i32 to vector<16xi32>
      %shift_right_logical3A_1223 = arith.shrui %get3A_1220, %shift_right_logical3A_1222 : vector<16xi32>
      %and3A_1224 = arith.constant 127 : i32
      %and3A_1225 = vector.broadcast %and3A_1224 : i32 to vector<16xi32>
      %and3A_1226 = arith.andi %get3A_1220, %and3A_1225 : vector<16xi32>
      %broadcast_in_dim3A_1227 = arith.constant 1.000000e+00 : f32
      %broadcast_in_dim3A_1228 = vector.broadcast %broadcast_in_dim3A_1227 : f32 to vector<16xf32>
      tpu.vector_store_idx %arg11[%shift_right_logical3A_1223, %and3A_1226], %broadcast_in_dim3A_1228 {add = true} : memref<80x128xf32, #tpu.memory_space<vmem>>[vector<16xi32>, vector<16xi32>], vector<16xf32>,
      %mul3A_1229 = arith.constant 3 : i32
      %mul3A_1230 = arith.muli %mul3A_1229, %scan3A_888 : i32
      %add3A_1231 = arith.constant 3 : i32
      %add3A_1232 = arith.addi %mul3A_1230, %add3A_1231 : i32
      %dma_wait3A_1233 = arith.constant 0 : i32
      %dma_wait3A_1234 = arith.constant 0 : i32
      %dma_wait3A_1235 = arith.constant 0 : i32
      %dma_wait3A_1236 = arith.constant 0 : i32
      %dma_wait3A_1237 = tpu.memref_slice %arg10[%dma_wait3A_1234, %dma_wait3A_1235, %dma_wait3A_1236] : memref<3x80x128xf32, #tpu.memory_space<vmem>> -> memref<1x80x128xf32, #tpu.memory_space<vmem>>
      %dma_wait3A_1238 = tpu.memref_squeeze %dma_wait3A_1237 : memref<1x80x128xf32, #tpu.memory_space<vmem>> -> memref<80x128xf32, #tpu.memory_space<vmem>>
      %dma_wait3A_1239 = arith.constant 0 : i32
      %dma_wait3A_1240 = tpu.memref_slice %arg8[%dma_wait3A_1233, %dma_wait3A_1239] : memref<3x80xi32, #tpu.memory_space<vmem>> -> memref<1x80xi32, #tpu.memory_space<vmem>>
      %dma_wait3A_1241 = tpu.memref_squeeze %dma_wait3A_1240 : memref<1x80xi32, #tpu.memory_space<vmem>> -> memref<80xi32, #tpu.memory_space<vmem>>
      %dma_wait3A_1242 = arith.constant 0 : i32
      %dma_wait3A_1243 = arith.constant 0 : i32
      %dma_wait3A_1244 = tpu.memref_slice %arg2[%dma_wait3A_1242, %dma_wait3A_1243] : memref<10000x128xf32, #tpu.memory_space<hbm>> -> memref<10000x128xf32, #tpu.memory_space<hbm>>
      tpu.wait_indirect_dma semaphore(%arg13 : memref<!tpu.dma_semaphore, #tpu.memory_space<semaphore_mem>>) src(%dma_wait3A_1244 : memref<10000x128xf32, #tpu.memory_space<hbm>>) dst(%dma_wait3A_1238 : memref<80x128xf32, #tpu.memory_space<vmem>>)
      %add3A_1245 = arith.constant 3 : i32
      %add3A_1246 = arith.addi %add3A_1232, %add3A_1245 : i32
      %mul3A_1247 = arith.constant 80 : i32
      %mul3A_1248 = arith.muli %add3A_1246, %mul3A_1247 : i32
      %add3A_1249 = arith.addi %mul3A_80, %mul3A_1248 : i32
      %dma_start3A_1250 = arith.constant 0 : i32
      %dma_start3A_1251 = arith.constant 0 : i32
      %dma_start3A_1252 = arith.constant 0 : i32
      %dma_start3A_1253 = tpu.memref_slice %arg8[%dma_start3A_1251, %dma_start3A_1252] : memref<3x80xi32, #tpu.memory_space<vmem>> -> memref<1x80xi32, #tpu.memory_space<vmem>>
      %dma_start3A_1254 = tpu.memref_squeeze %dma_start3A_1253 : memref<1x80xi32, #tpu.memory_space<vmem>> -> memref<80xi32, #tpu.memory_space<vmem>>
      %dma_start3A_1255 = tpu.memref_slice %arg3[%dma_start3A_1250, %add3A_1249] : memref<2x320000xi32, #tpu.memory_space<hbm>> -> memref<1x80xi32, #tpu.memory_space<hbm>>
      %dma_start3A_1256 = tpu.memref_squeeze %dma_start3A_1255 : memref<1x80xi32, #tpu.memory_space<hbm>> -> memref<80xi32, #tpu.memory_space<hbm>>
      %dma_start3A_1257 = arith.constant 0 : i32
      %dma_start3A_1258 = tpu.memref_slice %arg8[%dma_start3A_1251, %dma_start3A_1257] : memref<3x80xi32, #tpu.memory_space<vmem>> -> memref<1x80xi32, #tpu.memory_space<vmem>>
      %dma_start3A_1259 = tpu.memref_squeeze %dma_start3A_1258 : memref<1x80xi32, #tpu.memory_space<vmem>> -> memref<80xi32, #tpu.memory_space<vmem>>
      %dma_start3A_1260 = tpu.memref_slice %arg3[%dma_start3A_1250, %add3A_1249] : memref<2x320000xi32, #tpu.memory_space<hbm>> -> memref<1x80xi32, #tpu.memory_space<hbm>>
      %dma_start3A_1261 = tpu.memref_squeeze %dma_start3A_1260 : memref<1x80xi32, #tpu.memory_space<hbm>> -> memref<80xi32, #tpu.memory_space<hbm>>
      tpu.enqueue_dma source(%dma_start3A_1261 : memref<80xi32, #tpu.memory_space<hbm>>) target(%dma_start3A_1259 : memref<80xi32, #tpu.memory_space<vmem>>) target_semaphore(%arg16 : memref<!tpu.dma_semaphore, #tpu.memory_space<semaphore_mem>>)
      %dma_wait3A_1262 = arith.constant 2 : i32
      %dma_wait3A_1263 = arith.constant 2 : i32
      %dma_wait3A_1264 = arith.constant 0 : i32
      %dma_wait3A_1265 = arith.constant 0 : i32
      %dma_wait3A_1266 = tpu.memref_slice %arg10[%dma_wait3A_1262, %dma_wait3A_1264, %dma_wait3A_1265] : memref<3x80x128xf32, #tpu.memory_space<vmem>> -> memref<1x80x128xf32, #tpu.memory_space<vmem>>
      %dma_wait3A_1267 = tpu.memref_squeeze %dma_wait3A_1266 : memref<1x80x128xf32, #tpu.memory_space<vmem>> -> memref<80x128xf32, #tpu.memory_space<vmem>>
      %dma_wait3A_1268 = arith.constant 0 : i32
      %dma_wait3A_1269 = tpu.memref_slice %arg9[%dma_wait3A_1263, %dma_wait3A_1268] : memref<3x80xi32, #tpu.memory_space<vmem>> -> memref<1x80xi32, #tpu.memory_space<vmem>>
      %dma_wait3A_1270 = tpu.memref_squeeze %dma_wait3A_1269 : memref<1x80xi32, #tpu.memory_space<vmem>> -> memref<80xi32, #tpu.memory_space<vmem>>
      %dma_wait3A_1271 = arith.constant 0 : i32
      %dma_wait3A_1272 = arith.constant 0 : i32
      %dma_wait3A_1273 = tpu.memref_slice %arg6[%dma_wait3A_1271, %dma_wait3A_1272] : memref<10240x128xf32, #tpu.memory_space<vmem_shared>> -> memref<10240x128xf32, #tpu.memory_space<vmem_shared>>
      tpu.wait_indirect_dma semaphore(%arg24 : memref<!tpu.dma_semaphore, #tpu.memory_space<semaphore_mem>>) src(%dma_wait3A_1267 : memref<80x128xf32, #tpu.memory_space<vmem>>) dst(%dma_wait3A_1273 : memref<10240x128xf32, #tpu.memory_space<vmem_shared>>)
      %add3A_1274 = arith.constant 2 : i32
      %add3A_1275 = arith.addi %add3A_1232, %add3A_1274 : i32
      %mul3A_1276 = arith.constant 80 : i32
      %mul3A_1277 = arith.muli %add3A_1275, %mul3A_1276 : i32
      %add3A_1278 = arith.addi %mul3A_80, %mul3A_1277 : i32
      %dma_start3A_1279 = arith.constant 1 : i32
      %dma_start3A_1280 = arith.constant 2 : i32
      %dma_start3A_1281 = arith.constant 0 : i32
      %dma_start3A_1282 = tpu.memref_slice %arg9[%dma_start3A_1280, %dma_start3A_1281] : memref<3x80xi32, #tpu.memory_space<vmem>> -> memref<1x80xi32, #tpu.memory_space<vmem>>
      %dma_start3A_1283 = tpu.memref_squeeze %dma_start3A_1282 : memref<1x80xi32, #tpu.memory_space<vmem>> -> memref<80xi32, #tpu.memory_space<vmem>>
      %dma_start3A_1284 = tpu.memref_slice %arg3[%dma_start3A_1279, %add3A_1278] : memref<2x320000xi32, #tpu.memory_space<hbm>> -> memref<1x80xi32, #tpu.memory_space<hbm>>
      %dma_start3A_1285 = tpu.memref_squeeze %dma_start3A_1284 : memref<1x80xi32, #tpu.memory_space<hbm>> -> memref<80xi32, #tpu.memory_space<hbm>>
      %dma_start3A_1286 = arith.constant 0 : i32
      %dma_start3A_1287 = tpu.memref_slice %arg9[%dma_start3A_1280, %dma_start3A_1286] : memref<3x80xi32, #tpu.memory_space<vmem>> -> memref<1x80xi32, #tpu.memory_space<vmem>>
      %dma_start3A_1288 = tpu.memref_squeeze %dma_start3A_1287 : memref<1x80xi32, #tpu.memory_space<vmem>> -> memref<80xi32, #tpu.memory_space<vmem>>
      %dma_start3A_1289 = tpu.memref_slice %arg3[%dma_start3A_1279, %add3A_1278] : memref<2x320000xi32, #tpu.memory_space<hbm>> -> memref<1x80xi32, #tpu.memory_space<hbm>>
      %dma_start3A_1290 = tpu.memref_squeeze %dma_start3A_1289 : memref<1x80xi32, #tpu.memory_space<hbm>> -> memref<80xi32, #tpu.memory_space<hbm>>
      tpu.enqueue_dma source(%dma_start3A_1290 : memref<80xi32, #tpu.memory_space<hbm>>) target(%dma_start3A_1288 : memref<80xi32, #tpu.memory_space<vmem>>) target_semaphore(%arg21 : memref<!tpu.dma_semaphore, #tpu.memory_space<semaphore_mem>>)
      %dma_wait3A_1291 = arith.constant 0 : i32
      %dma_wait3A_1292 = arith.constant 2 : i32
      %dma_wait3A_1293 = arith.constant 0 : i32
      %dma_wait3A_1294 = tpu.memref_slice %arg8[%dma_wait3A_1292, %dma_wait3A_1293] : memref<3x80xi32, #tpu.memory_space<vmem>> -> memref<1x80xi32, #tpu.memory_space<vmem>>
      %dma_wait3A_1295 = tpu.memref_squeeze %dma_wait3A_1294 : memref<1x80xi32, #tpu.memory_space<vmem>> -> memref<80xi32, #tpu.memory_space<vmem>>
      %dma_wait3A_1296 = tpu.memref_slice %arg3[%dma_wait3A_1291, %mul3A_80] : memref<2x320000xi32, #tpu.memory_space<hbm>> -> memref<1x80xi32, #tpu.memory_space<hbm>>
      %dma_wait3A_1297 = tpu.memref_squeeze %dma_wait3A_1296 : memref<1x80xi32, #tpu.memory_space<hbm>> -> memref<80xi32, #tpu.memory_space<hbm>>
      %dma_wait3A_1298 = arith.constant 0 : i32
      %dma_wait3A_1299 = tpu.memref_slice %arg8[%dma_wait3A_1292, %dma_wait3A_1298] : memref<3x80xi32, #tpu.memory_space<vmem>> -> memref<1x80xi32, #tpu.memory_space<vmem>>
      %dma_wait3A_1300 = tpu.memref_squeeze %dma_wait3A_1299 : memref<1x80xi32, #tpu.memory_space<vmem>> -> memref<80xi32, #tpu.memory_space<vmem>>
      %dma_wait3A_1301 = tpu.memref_slice %arg3[%dma_wait3A_1291, %mul3A_80] : memref<2x320000xi32, #tpu.memory_space<hbm>> -> memref<1x80xi32, #tpu.memory_space<hbm>>
      %dma_wait3A_1302 = tpu.memref_squeeze %dma_wait3A_1301 : memref<1x80xi32, #tpu.memory_space<hbm>> -> memref<80xi32, #tpu.memory_space<hbm>>
      tpu.wait_dma2 semaphore(%arg18 : memref<!tpu.dma_semaphore, #tpu.memory_space<semaphore_mem>>) src(%dma_wait3A_1302 : memref<80xi32, #tpu.memory_space<hbm>>) dst(%dma_wait3A_1300 : memref<80xi32, #tpu.memory_space<vmem>>)
      %dma_start3A_1303 = arith.constant 2 : i32
      %dma_start3A_1304 = arith.constant 2 : i32
      %dma_start3A_1305 = arith.constant 0 : i32
      %dma_start3A_1306 = arith.constant 0 : i32
      %dma_start3A_1307 = tpu.memref_slice %arg10[%dma_start3A_1304, %dma_start3A_1305, %dma_start3A_1306] : memref<3x80x128xf32, #tpu.memory_space<vmem>> -> memref<1x80x128xf32, #tpu.memory_space<vmem>>
      %dma_start3A_1308 = tpu.memref_squeeze %dma_start3A_1307 : memref<1x80x128xf32, #tpu.memory_space<vmem>> -> memref<80x128xf32, #tpu.memory_space<vmem>>
      %dma_start3A_1309 = arith.constant 0 : i32
      %dma_start3A_1310 = tpu.memref_slice %arg8[%dma_start3A_1303, %dma_start3A_1309] : memref<3x80xi32, #tpu.memory_space<vmem>> -> memref<1x80xi32, #tpu.memory_space<vmem>>
      %dma_start3A_1311 = tpu.memref_squeeze %dma_start3A_1310 : memref<1x80xi32, #tpu.memory_space<vmem>> -> memref<80xi32, #tpu.memory_space<vmem>>
      %dma_start3A_1312 = arith.constant 0 : i32
      %dma_start3A_1313 = arith.constant 0 : i32
      %dma_start3A_1314 = tpu.memref_slice %arg2[%dma_start3A_1312, %dma_start3A_1313] : memref<10000x128xf32, #tpu.memory_space<hbm>> -> memref<10000x128xf32, #tpu.memory_space<hbm>>
      tpu.enqueue_indirect_dma source(%dma_start3A_1314 : memref<10000x128xf32, #tpu.memory_space<hbm>>) target(%dma_start3A_1308 : memref<80x128xf32, #tpu.memory_space<vmem>>) offsets(%dma_start3A_1311 : memref<80xi32, #tpu.memory_space<vmem>>) semaphore(%arg15 : memref<!tpu.dma_semaphore, #tpu.memory_space<semaphore_mem>>)
      %dma_wait3A_1315 = arith.constant 0 : i32
      %dma_wait3A_1316 = arith.constant 0 : i32
      %dma_wait3A_1317 = arith.constant 0 : i32
      %dma_wait3A_1318 = tpu.memref_slice %arg9[%dma_wait3A_1316, %dma_wait3A_1317] : memref<3x80xi32, #tpu.memory_space<vmem>> -> memref<1x80xi32, #tpu.memory_space<vmem>>
      %dma_wait3A_1319 = tpu.memref_squeeze %dma_wait3A_1318 : memref<1x80xi32, #tpu.memory_space<vmem>> -> memref<80xi32, #tpu.memory_space<vmem>>
      %dma_wait3A_1320 = tpu.memref_slice %arg3[%dma_wait3A_1315, %mul3A_80] : memref<2x320000xi32, #tpu.memory_space<hbm>> -> memref<1x80xi32, #tpu.memory_space<hbm>>
      %dma_wait3A_1321 = tpu.memref_squeeze %dma_wait3A_1320 : memref<1x80xi32, #tpu.memory_space<hbm>> -> memref<80xi32, #tpu.memory_space<hbm>>
      %dma_wait3A_1322 = arith.constant 0 : i32
      %dma_wait3A_1323 = tpu.memref_slice %arg9[%dma_wait3A_1316, %dma_wait3A_1322] : memref<3x80xi32, #tpu.memory_space<vmem>> -> memref<1x80xi32, #tpu.memory_space<vmem>>
      %dma_wait3A_1324 = tpu.memref_squeeze %dma_wait3A_1323 : memref<1x80xi32, #tpu.memory_space<vmem>> -> memref<80xi32, #tpu.memory_space<vmem>>
      %dma_wait3A_1325 = tpu.memref_slice %arg3[%dma_wait3A_1315, %mul3A_80] : memref<2x320000xi32, #tpu.memory_space<hbm>> -> memref<1x80xi32, #tpu.memory_space<hbm>>
      %dma_wait3A_1326 = tpu.memref_squeeze %dma_wait3A_1325 : memref<1x80xi32, #tpu.memory_space<hbm>> -> memref<80xi32, #tpu.memory_space<hbm>>
      tpu.wait_dma2 semaphore(%arg19 : memref<!tpu.dma_semaphore, #tpu.memory_space<semaphore_mem>>) src(%dma_wait3A_1326 : memref<80xi32, #tpu.memory_space<hbm>>) dst(%dma_wait3A_1324 : memref<80xi32, #tpu.memory_space<vmem>>)
      %dma_start3A_1327 = arith.constant 0 : i32
      %dma_start3A_1328 = arith.constant 0 : i32
      %dma_start3A_1329 = arith.constant 0 : i32
      %dma_start3A_1330 = arith.constant 0 : i32
      %dma_start3A_1331 = tpu.memref_slice %arg10[%dma_start3A_1327, %dma_start3A_1329, %dma_start3A_1330] : memref<3x80x128xf32, #tpu.memory_space<vmem>> -> memref<1x80x128xf32, #tpu.memory_space<vmem>>
      %dma_start3A_1332 = tpu.memref_squeeze %dma_start3A_1331 : memref<1x80x128xf32, #tpu.memory_space<vmem>> -> memref<80x128xf32, #tpu.memory_space<vmem>>
      %dma_start3A_1333 = arith.constant 0 : i32
      %dma_start3A_1334 = tpu.memref_slice %arg9[%dma_start3A_1328, %dma_start3A_1333] : memref<3x80xi32, #tpu.memory_space<vmem>> -> memref<1x80xi32, #tpu.memory_space<vmem>>
      %dma_start3A_1335 = tpu.memref_squeeze %dma_start3A_1334 : memref<1x80xi32, #tpu.memory_space<vmem>> -> memref<80xi32, #tpu.memory_space<vmem>>
      %dma_start3A_1336 = arith.constant 0 : i32
      %dma_start3A_1337 = arith.constant 0 : i32
      %dma_start3A_1338 = tpu.memref_slice %arg6[%dma_start3A_1336, %dma_start3A_1337] : memref<10240x128xf32, #tpu.memory_space<vmem_shared>> -> memref<10240x128xf32, #tpu.memory_space<vmem_shared>>
      tpu.enqueue_indirect_dma source(%dma_start3A_1332 : memref<80x128xf32, #tpu.memory_space<vmem>>) target(%dma_start3A_1338 : memref<10240x128xf32, #tpu.memory_space<vmem_shared>>) offsets(%dma_start3A_1335 : memref<80xi32, #tpu.memory_space<vmem>>) semaphore(%arg22 : memref<!tpu.dma_semaphore, #tpu.memory_space<semaphore_mem>>) {add = true}
      %get3A_1339 = arith.constant 0 : i32
      %get3A_1340 = arith.index_cast %get3A_1339 : i32 to index
      %get3A_1341 = arith.constant 0 : index
      %get3A_1342 = tpu.vector_load %arg9[%get3A_1340, %get3A_1341] {strides = array<i32>} : memref<3x80xi32, #tpu.memory_space<vmem>>, vector<16xi32>,
      %shift_right_logical3A_1343 = arith.constant 7 : i32
      %shift_right_logical3A_1344 = vector.broadcast %shift_right_logical3A_1343 : i32 to vector<16xi32>
      %shift_right_logical3A_1345 = arith.shrui %get3A_1342, %shift_right_logical3A_1344 : vector<16xi32>
      %and3A_1346 = arith.constant 127 : i32
      %and3A_1347 = vector.broadcast %and3A_1346 : i32 to vector<16xi32>
      %and3A_1348 = arith.andi %get3A_1342, %and3A_1347 : vector<16xi32>
      %broadcast_in_dim3A_1349 = arith.constant 1.000000e+00 : f32
      %broadcast_in_dim3A_1350 = vector.broadcast %broadcast_in_dim3A_1349 : f32 to vector<16xf32>
      tpu.vector_store_idx %arg11[%shift_right_logical3A_1345, %and3A_1348], %broadcast_in_dim3A_1350 {add = true} : memref<80x128xf32, #tpu.memory_space<vmem>>[vector<16xi32>, vector<16xi32>], vector<16xf32>,
      %get3A_1351 = arith.constant 0 : i32
      %get3A_1352 = arith.index_cast %get3A_1351 : i32 to index
      %get3A_1353 = arith.constant 16 : index
      %get3A_1354 = tpu.vector_load %arg9[%get3A_1352, %get3A_1353] {strides = array<i32>} : memref<3x80xi32, #tpu.memory_space<vmem>>, vector<16xi32>,
      %shift_right_logical3A_1355 = arith.constant 7 : i32
      %shift_right_logical3A_1356 = vector.broadcast %shift_right_logical3A_1355 : i32 to vector<16xi32>
      %shift_right_logical3A_1357 = arith.shrui %get3A_1354, %shift_right_logical3A_1356 : vector<16xi32>
      %and3A_1358 = arith.constant 127 : i32
      %and3A_1359 = vector.broadcast %and3A_1358 : i32 to vector<16xi32>
      %and3A_1360 = arith.andi %get3A_1354, %and3A_1359 : vector<16xi32>
      %broadcast_in_dim3A_1361 = arith.constant 1.000000e+00 : f32
      %broadcast_in_dim3A_1362 = vector.broadcast %broadcast_in_dim3A_1361 : f32 to vector<16xf32>
      tpu.vector_store_idx %arg11[%shift_right_logical3A_1357, %and3A_1360], %broadcast_in_dim3A_1362 {add = true} : memref<80x128xf32, #tpu.memory_space<vmem>>[vector<16xi32>, vector<16xi32>], vector<16xf32>,
      %get3A_1363 = arith.constant 0 : i32
      %get3A_1364 = arith.index_cast %get3A_1363 : i32 to index
      %get3A_1365 = arith.constant 32 : index
      %get3A_1366 = tpu.vector_load %arg9[%get3A_1364, %get3A_1365] {strides = array<i32>} : memref<3x80xi32, #tpu.memory_space<vmem>>, vector<16xi32>,
      %shift_right_logical3A_1367 = arith.constant 7 : i32
      %shift_right_logical3A_1368 = vector.broadcast %shift_right_logical3A_1367 : i32 to vector<16xi32>
      %shift_right_logical3A_1369 = arith.shrui %get3A_1366, %shift_right_logical3A_1368 : vector<16xi32>
      %and3A_1370 = arith.constant 127 : i32
      %and3A_1371 = vector.broadcast %and3A_1370 : i32 to vector<16xi32>
      %and3A_1372 = arith.andi %get3A_1366, %and3A_1371 : vector<16xi32>
      %broadcast_in_dim3A_1373 = arith.constant 1.000000e+00 : f32
      %broadcast_in_dim3A_1374 = vector.broadcast %broadcast_in_dim3A_1373 : f32 to vector<16xf32>
      tpu.vector_store_idx %arg11[%shift_right_logical3A_1369, %and3A_1372], %broadcast_in_dim3A_1374 {add = true} : memref<80x128xf32, #tpu.memory_space<vmem>>[vector<16xi32>, vector<16xi32>], vector<16xf32>,
      %get3A_1375 = arith.constant 0 : i32
      %get3A_1376 = arith.index_cast %get3A_1375 : i32 to index
      %get3A_1377 = arith.constant 48 : index
      %get3A_1378 = tpu.vector_load %arg9[%get3A_1376, %get3A_1377] {strides = array<i32>} : memref<3x80xi32, #tpu.memory_space<vmem>>, vector<16xi32>,
      %shift_right_logical3A_1379 = arith.constant 7 : i32
      %shift_right_logical3A_1380 = vector.broadcast %shift_right_logical3A_1379 : i32 to vector<16xi32>
      %shift_right_logical3A_1381 = arith.shrui %get3A_1378, %shift_right_logical3A_1380 : vector<16xi32>
      %and3A_1382 = arith.constant 127 : i32
      %and3A_1383 = vector.broadcast %and3A_1382 : i32 to vector<16xi32>
      %and3A_1384 = arith.andi %get3A_1378, %and3A_1383 : vector<16xi32>
      %broadcast_in_dim3A_1385 = arith.constant 1.000000e+00 : f32
      %broadcast_in_dim3A_1386 = vector.broadcast %broadcast_in_dim3A_1385 : f32 to vector<16xf32>
      tpu.vector_store_idx %arg11[%shift_right_logical3A_1381, %and3A_1384], %broadcast_in_dim3A_1386 {add = true} : memref<80x128xf32, #tpu.memory_space<vmem>>[vector<16xi32>, vector<16xi32>], vector<16xf32>,
      %get3A_1387 = arith.constant 0 : i32
      %get3A_1388 = arith.index_cast %get3A_1387 : i32 to index
      %get3A_1389 = arith.constant 64 : index
      %get3A_1390 = tpu.vector_load %arg9[%get3A_1388, %get3A_1389] {strides = array<i32>} : memref<3x80xi32, #tpu.memory_space<vmem>>, vector<16xi32>,
      %shift_right_logical3A_1391 = arith.constant 7 : i32
      %shift_right_logical3A_1392 = vector.broadcast %shift_right_logical3A_1391 : i32 to vector<16xi32>
      %shift_right_logical3A_1393 = arith.shrui %get3A_1390, %shift_right_logical3A_1392 : vector<16xi32>
      %and3A_1394 = arith.constant 127 : i32
      %and3A_1395 = vector.broadcast %and3A_1394 : i32 to vector<16xi32>
      %and3A_1396 = arith.andi %get3A_1390, %and3A_1395 : vector<16xi32>
      %broadcast_in_dim3A_1397 = arith.constant 1.000000e+00 : f32
      %broadcast_in_dim3A_1398 = vector.broadcast %broadcast_in_dim3A_1397 : f32 to vector<16xf32>
      tpu.vector_store_idx %arg11[%shift_right_logical3A_1393, %and3A_1396], %broadcast_in_dim3A_1398 {add = true} : memref<80x128xf32, #tpu.memory_space<vmem>>[vector<16xi32>, vector<16xi32>], vector<16xf32>,
    }
    %scan3A_345 = arith.constant 40 : i32
    %dma_wait3A_346 = arith.constant 1 : i32
    %dma_wait3A_347 = arith.constant 1 : i32
    %dma_wait3A_348 = arith.constant 0 : i32
    %dma_wait3A_349 = arith.constant 0 : i32
    %dma_wait3A_350 = tpu.memref_slice %arg10[%dma_wait3A_347, %dma_wait3A_348, %dma_wait3A_349] : memref<3x80x128xf32, #tpu.memory_space<vmem>> -> memref<1x80x128xf32, #tpu.memory_space<vmem>>
    %dma_wait3A_351 = tpu.memref_squeeze %dma_wait3A_350 : memref<1x80x128xf32, #tpu.memory_space<vmem>> -> memref<80x128xf32, #tpu.memory_space<vmem>>
    %dma_wait3A_352 = arith.constant 0 : i32
    %dma_wait3A_353 = tpu.memref_slice %arg8[%dma_wait3A_346, %dma_wait3A_352] : memref<3x80xi32, #tpu.memory_space<vmem>> -> memref<1x80xi32, #tpu.memory_space<vmem>>
    %dma_wait3A_354 = tpu.memref_squeeze %dma_wait3A_353 : memref<1x80xi32, #tpu.memory_space<vmem>> -> memref<80xi32, #tpu.memory_space<vmem>>
    %dma_wait3A_355 = arith.constant 0 : i32
    %dma_wait3A_356 = arith.constant 0 : i32
    %dma_wait3A_357 = tpu.memref_slice %arg2[%dma_wait3A_355, %dma_wait3A_356] : memref<10000x128xf32, #tpu.memory_space<hbm>> -> memref<10000x128xf32, #tpu.memory_space<hbm>>
    tpu.wait_indirect_dma semaphore(%arg14 : memref<!tpu.dma_semaphore, #tpu.memory_space<semaphore_mem>>) src(%dma_wait3A_357 : memref<10000x128xf32, #tpu.memory_space<hbm>>) dst(%dma_wait3A_351 : memref<80x128xf32, #tpu.memory_space<vmem>>)
    %add3A_358 = arith.constant 9920 : i32
    %add3A_359 = arith.addi %mul3A_80, %add3A_358 : i32
    %dma_start3A_360 = arith.constant 0 : i32
    %dma_start3A_361 = arith.constant 1 : i32
    %dma_start3A_362 = arith.constant 0 : i32
    %dma_start3A_363 = tpu.memref_slice %arg8[%dma_start3A_361, %dma_start3A_362] : memref<3x80xi32, #tpu.memory_space<vmem>> -> memref<1x80xi32, #tpu.memory_space<vmem>>
    %dma_start3A_364 = tpu.memref_squeeze %dma_start3A_363 : memref<1x80xi32, #tpu.memory_space<vmem>> -> memref<80xi32, #tpu.memory_space<vmem>>
    %dma_start3A_365 = tpu.memref_slice %arg3[%dma_start3A_360, %add3A_359] : memref<2x320000xi32, #tpu.memory_space<hbm>> -> memref<1x80xi32, #tpu.memory_space<hbm>>
    %dma_start3A_366 = tpu.memref_squeeze %dma_start3A_365 : memref<1x80xi32, #tpu.memory_space<hbm>> -> memref<80xi32, #tpu.memory_space<hbm>>
    %dma_start3A_367 = arith.constant 0 : i32
    %dma_start3A_368 = tpu.memref_slice %arg8[%dma_start3A_361, %dma_start3A_367] : memref<3x80xi32, #tpu.memory_space<vmem>> -> memref<1x80xi32, #tpu.memory_space<vmem>>
    %dma_start3A_369 = tpu.memref_squeeze %dma_start3A_368 : memref<1x80xi32, #tpu.memory_space<vmem>> -> memref<80xi32, #tpu.memory_space<vmem>>
    %dma_start3A_370 = tpu.memref_slice %arg3[%dma_start3A_360, %add3A_359] : memref<2x320000xi32, #tpu.memory_space<hbm>> -> memref<1x80xi32, #tpu.memory_space<hbm>>
    %dma_start3A_371 = tpu.memref_squeeze %dma_start3A_370 : memref<1x80xi32, #tpu.memory_space<hbm>> -> memref<80xi32, #tpu.memory_space<hbm>>
    tpu.enqueue_dma source(%dma_start3A_371 : memref<80xi32, #tpu.memory_space<hbm>>) target(%dma_start3A_369 : memref<80xi32, #tpu.memory_space<vmem>>) target_semaphore(%arg17 : memref<!tpu.dma_semaphore, #tpu.memory_space<semaphore_mem>>)
    %dma_wait3A_372 = arith.constant 0 : i32
    %dma_wait3A_373 = arith.constant 0 : i32
    %dma_wait3A_374 = arith.constant 0 : i32
    %dma_wait3A_375 = arith.constant 0 : i32
    %dma_wait3A_376 = tpu.memref_slice %arg10[%dma_wait3A_372, %dma_wait3A_374, %dma_wait3A_375] : memref<3x80x128xf32, #tpu.memory_space<vmem>> -> memref<1x80x128xf32, #tpu.memory_space<vmem>>
    %dma_wait3A_377 = tpu.memref_squeeze %dma_wait3A_376 : memref<1x80x128xf32, #tpu.memory_space<vmem>> -> memref<80x128xf32, #tpu.memory_space<vmem>>
    %dma_wait3A_378 = arith.constant 0 : i32
    %dma_wait3A_379 = tpu.memref_slice %arg9[%dma_wait3A_373, %dma_wait3A_378] : memref<3x80xi32, #tpu.memory_space<vmem>> -> memref<1x80xi32, #tpu.memory_space<vmem>>
    %dma_wait3A_380 = tpu.memref_squeeze %dma_wait3A_379 : memref<1x80xi32, #tpu.memory_space<vmem>> -> memref<80xi32, #tpu.memory_space<vmem>>
    %dma_wait3A_381 = arith.constant 0 : i32
    %dma_wait3A_382 = arith.constant 0 : i32
    %dma_wait3A_383 = tpu.memref_slice %arg6[%dma_wait3A_381, %dma_wait3A_382] : memref<10240x128xf32, #tpu.memory_space<vmem_shared>> -> memref<10240x128xf32, #tpu.memory_space<vmem_shared>>
    tpu.wait_indirect_dma semaphore(%arg22 : memref<!tpu.dma_semaphore, #tpu.memory_space<semaphore_mem>>) src(%dma_wait3A_377 : memref<80x128xf32, #tpu.memory_space<vmem>>) dst(%dma_wait3A_383 : memref<10240x128xf32, #tpu.memory_space<vmem_shared>>)
    %add3A_384 = arith.constant 9840 : i32
    %add3A_385 = arith.addi %mul3A_80, %add3A_384 : i32
    %dma_start3A_386 = arith.constant 1 : i32
    %dma_start3A_387 = arith.constant 0 : i32
    %dma_start3A_388 = arith.constant 0 : i32
    %dma_start3A_389 = tpu.memref_slice %arg9[%dma_start3A_387, %dma_start3A_388] : memref<3x80xi32, #tpu.memory_space<vmem>> -> memref<1x80xi32, #tpu.memory_space<vmem>>
    %dma_start3A_390 = tpu.memref_squeeze %dma_start3A_389 : memref<1x80xi32, #tpu.memory_space<vmem>> -> memref<80xi32, #tpu.memory_space<vmem>>
    %dma_start3A_391 = tpu.memref_slice %arg3[%dma_start3A_386, %add3A_385] : memref<2x320000xi32, #tpu.memory_space<hbm>> -> memref<1x80xi32, #tpu.memory_space<hbm>>
    %dma_start3A_392 = tpu.memref_squeeze %dma_start3A_391 : memref<1x80xi32, #tpu.memory_space<hbm>> -> memref<80xi32, #tpu.memory_space<hbm>>
    %dma_start3A_393 = arith.constant 0 : i32
    %dma_start3A_394 = tpu.memref_slice %arg9[%dma_start3A_387, %dma_start3A_393] : memref<3x80xi32, #tpu.memory_space<vmem>> -> memref<1x80xi32, #tpu.memory_space<vmem>>
    %dma_start3A_395 = tpu.memref_squeeze %dma_start3A_394 : memref<1x80xi32, #tpu.memory_space<vmem>> -> memref<80xi32, #tpu.memory_space<vmem>>
    %dma_start3A_396 = tpu.memref_slice %arg3[%dma_start3A_386, %add3A_385] : memref<2x320000xi32, #tpu.memory_space<hbm>> -> memref<1x80xi32, #tpu.memory_space<hbm>>
    %dma_start3A_397 = tpu.memref_squeeze %dma_start3A_396 : memref<1x80xi32, #tpu.memory_space<hbm>> -> memref<80xi32, #tpu.memory_space<hbm>>
    tpu.enqueue_dma source(%dma_start3A_397 : memref<80xi32, #tpu.memory_space<hbm>>) target(%dma_start3A_395 : memref<80xi32, #tpu.memory_space<vmem>>) target_semaphore(%arg19 : memref<!tpu.dma_semaphore, #tpu.memory_space<semaphore_mem>>)
    %dma_wait3A_398 = arith.constant 0 : i32
    %dma_wait3A_399 = arith.constant 0 : i32
    %dma_wait3A_400 = arith.constant 0 : i32
    %dma_wait3A_401 = tpu.memref_slice %arg8[%dma_wait3A_399, %dma_wait3A_400] : memref<3x80xi32, #tpu.memory_space<vmem>> -> memref<1x80xi32, #tpu.memory_space<vmem>>
    %dma_wait3A_402 = tpu.memref_squeeze %dma_wait3A_401 : memref<1x80xi32, #tpu.memory_space<vmem>> -> memref<80xi32, #tpu.memory_space<vmem>>
    %dma_wait3A_403 = tpu.memref_slice %arg3[%dma_wait3A_398, %mul3A_80] : memref<2x320000xi32, #tpu.memory_space<hbm>> -> memref<1x80xi32, #tpu.memory_space<hbm>>
    %dma_wait3A_404 = tpu.memref_squeeze %dma_wait3A_403 : memref<1x80xi32, #tpu.memory_space<hbm>> -> memref<80xi32, #tpu.memory_space<hbm>>
    %dma_wait3A_405 = arith.constant 0 : i32
    %dma_wait3A_406 = tpu.memref_slice %arg8[%dma_wait3A_399, %dma_wait3A_405] : memref<3x80xi32, #tpu.memory_space<vmem>> -> memref<1x80xi32, #tpu.memory_space<vmem>>
    %dma_wait3A_407 = tpu.memref_squeeze %dma_wait3A_406 : memref<1x80xi32, #tpu.memory_space<vmem>> -> memref<80xi32, #tpu.memory_space<vmem>>
    %dma_wait3A_408 = tpu.memref_slice %arg3[%dma_wait3A_398, %mul3A_80] : memref<2x320000xi32, #tpu.memory_space<hbm>> -> memref<1x80xi32, #tpu.memory_space<hbm>>
    %dma_wait3A_409 = tpu.memref_squeeze %dma_wait3A_408 : memref<1x80xi32, #tpu.memory_space<hbm>> -> memref<80xi32, #tpu.memory_space<hbm>>
    tpu.wait_dma2 semaphore(%arg16 : memref<!tpu.dma_semaphore, #tpu.memory_space<semaphore_mem>>) src(%dma_wait3A_409 : memref<80xi32, #tpu.memory_space<hbm>>) dst(%dma_wait3A_407 : memref<80xi32, #tpu.memory_space<vmem>>)
    %dma_start3A_410 = arith.constant 0 : i32
    %dma_start3A_411 = arith.constant 0 : i32
    %dma_start3A_412 = arith.constant 0 : i32
    %dma_start3A_413 = arith.constant 0 : i32
    %dma_start3A_414 = tpu.memref_slice %arg10[%dma_start3A_411, %dma_start3A_412, %dma_start3A_413] : memref<3x80x128xf32, #tpu.memory_space<vmem>> -> memref<1x80x128xf32, #tpu.memory_space<vmem>>
    %dma_start3A_415 = tpu.memref_squeeze %dma_start3A_414 : memref<1x80x128xf32, #tpu.memory_space<vmem>> -> memref<80x128xf32, #tpu.memory_space<vmem>>
    %dma_start3A_416 = arith.constant 0 : i32
    %dma_start3A_417 = tpu.memref_slice %arg8[%dma_start3A_410, %dma_start3A_416] : memref<3x80xi32, #tpu.memory_space<vmem>> -> memref<1x80xi32, #tpu.memory_space<vmem>>
    %dma_start3A_418 = tpu.memref_squeeze %dma_start3A_417 : memref<1x80xi32, #tpu.memory_space<vmem>> -> memref<80xi32, #tpu.memory_space<vmem>>
    %dma_start3A_419 = arith.constant 0 : i32
    %dma_start3A_420 = arith.constant 0 : i32
    %dma_start3A_421 = tpu.memref_slice %arg2[%dma_start3A_419, %dma_start3A_420] : memref<10000x128xf32, #tpu.memory_space<hbm>> -> memref<10000x128xf32, #tpu.memory_space<hbm>>
    tpu.enqueue_indirect_dma source(%dma_start3A_421 : memref<10000x128xf32, #tpu.memory_space<hbm>>) target(%dma_start3A_415 : memref<80x128xf32, #tpu.memory_space<vmem>>) offsets(%dma_start3A_418 : memref<80xi32, #tpu.memory_space<vmem>>) semaphore(%arg13 : memref<!tpu.dma_semaphore, #tpu.memory_space<semaphore_mem>>)
    %dma_wait3A_422 = arith.constant 0 : i32
    %dma_wait3A_423 = arith.constant 1 : i32
    %dma_wait3A_424 = arith.constant 0 : i32
    %dma_wait3A_425 = tpu.memref_slice %arg9[%dma_wait3A_423, %dma_wait3A_424] : memref<3x80xi32, #tpu.memory_space<vmem>> -> memref<1x80xi32, #tpu.memory_space<vmem>>
    %dma_wait3A_426 = tpu.memref_squeeze %dma_wait3A_425 : memref<1x80xi32, #tpu.memory_space<vmem>> -> memref<80xi32, #tpu.memory_space<vmem>>
    %dma_wait3A_427 = tpu.memref_slice %arg3[%dma_wait3A_422, %mul3A_80] : memref<2x320000xi32, #tpu.memory_space<hbm>> -> memref<1x80xi32, #tpu.memory_space<hbm>>
    %dma_wait3A_428 = tpu.memref_squeeze %dma_wait3A_427 : memref<1x80xi32, #tpu.memory_space<hbm>> -> memref<80xi32, #tpu.memory_space<hbm>>
    %dma_wait3A_429 = arith.constant 0 : i32
    %dma_wait3A_430 = tpu.memref_slice %arg9[%dma_wait3A_423, %dma_wait3A_429] : memref<3x80xi32, #tpu.memory_space<vmem>> -> memref<1x80xi32, #tpu.memory_space<vmem>>
    %dma_wait3A_431 = tpu.memref_squeeze %dma_wait3A_430 : memref<1x80xi32, #tpu.memory_space<vmem>> -> memref<80xi32, #tpu.memory_space<vmem>>
    %dma_wait3A_432 = tpu.memref_slice %arg3[%dma_wait3A_422, %mul3A_80] : memref<2x320000xi32, #tpu.memory_space<hbm>> -> memref<1x80xi32, #tpu.memory_space<hbm>>
    %dma_wait3A_433 = tpu.memref_squeeze %dma_wait3A_432 : memref<1x80xi32, #tpu.memory_space<hbm>> -> memref<80xi32, #tpu.memory_space<hbm>>
    tpu.wait_dma2 semaphore(%arg20 : memref<!tpu.dma_semaphore, #tpu.memory_space<semaphore_mem>>) src(%dma_wait3A_433 : memref<80xi32, #tpu.memory_space<hbm>>) dst(%dma_wait3A_431 : memref<80xi32, #tpu.memory_space<vmem>>)
    %dma_start3A_434 = arith.constant 1 : i32
    %dma_start3A_435 = arith.constant 1 : i32
    %dma_start3A_436 = arith.constant 0 : i32
    %dma_start3A_437 = arith.constant 0 : i32
    %dma_start3A_438 = tpu.memref_slice %arg10[%dma_start3A_434, %dma_start3A_436, %dma_start3A_437] : memref<3x80x128xf32, #tpu.memory_space<vmem>> -> memref<1x80x128xf32, #tpu.memory_space<vmem>>
    %dma_start3A_439 = tpu.memref_squeeze %dma_start3A_438 : memref<1x80x128xf32, #tpu.memory_space<vmem>> -> memref<80x128xf32, #tpu.memory_space<vmem>>
    %dma_start3A_440 = arith.constant 0 : i32
    %dma_start3A_441 = tpu.memref_slice %arg9[%dma_start3A_435, %dma_start3A_440] : memref<3x80xi32, #tpu.memory_space<vmem>> -> memref<1x80xi32, #tpu.memory_space<vmem>>
    %dma_start3A_442 = tpu.memref_squeeze %dma_start3A_441 : memref<1x80xi32, #tpu.memory_space<vmem>> -> memref<80xi32, #tpu.memory_space<vmem>>
    %dma_start3A_443 = arith.constant 0 : i32
    %dma_start3A_444 = arith.constant 0 : i32
    %dma_start3A_445 = tpu.memref_slice %arg6[%dma_start3A_443, %dma_start3A_444] : memref<10240x128xf32, #tpu.memory_space<vmem_shared>> -> memref<10240x128xf32, #tpu.memory_space<vmem_shared>>
    tpu.enqueue_indirect_dma source(%dma_start3A_439 : memref<80x128xf32, #tpu.memory_space<vmem>>) target(%dma_start3A_445 : memref<10240x128xf32, #tpu.memory_space<vmem_shared>>) offsets(%dma_start3A_442 : memref<80xi32, #tpu.memory_space<vmem>>) semaphore(%arg23 : memref<!tpu.dma_semaphore, #tpu.memory_space<semaphore_mem>>) {add = true}
    %get3A_446 = arith.constant 1 : i32
    %get3A_447 = arith.index_cast %get3A_446 : i32 to index
    %get3A_448 = arith.constant 0 : index
    %get3A_449 = tpu.vector_load %arg9[%get3A_447, %get3A_448] {strides = array<i32>} : memref<3x80xi32, #tpu.memory_space<vmem>>, vector<16xi32>,
    %shift_right_logical3A_450 = arith.constant 7 : i32
    %shift_right_logical3A_451 = vector.broadcast %shift_right_logical3A_450 : i32 to vector<16xi32>
    %shift_right_logical3A_452 = arith.shrui %get3A_449, %shift_right_logical3A_451 : vector<16xi32>
    %and3A_453 = arith.constant 127 : i32
    %and3A_454 = vector.broadcast %and3A_453 : i32 to vector<16xi32>
    %and3A_455 = arith.andi %get3A_449, %and3A_454 : vector<16xi32>
    %broadcast_in_dim3A_456 = arith.constant 1.000000e+00 : f32
    %broadcast_in_dim3A_457 = vector.broadcast %broadcast_in_dim3A_456 : f32 to vector<16xf32>
    tpu.vector_store_idx %arg11[%shift_right_logical3A_452, %and3A_455], %broadcast_in_dim3A_457 {add = true} : memref<80x128xf32, #tpu.memory_space<vmem>>[vector<16xi32>, vector<16xi32>], vector<16xf32>,
    %get3A_458 = arith.constant 1 : i32
    %get3A_459 = arith.index_cast %get3A_458 : i32 to index
    %get3A_460 = arith.constant 16 : index
    %get3A_461 = tpu.vector_load %arg9[%get3A_459, %get3A_460] {strides = array<i32>} : memref<3x80xi32, #tpu.memory_space<vmem>>, vector<16xi32>,
    %shift_right_logical3A_462 = arith.constant 7 : i32
    %shift_right_logical3A_463 = vector.broadcast %shift_right_logical3A_462 : i32 to vector<16xi32>
    %shift_right_logical3A_464 = arith.shrui %get3A_461, %shift_right_logical3A_463 : vector<16xi32>
    %and3A_465 = arith.constant 127 : i32
    %and3A_466 = vector.broadcast %and3A_465 : i32 to vector<16xi32>
    %and3A_467 = arith.andi %get3A_461, %and3A_466 : vector<16xi32>
    %broadcast_in_dim3A_468 = arith.constant 1.000000e+00 : f32
    %broadcast_in_dim3A_469 = vector.broadcast %broadcast_in_dim3A_468 : f32 to vector<16xf32>
    tpu.vector_store_idx %arg11[%shift_right_logical3A_464, %and3A_467], %broadcast_in_dim3A_469 {add = true} : memref<80x128xf32, #tpu.memory_space<vmem>>[vector<16xi32>, vector<16xi32>], vector<16xf32>,
    %get3A_470 = arith.constant 1 : i32
    %get3A_471 = arith.index_cast %get3A_470 : i32 to index
    %get3A_472 = arith.constant 32 : index
    %get3A_473 = tpu.vector_load %arg9[%get3A_471, %get3A_472] {strides = array<i32>} : memref<3x80xi32, #tpu.memory_space<vmem>>, vector<16xi32>,
    %shift_right_logical3A_474 = arith.constant 7 : i32
    %shift_right_logical3A_475 = vector.broadcast %shift_right_logical3A_474 : i32 to vector<16xi32>
    %shift_right_logical3A_476 = arith.shrui %get3A_473, %shift_right_logical3A_475 : vector<16xi32>
    %and3A_477 = arith.constant 127 : i32
    %and3A_478 = vector.broadcast %and3A_477 : i32 to vector<16xi32>
    %and3A_479 = arith.andi %get3A_473, %and3A_478 : vector<16xi32>
    %broadcast_in_dim3A_480 = arith.constant 1.000000e+00 : f32
    %broadcast_in_dim3A_481 = vector.broadcast %broadcast_in_dim3A_480 : f32 to vector<16xf32>
    tpu.vector_store_idx %arg11[%shift_right_logical3A_476, %and3A_479], %broadcast_in_dim3A_481 {add = true} : memref<80x128xf32, #tpu.memory_space<vmem>>[vector<16xi32>, vector<16xi32>], vector<16xf32>,
    %get3A_482 = arith.constant 1 : i32
    %get3A_483 = arith.index_cast %get3A_482 : i32 to index
    %get3A_484 = arith.constant 48 : index
    %get3A_485 = tpu.vector_load %arg9[%get3A_483, %get3A_484] {strides = array<i32>} : memref<3x80xi32, #tpu.memory_space<vmem>>, vector<16xi32>,
    %shift_right_logical3A_486 = arith.constant 7 : i32
    %shift_right_logical3A_487 = vector.broadcast %shift_right_logical3A_486 : i32 to vector<16xi32>
    %shift_right_logical3A_488 = arith.shrui %get3A_485, %shift_right_logical3A_487 : vector<16xi32>
    %and3A_489 = arith.constant 127 : i32
    %and3A_490 = vector.broadcast %and3A_489 : i32 to vector<16xi32>
    %and3A_491 = arith.andi %get3A_485, %and3A_490 : vector<16xi32>
    %broadcast_in_dim3A_492 = arith.constant 1.000000e+00 : f32
    %broadcast_in_dim3A_493 = vector.broadcast %broadcast_in_dim3A_492 : f32 to vector<16xf32>
    tpu.vector_store_idx %arg11[%shift_right_logical3A_488, %and3A_491], %broadcast_in_dim3A_493 {add = true} : memref<80x128xf32, #tpu.memory_space<vmem>>[vector<16xi32>, vector<16xi32>], vector<16xf32>,
    %get3A_494 = arith.constant 1 : i32
    %get3A_495 = arith.index_cast %get3A_494 : i32 to index
    %get3A_496 = arith.constant 64 : index
    %get3A_497 = tpu.vector_load %arg9[%get3A_495, %get3A_496] {strides = array<i32>} : memref<3x80xi32, #tpu.memory_space<vmem>>, vector<16xi32>,
    %shift_right_logical3A_498 = arith.constant 7 : i32
    %shift_right_logical3A_499 = vector.broadcast %shift_right_logical3A_498 : i32 to vector<16xi32>
    %shift_right_logical3A_500 = arith.shrui %get3A_497, %shift_right_logical3A_499 : vector<16xi32>
    %and3A_501 = arith.constant 127 : i32
    %and3A_502 = vector.broadcast %and3A_501 : i32 to vector<16xi32>
    %and3A_503 = arith.andi %get3A_497, %and3A_502 : vector<16xi32>
    %broadcast_in_dim3A_504 = arith.constant 1.000000e+00 : f32
    %broadcast_in_dim3A_505 = vector.broadcast %broadcast_in_dim3A_504 : f32 to vector<16xf32>
    tpu.vector_store_idx %arg11[%shift_right_logical3A_500, %and3A_503], %broadcast_in_dim3A_505 {add = true} : memref<80x128xf32, #tpu.memory_space<vmem>>[vector<16xi32>, vector<16xi32>], vector<16xf32>,
    %dma_wait3A_506 = arith.constant 2 : i32
    %dma_wait3A_507 = arith.constant 2 : i32
    %dma_wait3A_508 = arith.constant 0 : i32
    %dma_wait3A_509 = arith.constant 0 : i32
    %dma_wait3A_510 = tpu.memref_slice %arg10[%dma_wait3A_507, %dma_wait3A_508, %dma_wait3A_509] : memref<3x80x128xf32, #tpu.memory_space<vmem>> -> memref<1x80x128xf32, #tpu.memory_space<vmem>>
    %dma_wait3A_511 = tpu.memref_squeeze %dma_wait3A_510 : memref<1x80x128xf32, #tpu.memory_space<vmem>> -> memref<80x128xf32, #tpu.memory_space<vmem>>
    %dma_wait3A_512 = arith.constant 0 : i32
    %dma_wait3A_513 = tpu.memref_slice %arg8[%dma_wait3A_506, %dma_wait3A_512] : memref<3x80xi32, #tpu.memory_space<vmem>> -> memref<1x80xi32, #tpu.memory_space<vmem>>
    %dma_wait3A_514 = tpu.memref_squeeze %dma_wait3A_513 : memref<1x80xi32, #tpu.memory_space<vmem>> -> memref<80xi32, #tpu.memory_space<vmem>>
    %dma_wait3A_515 = arith.constant 0 : i32
    %dma_wait3A_516 = arith.constant 0 : i32
    %dma_wait3A_517 = tpu.memref_slice %arg2[%dma_wait3A_515, %dma_wait3A_516] : memref<10000x128xf32, #tpu.memory_space<hbm>> -> memref<10000x128xf32, #tpu.memory_space<hbm>>
    tpu.wait_indirect_dma semaphore(%arg15 : memref<!tpu.dma_semaphore, #tpu.memory_space<semaphore_mem>>) src(%dma_wait3A_517 : memref<10000x128xf32, #tpu.memory_space<hbm>>) dst(%dma_wait3A_511 : memref<80x128xf32, #tpu.memory_space<vmem>>)
    %dma_wait3A_518 = arith.constant 1 : i32
    %dma_wait3A_519 = arith.constant 1 : i32
    %dma_wait3A_520 = arith.constant 0 : i32
    %dma_wait3A_521 = arith.constant 0 : i32
    %dma_wait3A_522 = tpu.memref_slice %arg10[%dma_wait3A_518, %dma_wait3A_520, %dma_wait3A_521] : memref<3x80x128xf32, #tpu.memory_space<vmem>> -> memref<1x80x128xf32, #tpu.memory_space<vmem>>
    %dma_wait3A_523 = tpu.memref_squeeze %dma_wait3A_522 : memref<1x80x128xf32, #tpu.memory_space<vmem>> -> memref<80x128xf32, #tpu.memory_space<vmem>>
    %dma_wait3A_524 = arith.constant 0 : i32
    %dma_wait3A_525 = tpu.memref_slice %arg9[%dma_wait3A_519, %dma_wait3A_524] : memref<3x80xi32, #tpu.memory_space<vmem>> -> memref<1x80xi32, #tpu.memory_space<vmem>>
    %dma_wait3A_526 = tpu.memref_squeeze %dma_wait3A_525 : memref<1x80xi32, #tpu.memory_space<vmem>> -> memref<80xi32, #tpu.memory_space<vmem>>
    %dma_wait3A_527 = arith.constant 0 : i32
    %dma_wait3A_528 = arith.constant 0 : i32
    %dma_wait3A_529 = tpu.memref_slice %arg6[%dma_wait3A_527, %dma_wait3A_528] : memref<10240x128xf32, #tpu.memory_space<vmem_shared>> -> memref<10240x128xf32, #tpu.memory_space<vmem_shared>>
    tpu.wait_indirect_dma semaphore(%arg23 : memref<!tpu.dma_semaphore, #tpu.memory_space<semaphore_mem>>) src(%dma_wait3A_523 : memref<80x128xf32, #tpu.memory_space<vmem>>) dst(%dma_wait3A_529 : memref<10240x128xf32, #tpu.memory_space<vmem_shared>>)
    %add3A_530 = arith.constant 9920 : i32
    %add3A_531 = arith.addi %mul3A_80, %add3A_530 : i32
    %dma_start3A_532 = arith.constant 1 : i32
    %dma_start3A_533 = arith.constant 1 : i32
    %dma_start3A_534 = arith.constant 0 : i32
    %dma_start3A_535 = tpu.memref_slice %arg9[%dma_start3A_533, %dma_start3A_534] : memref<3x80xi32, #tpu.memory_space<vmem>> -> memref<1x80xi32, #tpu.memory_space<vmem>>
    %dma_start3A_536 = tpu.memref_squeeze %dma_start3A_535 : memref<1x80xi32, #tpu.memory_space<vmem>> -> memref<80xi32, #tpu.memory_space<vmem>>
    %dma_start3A_537 = tpu.memref_slice %arg3[%dma_start3A_532, %add3A_531] : memref<2x320000xi32, #tpu.memory_space<hbm>> -> memref<1x80xi32, #tpu.memory_space<hbm>>
    %dma_start3A_538 = tpu.memref_squeeze %dma_start3A_537 : memref<1x80xi32, #tpu.memory_space<hbm>> -> memref<80xi32, #tpu.memory_space<hbm>>
    %dma_start3A_539 = arith.constant 0 : i32
    %dma_start3A_540 = tpu.memref_slice %arg9[%dma_start3A_533, %dma_start3A_539] : memref<3x80xi32, #tpu.memory_space<vmem>> -> memref<1x80xi32, #tpu.memory_space<vmem>>
    %dma_start3A_541 = tpu.memref_squeeze %dma_start3A_540 : memref<1x80xi32, #tpu.memory_space<vmem>> -> memref<80xi32, #tpu.memory_space<vmem>>
    %dma_start3A_542 = tpu.memref_slice %arg3[%dma_start3A_532, %add3A_531] : memref<2x320000xi32, #tpu.memory_space<hbm>> -> memref<1x80xi32, #tpu.memory_space<hbm>>
    %dma_start3A_543 = tpu.memref_squeeze %dma_start3A_542 : memref<1x80xi32, #tpu.memory_space<hbm>> -> memref<80xi32, #tpu.memory_space<hbm>>
    tpu.enqueue_dma source(%dma_start3A_543 : memref<80xi32, #tpu.memory_space<hbm>>) target(%dma_start3A_541 : memref<80xi32, #tpu.memory_space<vmem>>) target_semaphore(%arg20 : memref<!tpu.dma_semaphore, #tpu.memory_space<semaphore_mem>>)
    %dma_wait3A_544 = arith.constant 0 : i32
    %dma_wait3A_545 = arith.constant 1 : i32
    %dma_wait3A_546 = arith.constant 0 : i32
    %dma_wait3A_547 = tpu.memref_slice %arg8[%dma_wait3A_545, %dma_wait3A_546] : memref<3x80xi32, #tpu.memory_space<vmem>> -> memref<1x80xi32, #tpu.memory_space<vmem>>
    %dma_wait3A_548 = tpu.memref_squeeze %dma_wait3A_547 : memref<1x80xi32, #tpu.memory_space<vmem>> -> memref<80xi32, #tpu.memory_space<vmem>>
    %dma_wait3A_549 = tpu.memref_slice %arg3[%dma_wait3A_544, %mul3A_80] : memref<2x320000xi32, #tpu.memory_space<hbm>> -> memref<1x80xi32, #tpu.memory_space<hbm>>
    %dma_wait3A_550 = tpu.memref_squeeze %dma_wait3A_549 : memref<1x80xi32, #tpu.memory_space<hbm>> -> memref<80xi32, #tpu.memory_space<hbm>>
    %dma_wait3A_551 = arith.constant 0 : i32
    %dma_wait3A_552 = tpu.memref_slice %arg8[%dma_wait3A_545, %dma_wait3A_551] : memref<3x80xi32, #tpu.memory_space<vmem>> -> memref<1x80xi32, #tpu.memory_space<vmem>>
    %dma_wait3A_553 = tpu.memref_squeeze %dma_wait3A_552 : memref<1x80xi32, #tpu.memory_space<vmem>> -> memref<80xi32, #tpu.memory_space<vmem>>
    %dma_wait3A_554 = tpu.memref_slice %arg3[%dma_wait3A_544, %mul3A_80] : memref<2x320000xi32, #tpu.memory_space<hbm>> -> memref<1x80xi32, #tpu.memory_space<hbm>>
    %dma_wait3A_555 = tpu.memref_squeeze %dma_wait3A_554 : memref<1x80xi32, #tpu.memory_space<hbm>> -> memref<80xi32, #tpu.memory_space<hbm>>
    tpu.wait_dma2 semaphore(%arg17 : memref<!tpu.dma_semaphore, #tpu.memory_space<semaphore_mem>>) src(%dma_wait3A_555 : memref<80xi32, #tpu.memory_space<hbm>>) dst(%dma_wait3A_553 : memref<80xi32, #tpu.memory_space<vmem>>)
    %dma_start3A_556 = arith.constant 1 : i32
    %dma_start3A_557 = arith.constant 1 : i32
    %dma_start3A_558 = arith.constant 0 : i32
    %dma_start3A_559 = arith.constant 0 : i32
    %dma_start3A_560 = tpu.memref_slice %arg10[%dma_start3A_557, %dma_start3A_558, %dma_start3A_559] : memref<3x80x128xf32, #tpu.memory_space<vmem>> -> memref<1x80x128xf32, #tpu.memory_space<vmem>>
    %dma_start3A_561 = tpu.memref_squeeze %dma_start3A_560 : memref<1x80x128xf32, #tpu.memory_space<vmem>> -> memref<80x128xf32, #tpu.memory_space<vmem>>
    %dma_start3A_562 = arith.constant 0 : i32
    %dma_start3A_563 = tpu.memref_slice %arg8[%dma_start3A_556, %dma_start3A_562] : memref<3x80xi32, #tpu.memory_space<vmem>> -> memref<1x80xi32, #tpu.memory_space<vmem>>
    %dma_start3A_564 = tpu.memref_squeeze %dma_start3A_563 : memref<1x80xi32, #tpu.memory_space<vmem>> -> memref<80xi32, #tpu.memory_space<vmem>>
    %dma_start3A_565 = arith.constant 0 : i32
    %dma_start3A_566 = arith.constant 0 : i32
    %dma_start3A_567 = tpu.memref_slice %arg2[%dma_start3A_565, %dma_start3A_566] : memref<10000x128xf32, #tpu.memory_space<hbm>> -> memref<10000x128xf32, #tpu.memory_space<hbm>>
    tpu.enqueue_indirect_dma source(%dma_start3A_567 : memref<10000x128xf32, #tpu.memory_space<hbm>>) target(%dma_start3A_561 : memref<80x128xf32, #tpu.memory_space<vmem>>) offsets(%dma_start3A_564 : memref<80xi32, #tpu.memory_space<vmem>>) semaphore(%arg14 : memref<!tpu.dma_semaphore, #tpu.memory_space<semaphore_mem>>)
    %dma_wait3A_568 = arith.constant 0 : i32
    %dma_wait3A_569 = arith.constant 2 : i32
    %dma_wait3A_570 = arith.constant 0 : i32
    %dma_wait3A_571 = tpu.memref_slice %arg9[%dma_wait3A_569, %dma_wait3A_570] : memref<3x80xi32, #tpu.memory_space<vmem>> -> memref<1x80xi32, #tpu.memory_space<vmem>>
    %dma_wait3A_572 = tpu.memref_squeeze %dma_wait3A_571 : memref<1x80xi32, #tpu.memory_space<vmem>> -> memref<80xi32, #tpu.memory_space<vmem>>
    %dma_wait3A_573 = tpu.memref_slice %arg3[%dma_wait3A_568, %mul3A_80] : memref<2x320000xi32, #tpu.memory_space<hbm>> -> memref<1x80xi32, #tpu.memory_space<hbm>>
    %dma_wait3A_574 = tpu.memref_squeeze %dma_wait3A_573 : memref<1x80xi32, #tpu.memory_space<hbm>> -> memref<80xi32, #tpu.memory_space<hbm>>
    %dma_wait3A_575 = arith.constant 0 : i32
    %dma_wait3A_576 = tpu.memref_slice %arg9[%dma_wait3A_569, %dma_wait3A_575] : memref<3x80xi32, #tpu.memory_space<vmem>> -> memref<1x80xi32, #tpu.memory_space<vmem>>
    %dma_wait3A_577 = tpu.memref_squeeze %dma_wait3A_576 : memref<1x80xi32, #tpu.memory_space<vmem>> -> memref<80xi32, #tpu.memory_space<vmem>>
    %dma_wait3A_578 = tpu.memref_slice %arg3[%dma_wait3A_568, %mul3A_80] : memref<2x320000xi32, #tpu.memory_space<hbm>> -> memref<1x80xi32, #tpu.memory_space<hbm>>
    %dma_wait3A_579 = tpu.memref_squeeze %dma_wait3A_578 : memref<1x80xi32, #tpu.memory_space<hbm>> -> memref<80xi32, #tpu.memory_space<hbm>>
    tpu.wait_dma2 semaphore(%arg21 : memref<!tpu.dma_semaphore, #tpu.memory_space<semaphore_mem>>) src(%dma_wait3A_579 : memref<80xi32, #tpu.memory_space<hbm>>) dst(%dma_wait3A_577 : memref<80xi32, #tpu.memory_space<vmem>>)
    %dma_start3A_580 = arith.constant 2 : i32
    %dma_start3A_581 = arith.constant 2 : i32
    %dma_start3A_582 = arith.constant 0 : i32
    %dma_start3A_583 = arith.constant 0 : i32
    %dma_start3A_584 = tpu.memref_slice %arg10[%dma_start3A_580, %dma_start3A_582, %dma_start3A_583] : memref<3x80x128xf32, #tpu.memory_space<vmem>> -> memref<1x80x128xf32, #tpu.memory_space<vmem>>
    %dma_start3A_585 = tpu.memref_squeeze %dma_start3A_584 : memref<1x80x128xf32, #tpu.memory_space<vmem>> -> memref<80x128xf32, #tpu.memory_space<vmem>>
    %dma_start3A_586 = arith.constant 0 : i32
    %dma_start3A_587 = tpu.memref_slice %arg9[%dma_start3A_581, %dma_start3A_586] : memref<3x80xi32, #tpu.memory_space<vmem>> -> memref<1x80xi32, #tpu.memory_space<vmem>>
    %dma_start3A_588 = tpu.memref_squeeze %dma_start3A_587 : memref<1x80xi32, #tpu.memory_space<vmem>> -> memref<80xi32, #tpu.memory_space<vmem>>
    %dma_start3A_589 = arith.constant 0 : i32
    %dma_start3A_590 = arith.constant 0 : i32
    %dma_start3A_591 = tpu.memref_slice %arg6[%dma_start3A_589, %dma_start3A_590] : memref<10240x128xf32, #tpu.memory_space<vmem_shared>> -> memref<10240x128xf32, #tpu.memory_space<vmem_shared>>
    tpu.enqueue_indirect_dma source(%dma_start3A_585 : memref<80x128xf32, #tpu.memory_space<vmem>>) target(%dma_start3A_591 : memref<10240x128xf32, #tpu.memory_space<vmem_shared>>) offsets(%dma_start3A_588 : memref<80xi32, #tpu.memory_space<vmem>>) semaphore(%arg24 : memref<!tpu.dma_semaphore, #tpu.memory_space<semaphore_mem>>) {add = true}
    %get3A_592 = arith.constant 2 : i32
    %get3A_593 = arith.index_cast %get3A_592 : i32 to index
    %get3A_594 = arith.constant 0 : index
    %get3A_595 = tpu.vector_load %arg9[%get3A_593, %get3A_594] {strides = array<i32>} : memref<3x80xi32, #tpu.memory_space<vmem>>, vector<16xi32>,
    %shift_right_logical3A_596 = arith.constant 7 : i32
    %shift_right_logical3A_597 = vector.broadcast %shift_right_logical3A_596 : i32 to vector<16xi32>
    %shift_right_logical3A_598 = arith.shrui %get3A_595, %shift_right_logical3A_597 : vector<16xi32>
    %and3A_599 = arith.constant 127 : i32
    %and3A_600 = vector.broadcast %and3A_599 : i32 to vector<16xi32>
    %and3A_601 = arith.andi %get3A_595, %and3A_600 : vector<16xi32>
    %broadcast_in_dim3A_602 = arith.constant 1.000000e+00 : f32
    %broadcast_in_dim3A_603 = vector.broadcast %broadcast_in_dim3A_602 : f32 to vector<16xf32>
    tpu.vector_store_idx %arg11[%shift_right_logical3A_598, %and3A_601], %broadcast_in_dim3A_603 {add = true} : memref<80x128xf32, #tpu.memory_space<vmem>>[vector<16xi32>, vector<16xi32>], vector<16xf32>,
    %get3A_604 = arith.constant 2 : i32
    %get3A_605 = arith.index_cast %get3A_604 : i32 to index
    %get3A_606 = arith.constant 16 : index
    %get3A_607 = tpu.vector_load %arg9[%get3A_605, %get3A_606] {strides = array<i32>} : memref<3x80xi32, #tpu.memory_space<vmem>>, vector<16xi32>,
    %shift_right_logical3A_608 = arith.constant 7 : i32
    %shift_right_logical3A_609 = vector.broadcast %shift_right_logical3A_608 : i32 to vector<16xi32>
    %shift_right_logical3A_610 = arith.shrui %get3A_607, %shift_right_logical3A_609 : vector<16xi32>
    %and3A_611 = arith.constant 127 : i32
    %and3A_612 = vector.broadcast %and3A_611 : i32 to vector<16xi32>
    %and3A_613 = arith.andi %get3A_607, %and3A_612 : vector<16xi32>
    %broadcast_in_dim3A_614 = arith.constant 1.000000e+00 : f32
    %broadcast_in_dim3A_615 = vector.broadcast %broadcast_in_dim3A_614 : f32 to vector<16xf32>
    tpu.vector_store_idx %arg11[%shift_right_logical3A_610, %and3A_613], %broadcast_in_dim3A_615 {add = true} : memref<80x128xf32, #tpu.memory_space<vmem>>[vector<16xi32>, vector<16xi32>], vector<16xf32>,
    %get3A_616 = arith.constant 2 : i32
    %get3A_617 = arith.index_cast %get3A_616 : i32 to index
    %get3A_618 = arith.constant 32 : index
    %get3A_619 = tpu.vector_load %arg9[%get3A_617, %get3A_618] {strides = array<i32>} : memref<3x80xi32, #tpu.memory_space<vmem>>, vector<16xi32>,
    %shift_right_logical3A_620 = arith.constant 7 : i32
    %shift_right_logical3A_621 = vector.broadcast %shift_right_logical3A_620 : i32 to vector<16xi32>
    %shift_right_logical3A_622 = arith.shrui %get3A_619, %shift_right_logical3A_621 : vector<16xi32>
    %and3A_623 = arith.constant 127 : i32
    %and3A_624 = vector.broadcast %and3A_623 : i32 to vector<16xi32>
    %and3A_625 = arith.andi %get3A_619, %and3A_624 : vector<16xi32>
    %broadcast_in_dim3A_626 = arith.constant 1.000000e+00 : f32
    %broadcast_in_dim3A_627 = vector.broadcast %broadcast_in_dim3A_626 : f32 to vector<16xf32>
    tpu.vector_store_idx %arg11[%shift_right_logical3A_622, %and3A_625], %broadcast_in_dim3A_627 {add = true} : memref<80x128xf32, #tpu.memory_space<vmem>>[vector<16xi32>, vector<16xi32>], vector<16xf32>,
    %get3A_628 = arith.constant 2 : i32
    %get3A_629 = arith.index_cast %get3A_628 : i32 to index
    %get3A_630 = arith.constant 48 : index
    %get3A_631 = tpu.vector_load %arg9[%get3A_629, %get3A_630] {strides = array<i32>} : memref<3x80xi32, #tpu.memory_space<vmem>>, vector<16xi32>,
    %shift_right_logical3A_632 = arith.constant 7 : i32
    %shift_right_logical3A_633 = vector.broadcast %shift_right_logical3A_632 : i32 to vector<16xi32>
    %shift_right_logical3A_634 = arith.shrui %get3A_631, %shift_right_logical3A_633 : vector<16xi32>
    %and3A_635 = arith.constant 127 : i32
    %and3A_636 = vector.broadcast %and3A_635 : i32 to vector<16xi32>
    %and3A_637 = arith.andi %get3A_631, %and3A_636 : vector<16xi32>
    %broadcast_in_dim3A_638 = arith.constant 1.000000e+00 : f32
    %broadcast_in_dim3A_639 = vector.broadcast %broadcast_in_dim3A_638 : f32 to vector<16xf32>
    tpu.vector_store_idx %arg11[%shift_right_logical3A_634, %and3A_637], %broadcast_in_dim3A_639 {add = true} : memref<80x128xf32, #tpu.memory_space<vmem>>[vector<16xi32>, vector<16xi32>], vector<16xf32>,
    %get3A_640 = arith.constant 2 : i32
    %get3A_641 = arith.index_cast %get3A_640 : i32 to index
    %get3A_642 = arith.constant 64 : index
    %get3A_643 = tpu.vector_load %arg9[%get3A_641, %get3A_642] {strides = array<i32>} : memref<3x80xi32, #tpu.memory_space<vmem>>, vector<16xi32>,
    %shift_right_logical3A_644 = arith.constant 7 : i32
    %shift_right_logical3A_645 = vector.broadcast %shift_right_logical3A_644 : i32 to vector<16xi32>
    %shift_right_logical3A_646 = arith.shrui %get3A_643, %shift_right_logical3A_645 : vector<16xi32>
    %and3A_647 = arith.constant 127 : i32
    %and3A_648 = vector.broadcast %and3A_647 : i32 to vector<16xi32>
    %and3A_649 = arith.andi %get3A_643, %and3A_648 : vector<16xi32>
    %broadcast_in_dim3A_650 = arith.constant 1.000000e+00 : f32
    %broadcast_in_dim3A_651 = vector.broadcast %broadcast_in_dim3A_650 : f32 to vector<16xf32>
    tpu.vector_store_idx %arg11[%shift_right_logical3A_646, %and3A_649], %broadcast_in_dim3A_651 {add = true} : memref<80x128xf32, #tpu.memory_space<vmem>>[vector<16xi32>, vector<16xi32>], vector<16xf32>,
    %dma_wait3A_652 = arith.constant 0 : i32
    %dma_wait3A_653 = arith.constant 0 : i32
    %dma_wait3A_654 = arith.constant 0 : i32
    %dma_wait3A_655 = arith.constant 0 : i32
    %dma_wait3A_656 = tpu.memref_slice %arg10[%dma_wait3A_653, %dma_wait3A_654, %dma_wait3A_655] : memref<3x80x128xf32, #tpu.memory_space<vmem>> -> memref<1x80x128xf32, #tpu.memory_space<vmem>>
    %dma_wait3A_657 = tpu.memref_squeeze %dma_wait3A_656 : memref<1x80x128xf32, #tpu.memory_space<vmem>> -> memref<80x128xf32, #tpu.memory_space<vmem>>
    %dma_wait3A_658 = arith.constant 0 : i32
    %dma_wait3A_659 = tpu.memref_slice %arg8[%dma_wait3A_652, %dma_wait3A_658] : memref<3x80xi32, #tpu.memory_space<vmem>> -> memref<1x80xi32, #tpu.memory_space<vmem>>
    %dma_wait3A_660 = tpu.memref_squeeze %dma_wait3A_659 : memref<1x80xi32, #tpu.memory_space<vmem>> -> memref<80xi32, #tpu.memory_space<vmem>>
    %dma_wait3A_661 = arith.constant 0 : i32
    %dma_wait3A_662 = arith.constant 0 : i32
    %dma_wait3A_663 = tpu.memref_slice %arg2[%dma_wait3A_661, %dma_wait3A_662] : memref<10000x128xf32, #tpu.memory_space<hbm>> -> memref<10000x128xf32, #tpu.memory_space<hbm>>
    tpu.wait_indirect_dma semaphore(%arg13 : memref<!tpu.dma_semaphore, #tpu.memory_space<semaphore_mem>>) src(%dma_wait3A_663 : memref<10000x128xf32, #tpu.memory_space<hbm>>) dst(%dma_wait3A_657 : memref<80x128xf32, #tpu.memory_space<vmem>>)
    %dma_wait3A_664 = arith.constant 2 : i32
    %dma_wait3A_665 = arith.constant 2 : i32
    %dma_wait3A_666 = arith.constant 0 : i32
    %dma_wait3A_667 = arith.constant 0 : i32
    %dma_wait3A_668 = tpu.memref_slice %arg10[%dma_wait3A_664, %dma_wait3A_666, %dma_wait3A_667] : memref<3x80x128xf32, #tpu.memory_space<vmem>> -> memref<1x80x128xf32, #tpu.memory_space<vmem>>
    %dma_wait3A_669 = tpu.memref_squeeze %dma_wait3A_668 : memref<1x80x128xf32, #tpu.memory_space<vmem>> -> memref<80x128xf32, #tpu.memory_space<vmem>>
    %dma_wait3A_670 = arith.constant 0 : i32
    %dma_wait3A_671 = tpu.memref_slice %arg9[%dma_wait3A_665, %dma_wait3A_670] : memref<3x80xi32, #tpu.memory_space<vmem>> -> memref<1x80xi32, #tpu.memory_space<vmem>>
    %dma_wait3A_672 = tpu.memref_squeeze %dma_wait3A_671 : memref<1x80xi32, #tpu.memory_space<vmem>> -> memref<80xi32, #tpu.memory_space<vmem>>
    %dma_wait3A_673 = arith.constant 0 : i32
    %dma_wait3A_674 = arith.constant 0 : i32
    %dma_wait3A_675 = tpu.memref_slice %arg6[%dma_wait3A_673, %dma_wait3A_674] : memref<10240x128xf32, #tpu.memory_space<vmem_shared>> -> memref<10240x128xf32, #tpu.memory_space<vmem_shared>>
    tpu.wait_indirect_dma semaphore(%arg24 : memref<!tpu.dma_semaphore, #tpu.memory_space<semaphore_mem>>) src(%dma_wait3A_669 : memref<80x128xf32, #tpu.memory_space<vmem>>) dst(%dma_wait3A_675 : memref<10240x128xf32, #tpu.memory_space<vmem_shared>>)
    %dma_wait3A_676 = arith.constant 0 : i32
    %dma_wait3A_677 = arith.constant 0 : i32
    %dma_wait3A_678 = arith.constant 0 : i32
    %dma_wait3A_679 = tpu.memref_slice %arg9[%dma_wait3A_677, %dma_wait3A_678] : memref<3x80xi32, #tpu.memory_space<vmem>> -> memref<1x80xi32, #tpu.memory_space<vmem>>
    %dma_wait3A_680 = tpu.memref_squeeze %dma_wait3A_679 : memref<1x80xi32, #tpu.memory_space<vmem>> -> memref<80xi32, #tpu.memory_space<vmem>>
    %dma_wait3A_681 = tpu.memref_slice %arg3[%dma_wait3A_676, %mul3A_80] : memref<2x320000xi32, #tpu.memory_space<hbm>> -> memref<1x80xi32, #tpu.memory_space<hbm>>
    %dma_wait3A_682 = tpu.memref_squeeze %dma_wait3A_681 : memref<1x80xi32, #tpu.memory_space<hbm>> -> memref<80xi32, #tpu.memory_space<hbm>>
    %dma_wait3A_683 = arith.constant 0 : i32
    %dma_wait3A_684 = tpu.memref_slice %arg9[%dma_wait3A_677, %dma_wait3A_683] : memref<3x80xi32, #tpu.memory_space<vmem>> -> memref<1x80xi32, #tpu.memory_space<vmem>>
    %dma_wait3A_685 = tpu.memref_squeeze %dma_wait3A_684 : memref<1x80xi32, #tpu.memory_space<vmem>> -> memref<80xi32, #tpu.memory_space<vmem>>
    %dma_wait3A_686 = tpu.memref_slice %arg3[%dma_wait3A_676, %mul3A_80] : memref<2x320000xi32, #tpu.memory_space<hbm>> -> memref<1x80xi32, #tpu.memory_space<hbm>>
    %dma_wait3A_687 = tpu.memref_squeeze %dma_wait3A_686 : memref<1x80xi32, #tpu.memory_space<hbm>> -> memref<80xi32, #tpu.memory_space<hbm>>
    tpu.wait_dma2 semaphore(%arg19 : memref<!tpu.dma_semaphore, #tpu.memory_space<semaphore_mem>>) src(%dma_wait3A_687 : memref<80xi32, #tpu.memory_space<hbm>>) dst(%dma_wait3A_685 : memref<80xi32, #tpu.memory_space<vmem>>)
    %dma_start3A_688 = arith.constant 0 : i32
    %dma_start3A_689 = arith.constant 0 : i32
    %dma_start3A_690 = arith.constant 0 : i32
    %dma_start3A_691 = arith.constant 0 : i32
    %dma_start3A_692 = tpu.memref_slice %arg10[%dma_start3A_688, %dma_start3A_690, %dma_start3A_691] : memref<3x80x128xf32, #tpu.memory_space<vmem>> -> memref<1x80x128xf32, #tpu.memory_space<vmem>>
    %dma_start3A_693 = tpu.memref_squeeze %dma_start3A_692 : memref<1x80x128xf32, #tpu.memory_space<vmem>> -> memref<80x128xf32, #tpu.memory_space<vmem>>
    %dma_start3A_694 = arith.constant 0 : i32
    %dma_start3A_695 = tpu.memref_slice %arg9[%dma_start3A_689, %dma_start3A_694] : memref<3x80xi32, #tpu.memory_space<vmem>> -> memref<1x80xi32, #tpu.memory_space<vmem>>
    %dma_start3A_696 = tpu.memref_squeeze %dma_start3A_695 : memref<1x80xi32, #tpu.memory_space<vmem>> -> memref<80xi32, #tpu.memory_space<vmem>>
    %dma_start3A_697 = arith.constant 0 : i32
    %dma_start3A_698 = arith.constant 0 : i32
    %dma_start3A_699 = tpu.memref_slice %arg6[%dma_start3A_697, %dma_start3A_698] : memref<10240x128xf32, #tpu.memory_space<vmem_shared>> -> memref<10240x128xf32, #tpu.memory_space<vmem_shared>>
    tpu.enqueue_indirect_dma source(%dma_start3A_693 : memref<80x128xf32, #tpu.memory_space<vmem>>) target(%dma_start3A_699 : memref<10240x128xf32, #tpu.memory_space<vmem_shared>>) offsets(%dma_start3A_696 : memref<80xi32, #tpu.memory_space<vmem>>) semaphore(%arg22 : memref<!tpu.dma_semaphore, #tpu.memory_space<semaphore_mem>>) {add = true}
    %get3A_700 = arith.constant 0 : i32
    %get3A_701 = arith.index_cast %get3A_700 : i32 to index
    %get3A_702 = arith.constant 0 : index
    %get3A_703 = tpu.vector_load %arg9[%get3A_701, %get3A_702] {strides = array<i32>} : memref<3x80xi32, #tpu.memory_space<vmem>>, vector<16xi32>,
    %shift_right_logical3A_704 = arith.constant 7 : i32
    %shift_right_logical3A_705 = vector.broadcast %shift_right_logical3A_704 : i32 to vector<16xi32>
    %shift_right_logical3A_706 = arith.shrui %get3A_703, %shift_right_logical3A_705 : vector<16xi32>
    %and3A_707 = arith.constant 127 : i32
    %and3A_708 = vector.broadcast %and3A_707 : i32 to vector<16xi32>
    %and3A_709 = arith.andi %get3A_703, %and3A_708 : vector<16xi32>
    %broadcast_in_dim3A_710 = arith.constant 1.000000e+00 : f32
    %broadcast_in_dim3A_711 = vector.broadcast %broadcast_in_dim3A_710 : f32 to vector<16xf32>
    tpu.vector_store_idx %arg11[%shift_right_logical3A_706, %and3A_709], %broadcast_in_dim3A_711 {add = true} : memref<80x128xf32, #tpu.memory_space<vmem>>[vector<16xi32>, vector<16xi32>], vector<16xf32>,
    %get3A_712 = arith.constant 0 : i32
    %get3A_713 = arith.index_cast %get3A_712 : i32 to index
    %get3A_714 = arith.constant 16 : index
    %get3A_715 = tpu.vector_load %arg9[%get3A_713, %get3A_714] {strides = array<i32>} : memref<3x80xi32, #tpu.memory_space<vmem>>, vector<16xi32>,
    %shift_right_logical3A_716 = arith.constant 7 : i32
    %shift_right_logical3A_717 = vector.broadcast %shift_right_logical3A_716 : i32 to vector<16xi32>
    %shift_right_logical3A_718 = arith.shrui %get3A_715, %shift_right_logical3A_717 : vector<16xi32>
    %and3A_719 = arith.constant 127 : i32
    %and3A_720 = vector.broadcast %and3A_719 : i32 to vector<16xi32>
    %and3A_721 = arith.andi %get3A_715, %and3A_720 : vector<16xi32>
    %broadcast_in_dim3A_722 = arith.constant 1.000000e+00 : f32
    %broadcast_in_dim3A_723 = vector.broadcast %broadcast_in_dim3A_722 : f32 to vector<16xf32>
    tpu.vector_store_idx %arg11[%shift_right_logical3A_718, %and3A_721], %broadcast_in_dim3A_723 {add = true} : memref<80x128xf32, #tpu.memory_space<vmem>>[vector<16xi32>, vector<16xi32>], vector<16xf32>,
    %get3A_724 = arith.constant 0 : i32
    %get3A_725 = arith.index_cast %get3A_724 : i32 to index
    %get3A_726 = arith.constant 32 : index
    %get3A_727 = tpu.vector_load %arg9[%get3A_725, %get3A_726] {strides = array<i32>} : memref<3x80xi32, #tpu.memory_space<vmem>>, vector<16xi32>,
    %shift_right_logical3A_728 = arith.constant 7 : i32
    %shift_right_logical3A_729 = vector.broadcast %shift_right_logical3A_728 : i32 to vector<16xi32>
    %shift_right_logical3A_730 = arith.shrui %get3A_727, %shift_right_logical3A_729 : vector<16xi32>
    %and3A_731 = arith.constant 127 : i32
    %and3A_732 = vector.broadcast %and3A_731 : i32 to vector<16xi32>
    %and3A_733 = arith.andi %get3A_727, %and3A_732 : vector<16xi32>
    %broadcast_in_dim3A_734 = arith.constant 1.000000e+00 : f32
    %broadcast_in_dim3A_735 = vector.broadcast %broadcast_in_dim3A_734 : f32 to vector<16xf32>
    tpu.vector_store_idx %arg11[%shift_right_logical3A_730, %and3A_733], %broadcast_in_dim3A_735 {add = true} : memref<80x128xf32, #tpu.memory_space<vmem>>[vector<16xi32>, vector<16xi32>], vector<16xf32>,
    %get3A_736 = arith.constant 0 : i32
    %get3A_737 = arith.index_cast %get3A_736 : i32 to index
    %get3A_738 = arith.constant 48 : index
    %get3A_739 = tpu.vector_load %arg9[%get3A_737, %get3A_738] {strides = array<i32>} : memref<3x80xi32, #tpu.memory_space<vmem>>, vector<16xi32>,
    %shift_right_logical3A_740 = arith.constant 7 : i32
    %shift_right_logical3A_741 = vector.broadcast %shift_right_logical3A_740 : i32 to vector<16xi32>
    %shift_right_logical3A_742 = arith.shrui %get3A_739, %shift_right_logical3A_741 : vector<16xi32>
    %and3A_743 = arith.constant 127 : i32
    %and3A_744 = vector.broadcast %and3A_743 : i32 to vector<16xi32>
    %and3A_745 = arith.andi %get3A_739, %and3A_744 : vector<16xi32>
    %broadcast_in_dim3A_746 = arith.constant 1.000000e+00 : f32
    %broadcast_in_dim3A_747 = vector.broadcast %broadcast_in_dim3A_746 : f32 to vector<16xf32>
    tpu.vector_store_idx %arg11[%shift_right_logical3A_742, %and3A_745], %broadcast_in_dim3A_747 {add = true} : memref<80x128xf32, #tpu.memory_space<vmem>>[vector<16xi32>, vector<16xi32>], vector<16xf32>,
    %get3A_748 = arith.constant 0 : i32
    %get3A_749 = arith.index_cast %get3A_748 : i32 to index
    %get3A_750 = arith.constant 64 : index
    %get3A_751 = tpu.vector_load %arg9[%get3A_749, %get3A_750] {strides = array<i32>} : memref<3x80xi32, #tpu.memory_space<vmem>>, vector<16xi32>,
    %shift_right_logical3A_752 = arith.constant 7 : i32
    %shift_right_logical3A_753 = vector.broadcast %shift_right_logical3A_752 : i32 to vector<16xi32>
    %shift_right_logical3A_754 = arith.shrui %get3A_751, %shift_right_logical3A_753 : vector<16xi32>
    %and3A_755 = arith.constant 127 : i32
    %and3A_756 = vector.broadcast %and3A_755 : i32 to vector<16xi32>
    %and3A_757 = arith.andi %get3A_751, %and3A_756 : vector<16xi32>
    %broadcast_in_dim3A_758 = arith.constant 1.000000e+00 : f32
    %broadcast_in_dim3A_759 = vector.broadcast %broadcast_in_dim3A_758 : f32 to vector<16xf32>
    tpu.vector_store_idx %arg11[%shift_right_logical3A_754, %and3A_757], %broadcast_in_dim3A_759 {add = true} : memref<80x128xf32, #tpu.memory_space<vmem>>[vector<16xi32>, vector<16xi32>], vector<16xf32>,
    %dma_wait3A_760 = arith.constant 1 : i32
    %dma_wait3A_761 = arith.constant 1 : i32
    %dma_wait3A_762 = arith.constant 0 : i32
    %dma_wait3A_763 = arith.constant 0 : i32
    %dma_wait3A_764 = tpu.memref_slice %arg10[%dma_wait3A_761, %dma_wait3A_762, %dma_wait3A_763] : memref<3x80x128xf32, #tpu.memory_space<vmem>> -> memref<1x80x128xf32, #tpu.memory_space<vmem>>
    %dma_wait3A_765 = tpu.memref_squeeze %dma_wait3A_764 : memref<1x80x128xf32, #tpu.memory_space<vmem>> -> memref<80x128xf32, #tpu.memory_space<vmem>>
    %dma_wait3A_766 = arith.constant 0 : i32
    %dma_wait3A_767 = tpu.memref_slice %arg8[%dma_wait3A_760, %dma_wait3A_766] : memref<3x80xi32, #tpu.memory_space<vmem>> -> memref<1x80xi32, #tpu.memory_space<vmem>>
    %dma_wait3A_768 = tpu.memref_squeeze %dma_wait3A_767 : memref<1x80xi32, #tpu.memory_space<vmem>> -> memref<80xi32, #tpu.memory_space<vmem>>
    %dma_wait3A_769 = arith.constant 0 : i32
    %dma_wait3A_770 = arith.constant 0 : i32
    %dma_wait3A_771 = tpu.memref_slice %arg2[%dma_wait3A_769, %dma_wait3A_770] : memref<10000x128xf32, #tpu.memory_space<hbm>> -> memref<10000x128xf32, #tpu.memory_space<hbm>>
    tpu.wait_indirect_dma semaphore(%arg14 : memref<!tpu.dma_semaphore, #tpu.memory_space<semaphore_mem>>) src(%dma_wait3A_771 : memref<10000x128xf32, #tpu.memory_space<hbm>>) dst(%dma_wait3A_765 : memref<80x128xf32, #tpu.memory_space<vmem>>)
    %dma_wait3A_772 = arith.constant 0 : i32
    %dma_wait3A_773 = arith.constant 0 : i32
    %dma_wait3A_774 = arith.constant 0 : i32
    %dma_wait3A_775 = arith.constant 0 : i32
    %dma_wait3A_776 = tpu.memref_slice %arg10[%dma_wait3A_772, %dma_wait3A_774, %dma_wait3A_775] : memref<3x80x128xf32, #tpu.memory_space<vmem>> -> memref<1x80x128xf32, #tpu.memory_space<vmem>>
    %dma_wait3A_777 = tpu.memref_squeeze %dma_wait3A_776 : memref<1x80x128xf32, #tpu.memory_space<vmem>> -> memref<80x128xf32, #tpu.memory_space<vmem>>
    %dma_wait3A_778 = arith.constant 0 : i32
    %dma_wait3A_779 = tpu.memref_slice %arg9[%dma_wait3A_773, %dma_wait3A_778] : memref<3x80xi32, #tpu.memory_space<vmem>> -> memref<1x80xi32, #tpu.memory_space<vmem>>
    %dma_wait3A_780 = tpu.memref_squeeze %dma_wait3A_779 : memref<1x80xi32, #tpu.memory_space<vmem>> -> memref<80xi32, #tpu.memory_space<vmem>>
    %dma_wait3A_781 = arith.constant 0 : i32
    %dma_wait3A_782 = arith.constant 0 : i32
    %dma_wait3A_783 = tpu.memref_slice %arg6[%dma_wait3A_781, %dma_wait3A_782] : memref<10240x128xf32, #tpu.memory_space<vmem_shared>> -> memref<10240x128xf32, #tpu.memory_space<vmem_shared>>
    tpu.wait_indirect_dma semaphore(%arg22 : memref<!tpu.dma_semaphore, #tpu.memory_space<semaphore_mem>>) src(%dma_wait3A_777 : memref<80x128xf32, #tpu.memory_space<vmem>>) dst(%dma_wait3A_783 : memref<10240x128xf32, #tpu.memory_space<vmem_shared>>)
    %dma_wait3A_784 = arith.constant 0 : i32
    %dma_wait3A_785 = arith.constant 1 : i32
    %dma_wait3A_786 = arith.constant 0 : i32
    %dma_wait3A_787 = tpu.memref_slice %arg9[%dma_wait3A_785, %dma_wait3A_786] : memref<3x80xi32, #tpu.memory_space<vmem>> -> memref<1x80xi32, #tpu.memory_space<vmem>>
    %dma_wait3A_788 = tpu.memref_squeeze %dma_wait3A_787 : memref<1x80xi32, #tpu.memory_space<vmem>> -> memref<80xi32, #tpu.memory_space<vmem>>
    %dma_wait3A_789 = tpu.memref_slice %arg3[%dma_wait3A_784, %mul3A_80] : memref<2x320000xi32, #tpu.memory_space<hbm>> -> memref<1x80xi32, #tpu.memory_space<hbm>>
    %dma_wait3A_790 = tpu.memref_squeeze %dma_wait3A_789 : memref<1x80xi32, #tpu.memory_space<hbm>> -> memref<80xi32, #tpu.memory_space<hbm>>
    %dma_wait3A_791 = arith.constant 0 : i32
    %dma_wait3A_792 = tpu.memref_slice %arg9[%dma_wait3A_785, %dma_wait3A_791] : memref<3x80xi32, #tpu.memory_space<vmem>> -> memref<1x80xi32, #tpu.memory_space<vmem>>
    %dma_wait3A_793 = tpu.memref_squeeze %dma_wait3A_792 : memref<1x80xi32, #tpu.memory_space<vmem>> -> memref<80xi32, #tpu.memory_space<vmem>>
    %dma_wait3A_794 = tpu.memref_slice %arg3[%dma_wait3A_784, %mul3A_80] : memref<2x320000xi32, #tpu.memory_space<hbm>> -> memref<1x80xi32, #tpu.memory_space<hbm>>
    %dma_wait3A_795 = tpu.memref_squeeze %dma_wait3A_794 : memref<1x80xi32, #tpu.memory_space<hbm>> -> memref<80xi32, #tpu.memory_space<hbm>>
    tpu.wait_dma2 semaphore(%arg20 : memref<!tpu.dma_semaphore, #tpu.memory_space<semaphore_mem>>) src(%dma_wait3A_795 : memref<80xi32, #tpu.memory_space<hbm>>) dst(%dma_wait3A_793 : memref<80xi32, #tpu.memory_space<vmem>>)
    %dma_start3A_796 = arith.constant 1 : i32
    %dma_start3A_797 = arith.constant 1 : i32
    %dma_start3A_798 = arith.constant 0 : i32
    %dma_start3A_799 = arith.constant 0 : i32
    %dma_start3A_800 = tpu.memref_slice %arg10[%dma_start3A_796, %dma_start3A_798, %dma_start3A_799] : memref<3x80x128xf32, #tpu.memory_space<vmem>> -> memref<1x80x128xf32, #tpu.memory_space<vmem>>
    %dma_start3A_801 = tpu.memref_squeeze %dma_start3A_800 : memref<1x80x128xf32, #tpu.memory_space<vmem>> -> memref<80x128xf32, #tpu.memory_space<vmem>>
    %dma_start3A_802 = arith.constant 0 : i32
    %dma_start3A_803 = tpu.memref_slice %arg9[%dma_start3A_797, %dma_start3A_802] : memref<3x80xi32, #tpu.memory_space<vmem>> -> memref<1x80xi32, #tpu.memory_space<vmem>>
    %dma_start3A_804 = tpu.memref_squeeze %dma_start3A_803 : memref<1x80xi32, #tpu.memory_space<vmem>> -> memref<80xi32, #tpu.memory_space<vmem>>
    %dma_start3A_805 = arith.constant 0 : i32
    %dma_start3A_806 = arith.constant 0 : i32
    %dma_start3A_807 = tpu.memref_slice %arg6[%dma_start3A_805, %dma_start3A_806] : memref<10240x128xf32, #tpu.memory_space<vmem_shared>> -> memref<10240x128xf32, #tpu.memory_space<vmem_shared>>
    tpu.enqueue_indirect_dma source(%dma_start3A_801 : memref<80x128xf32, #tpu.memory_space<vmem>>) target(%dma_start3A_807 : memref<10240x128xf32, #tpu.memory_space<vmem_shared>>) offsets(%dma_start3A_804 : memref<80xi32, #tpu.memory_space<vmem>>) semaphore(%arg23 : memref<!tpu.dma_semaphore, #tpu.memory_space<semaphore_mem>>) {add = true}
    %get3A_808 = arith.constant 1 : i32
    %get3A_809 = arith.index_cast %get3A_808 : i32 to index
    %get3A_810 = arith.constant 0 : index
    %get3A_811 = tpu.vector_load %arg9[%get3A_809, %get3A_810] {strides = array<i32>} : memref<3x80xi32, #tpu.memory_space<vmem>>, vector<16xi32>,
    %shift_right_logical3A_812 = arith.constant 7 : i32
    %shift_right_logical3A_813 = vector.broadcast %shift_right_logical3A_812 : i32 to vector<16xi32>
    %shift_right_logical3A_814 = arith.shrui %get3A_811, %shift_right_logical3A_813 : vector<16xi32>
    %and3A_815 = arith.constant 127 : i32
    %and3A_816 = vector.broadcast %and3A_815 : i32 to vector<16xi32>
    %and3A_817 = arith.andi %get3A_811, %and3A_816 : vector<16xi32>
    %broadcast_in_dim3A_818 = arith.constant 1.000000e+00 : f32
    %broadcast_in_dim3A_819 = vector.broadcast %broadcast_in_dim3A_818 : f32 to vector<16xf32>
    tpu.vector_store_idx %arg11[%shift_right_logical3A_814, %and3A_817], %broadcast_in_dim3A_819 {add = true} : memref<80x128xf32, #tpu.memory_space<vmem>>[vector<16xi32>, vector<16xi32>], vector<16xf32>,
    %get3A_820 = arith.constant 1 : i32
    %get3A_821 = arith.index_cast %get3A_820 : i32 to index
    %get3A_822 = arith.constant 16 : index
    %get3A_823 = tpu.vector_load %arg9[%get3A_821, %get3A_822] {strides = array<i32>} : memref<3x80xi32, #tpu.memory_space<vmem>>, vector<16xi32>,
    %shift_right_logical3A_824 = arith.constant 7 : i32
    %shift_right_logical3A_825 = vector.broadcast %shift_right_logical3A_824 : i32 to vector<16xi32>
    %shift_right_logical3A_826 = arith.shrui %get3A_823, %shift_right_logical3A_825 : vector<16xi32>
    %and3A_827 = arith.constant 127 : i32
    %and3A_828 = vector.broadcast %and3A_827 : i32 to vector<16xi32>
    %and3A_829 = arith.andi %get3A_823, %and3A_828 : vector<16xi32>
    %broadcast_in_dim3A_830 = arith.constant 1.000000e+00 : f32
    %broadcast_in_dim3A_831 = vector.broadcast %broadcast_in_dim3A_830 : f32 to vector<16xf32>
    tpu.vector_store_idx %arg11[%shift_right_logical3A_826, %and3A_829], %broadcast_in_dim3A_831 {add = true} : memref<80x128xf32, #tpu.memory_space<vmem>>[vector<16xi32>, vector<16xi32>], vector<16xf32>,
    %get3A_832 = arith.constant 1 : i32
    %get3A_833 = arith.index_cast %get3A_832 : i32 to index
    %get3A_834 = arith.constant 32 : index
    %get3A_835 = tpu.vector_load %arg9[%get3A_833, %get3A_834] {strides = array<i32>} : memref<3x80xi32, #tpu.memory_space<vmem>>, vector<16xi32>,
    %shift_right_logical3A_836 = arith.constant 7 : i32
    %shift_right_logical3A_837 = vector.broadcast %shift_right_logical3A_836 : i32 to vector<16xi32>
    %shift_right_logical3A_838 = arith.shrui %get3A_835, %shift_right_logical3A_837 : vector<16xi32>
    %and3A_839 = arith.constant 127 : i32
    %and3A_840 = vector.broadcast %and3A_839 : i32 to vector<16xi32>
    %and3A_841 = arith.andi %get3A_835, %and3A_840 : vector<16xi32>
    %broadcast_in_dim3A_842 = arith.constant 1.000000e+00 : f32
    %broadcast_in_dim3A_843 = vector.broadcast %broadcast_in_dim3A_842 : f32 to vector<16xf32>
    tpu.vector_store_idx %arg11[%shift_right_logical3A_838, %and3A_841], %broadcast_in_dim3A_843 {add = true} : memref<80x128xf32, #tpu.memory_space<vmem>>[vector<16xi32>, vector<16xi32>], vector<16xf32>,
    %get3A_844 = arith.constant 1 : i32
    %get3A_845 = arith.index_cast %get3A_844 : i32 to index
    %get3A_846 = arith.constant 48 : index
    %get3A_847 = tpu.vector_load %arg9[%get3A_845, %get3A_846] {strides = array<i32>} : memref<3x80xi32, #tpu.memory_space<vmem>>, vector<16xi32>,
    %shift_right_logical3A_848 = arith.constant 7 : i32
    %shift_right_logical3A_849 = vector.broadcast %shift_right_logical3A_848 : i32 to vector<16xi32>
    %shift_right_logical3A_850 = arith.shrui %get3A_847, %shift_right_logical3A_849 : vector<16xi32>
    %and3A_851 = arith.constant 127 : i32
    %and3A_852 = vector.broadcast %and3A_851 : i32 to vector<16xi32>
    %and3A_853 = arith.andi %get3A_847, %and3A_852 : vector<16xi32>
    %broadcast_in_dim3A_854 = arith.constant 1.000000e+00 : f32
    %broadcast_in_dim3A_855 = vector.broadcast %broadcast_in_dim3A_854 : f32 to vector<16xf32>
    tpu.vector_store_idx %arg11[%shift_right_logical3A_850, %and3A_853], %broadcast_in_dim3A_855 {add = true} : memref<80x128xf32, #tpu.memory_space<vmem>>[vector<16xi32>, vector<16xi32>], vector<16xf32>,
    %get3A_856 = arith.constant 1 : i32
    %get3A_857 = arith.index_cast %get3A_856 : i32 to index
    %get3A_858 = arith.constant 64 : index
    %get3A_859 = tpu.vector_load %arg9[%get3A_857, %get3A_858] {strides = array<i32>} : memref<3x80xi32, #tpu.memory_space<vmem>>, vector<16xi32>,
    %shift_right_logical3A_860 = arith.constant 7 : i32
    %shift_right_logical3A_861 = vector.broadcast %shift_right_logical3A_860 : i32 to vector<16xi32>
    %shift_right_logical3A_862 = arith.shrui %get3A_859, %shift_right_logical3A_861 : vector<16xi32>
    %and3A_863 = arith.constant 127 : i32
    %and3A_864 = vector.broadcast %and3A_863 : i32 to vector<16xi32>
    %and3A_865 = arith.andi %get3A_859, %and3A_864 : vector<16xi32>
    %broadcast_in_dim3A_866 = arith.constant 1.000000e+00 : f32
    %broadcast_in_dim3A_867 = vector.broadcast %broadcast_in_dim3A_866 : f32 to vector<16xf32>
    tpu.vector_store_idx %arg11[%shift_right_logical3A_862, %and3A_865], %broadcast_in_dim3A_867 {add = true} : memref<80x128xf32, #tpu.memory_space<vmem>>[vector<16xi32>, vector<16xi32>], vector<16xf32>,
    %dma_wait3A_868 = arith.constant 1 : i32
    %dma_wait3A_869 = arith.constant 1 : i32
    %dma_wait3A_870 = arith.constant 0 : i32
    %dma_wait3A_871 = arith.constant 0 : i32
    %dma_wait3A_872 = tpu.memref_slice %arg10[%dma_wait3A_868, %dma_wait3A_870, %dma_wait3A_871] : memref<3x80x128xf32, #tpu.memory_space<vmem>> -> memref<1x80x128xf32, #tpu.memory_space<vmem>>
    %dma_wait3A_873 = tpu.memref_squeeze %dma_wait3A_872 : memref<1x80x128xf32, #tpu.memory_space<vmem>> -> memref<80x128xf32, #tpu.memory_space<vmem>>
    %dma_wait3A_874 = arith.constant 0 : i32
    %dma_wait3A_875 = tpu.memref_slice %arg9[%dma_wait3A_869, %dma_wait3A_874] : memref<3x80xi32, #tpu.memory_space<vmem>> -> memref<1x80xi32, #tpu.memory_space<vmem>>
    %dma_wait3A_876 = tpu.memref_squeeze %dma_wait3A_875 : memref<1x80xi32, #tpu.memory_space<vmem>> -> memref<80xi32, #tpu.memory_space<vmem>>
    %dma_wait3A_877 = arith.constant 0 : i32
    %dma_wait3A_878 = arith.constant 0 : i32
    %dma_wait3A_879 = tpu.memref_slice %arg6[%dma_wait3A_877, %dma_wait3A_878] : memref<10240x128xf32, #tpu.memory_space<vmem_shared>> -> memref<10240x128xf32, #tpu.memory_space<vmem_shared>>
    tpu.wait_indirect_dma semaphore(%arg23 : memref<!tpu.dma_semaphore, #tpu.memory_space<semaphore_mem>>) src(%dma_wait3A_873 : memref<80x128xf32, #tpu.memory_space<vmem>>) dst(%dma_wait3A_879 : memref<10240x128xf32, #tpu.memory_space<vmem_shared>>)
    %barrier3A_880 = arith.constant 0 : index
    tpu.barrier barrier_id(%barrier3A_880)
    "tpu.region"() ({
      %run_scoped3A_888 = tpu.sem_alloc : memref<!tpu.dma_semaphore, #tpu.memory_space<semaphore_mem>>
      %dma_start3A_889 = arith.constant 0 : i32
      %dma_start3A_890 = arith.constant 0 : i32
      %dma_start3A_891 = tpu.memref_slice %arg7[%dma_start3A_889, %dma_start3A_890] : memref<80x128xf32, #tpu.memory_space<vmem_shared>> -> memref<80x128xf32, #tpu.memory_space<vmem_shared>>
      tpu.enqueue_indirect_dma source(%arg11 : memref<80x128xf32, #tpu.memory_space<vmem>>) target(%dma_start3A_891 : memref<80x128xf32, #tpu.memory_space<vmem_shared>>) offsets(%arg12 : memref<80xi32, #tpu.memory_space<vmem>>) semaphore(%run_scoped3A_888 : memref<!tpu.dma_semaphore, #tpu.memory_space<semaphore_mem>>) {add = true}
      %dma_wait3A_892 = arith.constant 0 : i32
      %dma_wait3A_893 = arith.constant 0 : i32
      %dma_wait3A_894 = tpu.memref_slice %arg7[%dma_wait3A_892, %dma_wait3A_893] : memref<80x128xf32, #tpu.memory_space<vmem_shared>> -> memref<80x128xf32, #tpu.memory_space<vmem_shared>>
      tpu.wait_indirect_dma semaphore(%run_scoped3A_888 : memref<!tpu.dma_semaphore, #tpu.memory_space<semaphore_mem>>) src(%arg11 : memref<80x128xf32, #tpu.memory_space<vmem>>) dst(%dma_wait3A_894 : memref<80x128xf32, #tpu.memory_space<vmem_shared>>)
      tpu.yield
    }) : () -> ()
    %barrier3A_881 = arith.constant 0 : index
    tpu.barrier barrier_id(%barrier3A_881)
    %mul3A_882 = arith.constant 640 : i32
    %mul3A_883 = arith.muli %arg1, %mul3A_882 : i32
    "tpu.region"() ({
      %run_scoped3A_888 = tpu.sem_alloc : memref<!tpu.dma_semaphore, #tpu.memory_space<semaphore_mem>>
      %dma_start3A_889 = arith.constant 0 : i32
      %dma_start3A_890 = tpu.memref_slice %arg4[%arg0, %mul3A_883, %dma_start3A_889] : memref<2x10240x128xf32, #tpu.memory_space<hbm>> -> memref<1x640x128xf32, #tpu.memory_space<hbm>>
      %dma_start3A_891 = tpu.memref_squeeze %dma_start3A_890 : memref<1x640x128xf32, #tpu.memory_space<hbm>> -> memref<640x128xf32, #tpu.memory_space<hbm>>
      %dma_start3A_892 = arith.constant 0 : i32
      %dma_start3A_893 = tpu.memref_slice %arg6[%mul3A_883, %dma_start3A_892] : memref<10240x128xf32, #tpu.memory_space<vmem_shared>> -> memref<640x128xf32, #tpu.memory_space<vmem_shared>>
      tpu.enqueue_dma source(%dma_start3A_893 : memref<640x128xf32, #tpu.memory_space<vmem_shared>>) target(%dma_start3A_891 : memref<640x128xf32, #tpu.memory_space<hbm>>) target_semaphore(%run_scoped3A_888 : memref<!tpu.dma_semaphore, #tpu.memory_space<semaphore_mem>>)
      %dma_wait3A_894 = arith.constant 0 : i32
      %dma_wait3A_895 = tpu.memref_slice %arg4[%arg0, %mul3A_883, %dma_wait3A_894] : memref<2x10240x128xf32, #tpu.memory_space<hbm>> -> memref<1x640x128xf32, #tpu.memory_space<hbm>>
      %dma_wait3A_896 = tpu.memref_squeeze %dma_wait3A_895 : memref<1x640x128xf32, #tpu.memory_space<hbm>> -> memref<640x128xf32, #tpu.memory_space<hbm>>
      %dma_wait3A_897 = arith.constant 0 : i32
      %dma_wait3A_898 = tpu.memref_slice %arg6[%mul3A_883, %dma_wait3A_897] : memref<10240x128xf32, #tpu.memory_space<vmem_shared>> -> memref<640x128xf32, #tpu.memory_space<vmem_shared>>
      tpu.wait_dma2 semaphore(%run_scoped3A_888 : memref<!tpu.dma_semaphore, #tpu.memory_space<semaphore_mem>>) src(%dma_wait3A_898 : memref<640x128xf32, #tpu.memory_space<vmem_shared>>) dst(%dma_wait3A_896 : memref<640x128xf32, #tpu.memory_space<hbm>>)
      tpu.yield
    }) : () -> ()
    %mul3A_884 = arith.constant 5 : i32
    %mul3A_885 = arith.muli %arg1, %mul3A_884 : i32
    %mul3A_886 = arith.constant 5 : i32
    %mul3A_887 = arith.muli %arg1, %mul3A_886 : i32
    "tpu.region"() ({
      %run_scoped3A_888 = tpu.sem_alloc : memref<!tpu.dma_semaphore, #tpu.memory_space<semaphore_mem>>
      %dma_start3A_889 = arith.constant 0 : i32
      %dma_start3A_890 = tpu.memref_slice %arg5[%arg0, %mul3A_887, %dma_start3A_889] : memref<2x80x128xf32, #tpu.memory_space<hbm>> -> memref<1x5x128xf32, #tpu.memory_space<hbm>>
      %dma_start3A_891 = tpu.memref_squeeze %dma_start3A_890 : memref<1x5x128xf32, #tpu.memory_space<hbm>> -> memref<5x128xf32, #tpu.memory_space<hbm>>
      %dma_start3A_892 = arith.constant 0 : i32
      %dma_start3A_893 = tpu.memref_slice %arg7[%mul3A_885, %dma_start3A_892] : memref<80x128xf32, #tpu.memory_space<vmem_shared>> -> memref<5x128xf32, #tpu.memory_space<vmem_shared>>
      tpu.enqueue_dma source(%dma_start3A_893 : memref<5x128xf32, #tpu.memory_space<vmem_shared>>) target(%dma_start3A_891 : memref<5x128xf32, #tpu.memory_space<hbm>>) target_semaphore(%run_scoped3A_888 : memref<!tpu.dma_semaphore, #tpu.memory_space<semaphore_mem>>)
      %dma_wait3A_894 = arith.constant 0 : i32
      %dma_wait3A_895 = tpu.memref_slice %arg5[%arg0, %mul3A_887, %dma_wait3A_894] : memref<2x80x128xf32, #tpu.memory_space<hbm>> -> memref<1x5x128xf32, #tpu.memory_space<hbm>>
      %dma_wait3A_896 = tpu.memref_squeeze %dma_wait3A_895 : memref<1x5x128xf32, #tpu.memory_space<hbm>> -> memref<5x128xf32, #tpu.memory_space<hbm>>
      %dma_wait3A_897 = arith.constant 0 : i32
      %dma_wait3A_898 = tpu.memref_slice %arg7[%mul3A_885, %dma_wait3A_897] : memref<80x128xf32, #tpu.memory_space<vmem_shared>> -> memref<5x128xf32, #tpu.memory_space<vmem_shared>>
      tpu.wait_dma2 semaphore(%run_scoped3A_888 : memref<!tpu.dma_semaphore, #tpu.memory_space<semaphore_mem>>) src(%dma_wait3A_898 : memref<5x128xf32, #tpu.memory_space<vmem_shared>>) dst(%dma_wait3A_896 : memref<5x128xf32, #tpu.memory_space<hbm>>)
      tpu.yield
    }) : () -> ()
    return
  }
}

module attributes {stable_mosaic.version = 14 : i64} {
  func.func @_dense_body(%arg0: i32, %arg1: memref<2x2048x128xf32, #tpu.memory_space<vmem>>, %arg2: memref<2x16x128xf32, #tpu.memory_space<vmem>>, %arg3: memref<2048x128xf32, #tpu.memory_space<vmem>>, %arg4: memref<128x128xf32, #tpu.memory_space<vmem>>, %arg5: memref<128x128xf32, #tpu.memory_space<vmem>>, %arg6: memref<1x128xf32, #tpu.memory_space<vmem>>, %arg7: memref<1x128xf32, #tpu.memory_space<vmem>>, %arg8: memref<1x128xf32, #tpu.memory_space<vmem>>, %arg9: memref<2048x128xf32, #tpu.memory_space<vmem>>) attributes {dimension_semantics = [#tpu.dimension_semantics<arbitrary>], iteration_bounds = array<i64: 5>, scalar_prefetch = 0 : i64, scratch_operands = 0 : i64, tpu.core_type = #tpu.core_type<tc>, window_params = [{transform_indices = @transform_0, window_bounds = array<i64: 2, 2048, 128>}, {transform_indices = @transform_1, window_bounds = array<i64: 2, 16, 128>}, {transform_indices = @transform_2, window_bounds = array<i64: 2048, 128>}, {pipeline_mode = #tpu.pipeline_mode<synchronous>, transform_indices = @transform_3, window_bounds = array<i64: 128, 128>}, {pipeline_mode = #tpu.pipeline_mode<synchronous>, transform_indices = @transform_4, window_bounds = array<i64: 128, 128>}, {pipeline_mode = #tpu.pipeline_mode<synchronous>, transform_indices = @transform_5, window_bounds = array<i64: 1, 128>}, {pipeline_mode = #tpu.pipeline_mode<synchronous>, transform_indices = @transform_6, window_bounds = array<i64: 1, 128>}, {pipeline_mode = #tpu.pipeline_mode<synchronous>, transform_indices = @transform_7, window_bounds = array<i64: 1, 128>}, {transform_indices = @transform_8, window_bounds = array<i64: 2048, 128>}]} {
    %get3A = arith.constant 0 : index
    %get3A_0 = arith.constant 0 : index
    %get3A_1 = arith.constant 0 : index
    %get3A_2 = vector.load %arg1[%get3A, %get3A_0, %get3A_1] : memref<2x2048x128xf32, #tpu.memory_space<vmem>>, vector<1x2048x128xf32>
    %get3A_3 = vector.shape_cast %get3A_2 : vector<1x2048x128xf32> to vector<2048x128xf32>
    %get3A_4 = arith.constant 1 : index
    %get3A_5 = arith.constant 0 : index
    %get3A_6 = arith.constant 0 : index
    %get3A_7 = vector.load %arg1[%get3A_4, %get3A_5, %get3A_6] : memref<2x2048x128xf32, #tpu.memory_space<vmem>>, vector<1x2048x128xf32>
    %get3A_8 = vector.shape_cast %get3A_7 : vector<1x2048x128xf32> to vector<2048x128xf32>
    %add3A = arith.addf %get3A_3, %get3A_8 : vector<2048x128xf32>
    %get3A_9 = arith.constant 0 : index
    %get3A_10 = arith.constant 0 : index
    %get3A_11 = arith.constant 0 : index
    %get3A_12 = vector.load %arg2[%get3A_9, %get3A_10, %get3A_11] : memref<2x16x128xf32, #tpu.memory_space<vmem>>, vector<1x16x128xf32>
    %get3A_13 = vector.shape_cast %get3A_12 : vector<1x16x128xf32> to vector<16x128xf32>
    %get3A_14 = arith.constant 1 : index
    %get3A_15 = arith.constant 0 : index
    %get3A_16 = arith.constant 0 : index
    %get3A_17 = vector.load %arg2[%get3A_14, %get3A_15, %get3A_16] : memref<2x16x128xf32, #tpu.memory_space<vmem>>, vector<1x16x128xf32>
    %get3A_18 = vector.shape_cast %get3A_17 : vector<1x16x128xf32> to vector<16x128xf32>
    %add3A_19 = arith.addf %get3A_13, %get3A_18 : vector<16x128xf32>
    %iota3A = tpu.iota {dimensions = array<i32: 0>} : vector<2048x16xi32>
    %jit3A = arith.constant 128 : i32
    %div3A = vector.broadcast %jit3A : i32 to vector<2048x16xi32>
    %div3A_20 = arith.divsi %iota3A, %div3A : vector<2048x16xi32>
    %sign3A = arith.constant 0 : i32
    %sign3A_21 = vector.broadcast %sign3A : i32 to vector<2048x16xi32>
    %sign3A_22 = arith.cmpi sgt, %iota3A, %sign3A_21 : vector<2048x16xi32>
    %sign3A_23 = arith.extui %sign3A_22 : vector<2048x16xi1> to vector<2048x16xi32>
    %sign3A_24 = arith.constant 0 : i32
    %sign3A_25 = vector.broadcast %sign3A_24 : i32 to vector<2048x16xi32>
    %sign3A_26 = arith.cmpi slt, %iota3A, %sign3A_25 : vector<2048x16xi32>
    %sign3A_27 = arith.extui %sign3A_26 : vector<2048x16xi1> to vector<2048x16xi32>
    %sign3A_28 = arith.subi %sign3A_23, %sign3A_27 : vector<2048x16xi32>
    %sign3A_29 = arith.constant 0 : i32
    %sign3A_30 = arith.cmpi sgt, %jit3A, %sign3A_29 : i32
    %sign3A_31 = arith.extui %sign3A_30 : i1 to i32
    %sign3A_32 = arith.constant 0 : i32
    %sign3A_33 = arith.cmpi slt, %jit3A, %sign3A_32 : i32
    %sign3A_34 = arith.extui %sign3A_33 : i1 to i32
    %sign3A_35 = arith.subi %sign3A_31, %sign3A_34 : i32
    %ne3A = vector.broadcast %sign3A_35 : i32 to vector<2048x16xi32>
    %ne3A_36 = arith.cmpi ne, %sign3A_28, %ne3A : vector<2048x16xi32>
    %rem3A = vector.broadcast %jit3A : i32 to vector<2048x16xi32>
    %rem3A_37 = arith.remsi %iota3A, %rem3A : vector<2048x16xi32>
    %ne3A_38 = arith.constant 0 : i32
    %ne3A_39 = vector.broadcast %ne3A_38 : i32 to vector<2048x16xi32>
    %ne3A_40 = arith.cmpi ne, %rem3A_37, %ne3A_39 : vector<2048x16xi32>
    %and3A = arith.andi %ne3A_36, %ne3A_40 : vector<2048x16xi1>
    %sub3A = arith.constant 1 : i32
    %sub3A_41 = vector.broadcast %sub3A : i32 to vector<2048x16xi32>
    %sub3A_42 = arith.subi %div3A_20, %sub3A_41 : vector<2048x16xi32>
    %select_n3A = arith.select %and3A, %sub3A_42, %div3A_20 : vector<2048x16xi1>, vector<2048x16xi32>
    %iota3A_43 = tpu.iota {dimensions = array<i32: 1>} : vector<2048x16xi32>
    %eq3A = arith.cmpi eq, %select_n3A, %iota3A_43 : vector<2048x16xi32>
    %convert_element_type3A = arith.extui %eq3A : vector<2048x16xi1> to vector<2048x16xi32>
    %convert_element_type3A_44 = arith.sitofp %convert_element_type3A : vector<2048x16xi32> to vector<2048x16xf32>
    %dot_general3A = arith.constant dense<0.000000e+00> : vector<2048x128xf32>
    %dot_general3A_45 = tpu.matmul %convert_element_type3A_44, %add3A_19, %dot_general3A {dimension_numbers = #tpu.dot_dimension_numbers<[1], [0], [0], [1], [0, 0, 1, 1], [], []>, transpose_lhs_hint = false} : vector<2048x16xf32>, vector<16x128xf32>, vector<2048x128xf32> -> vector<2048x128xf32>
    %iota3A_46 = tpu.iota {dimensions = array<i32: 0>} : vector<2048x128xi32>
    %jit3A_47 = arith.constant 128 : i32
    %eq3A_48 = arith.constant 0 : i32
    %eq3A_49 = arith.cmpi eq, %jit3A_47, %eq3A_48 : i32
    %jit3A_50 = arith.constant 1 : i32
    %select_n3A_51 = arith.select %eq3A_49, %jit3A_50, %jit3A_47 : i32
    %rem3A_52 = vector.broadcast %select_n3A_51 : i32 to vector<2048x128xi32>
    %rem3A_53 = arith.remsi %iota3A_46, %rem3A_52 : vector<2048x128xi32>
    %ne3A_54 = arith.constant 0 : i32
    %ne3A_55 = vector.broadcast %ne3A_54 : i32 to vector<2048x128xi32>
    %ne3A_56 = arith.cmpi ne, %rem3A_53, %ne3A_55 : vector<2048x128xi32>
    %lt3A = arith.constant 0 : i32
    %lt3A_57 = vector.broadcast %lt3A : i32 to vector<2048x128xi32>
    %lt3A_58 = arith.cmpi slt, %rem3A_53, %lt3A_57 : vector<2048x128xi32>
    %lt3A_59 = arith.constant 0 : i32
    %lt3A_60 = arith.cmpi slt, %select_n3A_51, %lt3A_59 : i32
    %ne3A_61 = vector.broadcast %lt3A_60 : i1 to vector<2048x128xi1>
    %ne3A_62 = vector.broadcast %ne3A_61 : vector<2048x128xi1> to vector<2048x128xi1>
    %ne3A_63 = arith.xori %lt3A_58, %ne3A_62 : vector<2048x128xi1>
    %and3A_64 = arith.andi %ne3A_63, %ne3A_56 : vector<2048x128xi1>
    %add3A_65 = vector.broadcast %select_n3A_51 : i32 to vector<2048x128xi32>
    %add3A_66 = arith.addi %rem3A_53, %add3A_65 : vector<2048x128xi32>
    %select_n3A_67 = arith.select %and3A_64, %add3A_66, %rem3A_53 : vector<2048x128xi1>, vector<2048x128xi32>
    %iota3A_68 = tpu.iota {dimensions = array<i32: 1>} : vector<2048x128xi32>
    %eq3A_69 = arith.cmpi eq, %select_n3A_67, %iota3A_68 : vector<2048x128xi32>
    %jit3A_70 = arith.constant 0.000000e+00 : f32
    %broadcast_in_dim3A = vector.broadcast %jit3A_70 : f32 to vector<2048x128xf32>
    %select_n3A_71 = arith.select %eq3A_69, %dot_general3A_45, %broadcast_in_dim3A : vector<2048x128xi1>, vector<2048x128xf32>
    %reduce_sum3A = arith.constant dense<0.000000e+00> : vector<2048xf32>
    %reduce_sum3A_72 = vector.multi_reduction <add>, %select_n3A_71, %reduce_sum3A [1] : vector<2048x128xf32> to vector<2048xf32>
    %broadcast_in_dim3A_73 = vector.shape_cast %reduce_sum3A_72 : vector<2048xf32> to vector<2048x1xf32>
    %max3A = arith.constant 1.000000e+00 : f32
    %max3A_74 = vector.broadcast %max3A : f32 to vector<2048x1xf32>
    %max3A_75 = arith.maximumf %broadcast_in_dim3A_73, %max3A_74 : vector<2048x1xf32>
    %div3A_76 = vector.broadcast %max3A_75 : vector<2048x1xf32> to vector<2048x128xf32>
    %div3A_77 = arith.divf %add3A, %div3A_76 : vector<2048x128xf32>
    %get3A_78 = arith.constant 0 : index
    %get3A_79 = arith.constant 0 : index
    %get3A_80 = vector.load %arg4[%get3A_78, %get3A_79] : memref<128x128xf32, #tpu.memory_space<vmem>>, vector<128x128xf32>
    %dot_general3A_81 = arith.constant dense<0.000000e+00> : vector<2048x128xf32>
    %dot_general3A_82 = tpu.matmul %div3A_77, %get3A_80, %dot_general3A_81 {dimension_numbers = #tpu.dot_dimension_numbers<[1], [1], [0], [0], [0, 0, 1, 0], [], []>, transpose_lhs_hint = false} : vector<2048x128xf32>, vector<128x128xf32>, vector<2048x128xf32> -> vector<2048x128xf32>
    %get3A_83 = arith.constant 0 : index
    %get3A_84 = arith.constant 0 : index
    %get3A_85 = vector.load %arg3[%get3A_83, %get3A_84] : memref<2048x128xf32, #tpu.memory_space<vmem>>, vector<2048x128xf32>
    %get3A_86 = arith.constant 0 : index
    %get3A_87 = arith.constant 0 : index
    %get3A_88 = vector.load %arg5[%get3A_86, %get3A_87] : memref<128x128xf32, #tpu.memory_space<vmem>>, vector<128x128xf32>
    %dot_general3A_89 = arith.constant dense<0.000000e+00> : vector<2048x128xf32>
    %dot_general3A_90 = tpu.matmul %get3A_85, %get3A_88, %dot_general3A_89 {dimension_numbers = #tpu.dot_dimension_numbers<[1], [1], [0], [0], [0, 0, 1, 0], [], []>, transpose_lhs_hint = false} : vector<2048x128xf32>, vector<128x128xf32>, vector<2048x128xf32> -> vector<2048x128xf32>
    %add3A_91 = arith.addf %dot_general3A_82, %dot_general3A_90 : vector<2048x128xf32>
    %get3A_92 = arith.constant 0 : index
    %get3A_93 = arith.constant 0 : index
    %get3A_94 = vector.load %arg6[%get3A_92, %get3A_93] : memref<1x128xf32, #tpu.memory_space<vmem>>, vector<1x128xf32>
    %add3A_95 = vector.broadcast %get3A_94 : vector<1x128xf32> to vector<2048x128xf32>
    %add3A_96 = arith.addf %add3A_91, %add3A_95 : vector<2048x128xf32>
    %reduce_sum3A_97 = arith.constant dense<0.000000e+00> : vector<2048xf32>
    %reduce_sum3A_98 = vector.multi_reduction <add>, %add3A_96, %reduce_sum3A_97 [1] : vector<2048x128xf32> to vector<2048xf32>
    %broadcast_in_dim3A_99 = vector.shape_cast %reduce_sum3A_98 : vector<2048xf32> to vector<2048x1xf32>
    %div3A_100 = arith.constant 1.280000e+02 : f32
    %div3A_101 = vector.broadcast %div3A_100 : f32 to vector<2048x1xf32>
    %div3A_102 = arith.divf %broadcast_in_dim3A_99, %div3A_101 : vector<2048x1xf32>
    %sub3A_103 = vector.broadcast %div3A_102 : vector<2048x1xf32> to vector<2048x128xf32>
    %sub3A_104 = arith.subf %add3A_96, %sub3A_103 : vector<2048x128xf32>
    %square3A = arith.mulf %sub3A_104, %sub3A_104 : vector<2048x128xf32>
    %reduce_sum3A_105 = arith.constant dense<0.000000e+00> : vector<2048xf32>
    %reduce_sum3A_106 = vector.multi_reduction <add>, %square3A, %reduce_sum3A_105 [1] : vector<2048x128xf32> to vector<2048xf32>
    %broadcast_in_dim3A_107 = vector.shape_cast %reduce_sum3A_106 : vector<2048xf32> to vector<2048x1xf32>
    %div3A_108 = arith.constant 1.280000e+02 : f32
    %div3A_109 = vector.broadcast %div3A_108 : f32 to vector<2048x1xf32>
    %div3A_110 = arith.divf %broadcast_in_dim3A_107, %div3A_109 : vector<2048x1xf32>
    %sub3A_111 = vector.broadcast %div3A_102 : vector<2048x1xf32> to vector<2048x128xf32>
    %sub3A_112 = arith.subf %add3A_96, %sub3A_111 : vector<2048x128xf32>
    %add3A_113 = arith.constant 9.99999974E-6 : f32
    %add3A_114 = vector.broadcast %add3A_113 : f32 to vector<2048x1xf32>
    %add3A_115 = arith.addf %div3A_110, %add3A_114 : vector<2048x1xf32>
    %rsqrt3A = math.rsqrt %add3A_115 : vector<2048x1xf32>
    %mul3A = vector.broadcast %rsqrt3A : vector<2048x1xf32> to vector<2048x128xf32>
    %mul3A_116 = arith.mulf %sub3A_112, %mul3A : vector<2048x128xf32>
    %get3A_117 = arith.constant 0 : index
    %get3A_118 = arith.constant 0 : index
    %get3A_119 = vector.load %arg7[%get3A_117, %get3A_118] : memref<1x128xf32, #tpu.memory_space<vmem>>, vector<1x128xf32>
    %mul3A_120 = vector.broadcast %get3A_119 : vector<1x128xf32> to vector<2048x128xf32>
    %mul3A_121 = arith.mulf %mul3A_116, %mul3A_120 : vector<2048x128xf32>
    %get3A_122 = arith.constant 0 : index
    %get3A_123 = arith.constant 0 : index
    %get3A_124 = vector.load %arg8[%get3A_122, %get3A_123] : memref<1x128xf32, #tpu.memory_space<vmem>>, vector<1x128xf32>
    %add3A_125 = vector.broadcast %get3A_124 : vector<1x128xf32> to vector<2048x128xf32>
    %add3A_126 = arith.addf %mul3A_121, %add3A_125 : vector<2048x128xf32>
    %ge3A = arith.constant 0.000000e+00 : f32
    %ge3A_127 = vector.broadcast %ge3A : f32 to vector<2048x128xf32>
    %ge3A_128 = arith.cmpf oge, %add3A_126, %ge3A_127 : vector<2048x128xf32>
    %mul3A_129 = arith.constant 0.00999999977 : f32
    %mul3A_130 = vector.broadcast %mul3A_129 : f32 to vector<2048x128xf32>
    %mul3A_131 = arith.mulf %mul3A_130, %add3A_126 : vector<2048x128xf32>
    %select_n3A_132 = arith.select %ge3A_128, %add3A_126, %mul3A_131 : vector<2048x128xi1>, vector<2048x128xf32>
    %swap3A = arith.constant 0 : index
    %swap3A_133 = arith.constant 0 : index
    %swap3A_134 = vector.load %arg9[%swap3A, %swap3A_133] : memref<2048x128xf32, #tpu.memory_space<vmem>>, vector<2048x128xf32>
    tpu.vector_store %arg9[%swap3A, %swap3A_133], %select_n3A_132 {strides = array<i32>} : memref<2048x128xf32, #tpu.memory_space<vmem>>, vector<2048x128xf32>,
    return
  }
  func.func @transform_0(%arg0: i32) -> (i32, i32, i32) {
    %c0_i32 = arith.constant 0 : i32
    %c0_i32_0 = arith.constant 0 : i32
    %c0_i32_1 = arith.constant 0 : i32
    return %c0_i32, %arg0, %c0_i32_0 : i32, i32, i32
  }
  func.func @transform_1(%arg0: i32) -> (i32, i32, i32) {
    %c0_i32 = arith.constant 0 : i32
    %c0_i32_0 = arith.constant 0 : i32
    %c0_i32_1 = arith.constant 0 : i32
    return %c0_i32, %arg0, %c0_i32_0 : i32, i32, i32
  }
  func.func @transform_2(%arg0: i32) -> (i32, i32) {
    %c0_i32 = arith.constant 0 : i32
    %c0_i32_0 = arith.constant 0 : i32
    return %arg0, %c0_i32 : i32, i32
  }
  func.func @transform_3(%arg0: i32) -> (i32, i32) {
    %c0_i32 = arith.constant 0 : i32
    %c0_i32_0 = arith.constant 0 : i32
    %c0_i32_1 = arith.constant 0 : i32
    return %c0_i32, %c0_i32_0 : i32, i32
  }
  func.func @transform_4(%arg0: i32) -> (i32, i32) {
    %c0_i32 = arith.constant 0 : i32
    %c0_i32_0 = arith.constant 0 : i32
    %c0_i32_1 = arith.constant 0 : i32
    return %c0_i32, %c0_i32_0 : i32, i32
  }
  func.func @transform_5(%arg0: i32) -> (i32, i32) {
    %c0_i32 = arith.constant 0 : i32
    %c0_i32_0 = arith.constant 0 : i32
    %c0_i32_1 = arith.constant 0 : i32
    return %c0_i32, %c0_i32_0 : i32, i32
  }
  func.func @transform_6(%arg0: i32) -> (i32, i32) {
    %c0_i32 = arith.constant 0 : i32
    %c0_i32_0 = arith.constant 0 : i32
    %c0_i32_1 = arith.constant 0 : i32
    return %c0_i32, %c0_i32_0 : i32, i32
  }
  func.func @transform_7(%arg0: i32) -> (i32, i32) {
    %c0_i32 = arith.constant 0 : i32
    %c0_i32_0 = arith.constant 0 : i32
    %c0_i32_1 = arith.constant 0 : i32
    return %c0_i32, %c0_i32_0 : i32, i32
  }
  func.func @transform_8(%arg0: i32) -> (i32, i32) {
    %c0_i32 = arith.constant 0 : i32
    %c0_i32_0 = arith.constant 0 : i32
    return %arg0, %c0_i32 : i32, i32
  }
}

</mosaic_0001>

<sc_bundles>
// kernel: kernel.4.cloned.1.call-start
scs
__scs_entry_jumppad:
0x0: {  	(pc) =	sbr.rel $0x88, $3  }
0x1: {  	(tag) =	ssettag $0x0;
	lr =	simm.s32 $0x1  }
0x2: {  	[smem:$0x3F9A] =	sst lr;
	_ =	strace $0xD0000000  }
0x3: {  	_ = 	snop  }
0x4: {  	_ = 	snop  }
0x5: {  	_ = 	snop  }
0x6: {  	_ = 	snop  }
0x7: {  	_ = 	snop  }
__scs_overlays_trampoline_lowered:
0x8: {  	[smem:$0x3FA9] =	sst s0  }
0x9: {  	[smem:$0x3FAA] =	sst s1  }
0xa: {  	[smem:$0x3FAB] =	sst s2  }
0xb: {  	[smem:$0x3FAC] =	sst s3  }
0xc: {  	[smem:$0x3FAD] =	sst s4  }
0xd: {  	[smem:$0x3FAE] =	sst s5  }
0xe: {  	[smem:$0x3FAF] =	sst s6  }
0xf: {  	[smem:$0x3FB0] =	sst s7  }
0x10: {  	[smem:$0x3FB1] =	sst s8  }
0x11: {  	[smem:$0x3FB2] =	sst s9;
	s0 =	simm.s32 @!p0 $0x0  }
0x12: {  	s1 =	sld [smem:$0x3F98];
	s0 =	simm.s32 @p0 $0x1  }
0x13: {  	[smem:$0x3FB3] =	sst s0;
	s0 =	simm.s32 @!p1 $0x0  }
0x14: {  	s2 =	sld [smem:$0x3F97];
	s0 =	simm.s32 @p1 $0x1  }
0x15: {  	[smem:$0x3FB4] =	sst s0;
	s0 =	simm.s32 @!p2 $0x0  }
0x16: {  	s3 =	sld [smem:$0x3FDB];
	s0 =	simm.s32 @p2 $0x1  }
0x17: {  	s4 =	simm.s32 $0x1BF5;
	[smem:$0x3FB6] =	sst s0  }
0x18: {  	s0 =	sld [smem:$0x3F99];
	_ =	swait.ge [sflag:s4], $0x0  }
0x19: {  	s7 =	sld [smem:$0x3F9A]  }
0x1a: {  	s8 =	sadd.s32 $0xFFFFE003, lr  }
0x1b: {  	s9 =	sadd.s32 $0xFFFFFEF7, lr;
	s5 =	simm.s32 $0xFFFFFFFF;
	p2 =	slt.u32 s8, $0xFFFFF086  }
0x1c: {  	p1 =	slt.u32 s9, $0xF7A;
	s5 =	simm.s32 @!p2 $0x0  }
0x1d: {  	s5 =	simm.s32 @p1 $0x1;
	p0 =	seq.s32 s7, s2  }
0x1e: {  	s7 =	smul.u32 @!p0 $0xF7A, s2;
	p2 =	seq.s32 @!p0 s5, $0x0  }
0x1f: {  	s9 =	smul.u32 $0xF7A, s1;
	s8 =	simm.s32 @!p0 $0x1BF5;
	p2 =	por !p2, p0  }
0x20: {  	[sflag:s8] =	ssyncset.s32 @!p0 $0xFFFFF086;
	s6 =	sadd.s32 @!p0 s3, s7;
	s7 =	simm.s32 @!p0 $0x108  }
0x21: {  	s3 =	sadd.s32 s3, s9;
	s6 =	sadd.s32 @!p0 $0x88, s6;
	s7 =	simm.s32 @p2 $0x1082  }
0x22: {  	[simem:s7], [sflag:s8] =	dma.local @!p0 [hbm:s6], $0xF7A  }
0x23: {  	s9 =	sor.u32 $0xD0000000, s2;
	s6 =	simm.s32 $0x108;
	_ =	swait.ge @!p0 [sflag:s8], $0x0  }
0x24: {  	s3 =	sadd.s32 $0x88, s3;
	s6 =	simm.s32 @!p1 $0x1082;
	[sflag:s4] =	ssyncset.s32 $0xFFFFF086  }
0x25: {  	[simem:s6], [sflag:s4] =	dma.local [hbm:s3], $0xF7A  }
0x26: {  	[smem:$0x3F9A] =	sst s1;
	(tag) =	ssettag s2;
	_ =	strace s9  }
0x27: {  	s1 =	sld [smem:$0x3FAA]  }
0x28: {  	s2 =	sld [smem:$0x3FAB]  }
0x29: {  	s4 =	sld [smem:$0x3FAD]  }
0x2a: {  	p0 =	seq.s32 s5, $0x0;
	s5 =	sld [smem:$0x3FAE]  }
0x2b: {  	s6 =	sld [smem:$0x3FAF]  }
0x2c: {  	s7 =	sld [smem:$0x3FB0]  }
0x2d: {  	s3 =	simm.s32 $0x108;
	s8 =	sld [smem:$0x3FB1]  }
0x2e: {  	s3 =	simm.s32 @!p0 $0x1082;
	s9 =	sld [smem:$0x3FB2]  }
0x2f: {  	lr =	sadd.s32 s0, s3;
	s0 =	sld [smem:$0x3FA9]  }
0x30: {  	s3 =	sld [smem:$0x3FAC]  }
0x31: {  	[smem:$0x3FB5] =	sst s10  }
0x32: {  	s10 =	sld [smem:$0x3FB3];
	_ =	sdelay $0x3  }
0x33: {  	p0 =	seq.s32 s10, $0x1;
	s10 =	sld [smem:$0x3FB5];
	_ =	sdelay $0x3  }
0x34: {  	[smem:$0x3FB5] =	sst s10  }
0x35: {  	s10 =	sld [smem:$0x3FB4];
	_ =	sdelay $0x3  }
0x36: {  	p1 =	seq.s32 s10, $0x1;
	s10 =	sld [smem:$0x3FB5];
	_ =	sdelay $0x3  }
0x37: {  	[smem:$0x3FB5] =	sst s10  }
0x38: {  	s10 =	sld [smem:$0x3FB6]  }
0x39: {  	_ = 	snop;
	(pc) =	sbr.ind lr, $3  }
0x3a: {  	_ = 	snop  }
0x3b: {  	_ = 	snop  }
0x3c: {  	p2 =	seq.s32 s10, $0x1;
	s10 =	sld [smem:$0x3FB5]  }
0x3d: {  	_ =	shalt  }
0x3e: {  	_ =	shalt  }
0x3f: {  	_ =	shalt  }
0x40: {  	_ =	shalt  }
0x41: {  	_ =	shalt  }
0x42: {  	_ =	shalt  }
0x43: {  	_ =	shalt  }
0x44: {  	_ =	shalt  }
0x45: {  	_ =	shalt  }
0x46: {  	_ =	shalt  }
0x47: {  	_ =	shalt  }
0x48: {  	_ =	shalt  }
0x49: {  	_ =	shalt  }
0x4a: {  	_ =	shalt  }
0x4b: {  	_ =	shalt  }
0x4c: {  	_ =	shalt  }
0x4d: {  	_ =	shalt  }
0x4e: {  	_ =	shalt  }
0x4f: {  	_ =	shalt  }
0x50: {  	_ =	shalt  }
0x51: {  	_ =	shalt  }
0x52: {  	_ =	shalt  }
0x53: {  	_ =	shalt  }
0x54: {  	_ =	shalt  }
0x55: {  	_ =	shalt  }
0x56: {  	_ =	shalt  }
0x57: {  	_ =	shalt  }
0x58: {  	_ =	shalt  }
0x59: {  	_ =	shalt  }
0x5a: {  	_ =	shalt  }
0x5b: {  	_ =	shalt  }
0x5c: {  	_ =	shalt  }
0x5d: {  	_ =	shalt  }
0x5e: {  	_ =	shalt  }
0x5f: {  	_ =	shalt  }
0x60: {  	_ =	shalt  }
0x61: {  	_ =	shalt  }
0x62: {  	_ =	shalt  }
0x63: {  	_ =	shalt  }
0x64: {  	_ =	shalt  }
0x65: {  	_ =	shalt  }
0x66: {  	_ =	shalt  }
0x67: {  	_ =	shalt  }
0x68: {  	_ =	shalt  }
0x69: {  	_ =	shalt  }
0x6a: {  	_ =	shalt  }
0x6b: {  	_ =	shalt  }
0x6c: {  	_ =	shalt  }
0x6d: {  	_ =	shalt  }
0x6e: {  	_ =	shalt  }
0x6f: {  	_ =	shalt  }
0x70: {  	_ =	shalt  }
0x71: {  	_ =	shalt  }
0x72: {  	_ =	shalt  }
0x73: {  	_ =	shalt  }
0x74: {  	_ =	shalt  }
0x75: {  	_ =	shalt  }
0x76: {  	_ =	shalt  }
0x77: {  	_ =	shalt  }
0x78: {  	_ =	shalt  }
0x79: {  	_ =	shalt  }
0x7a: {  	_ =	shalt  }
0x7b: {  	_ =	shalt  }
0x7c: {  	_ =	shalt  }
0x7d: {  	_ =	shalt  }
0x7e: {  	_ =	shalt  }
0x7f: {  	_ =	shalt  }
0x80: {  	_ =	shalt  }
0x81: {  	_ =	shalt  }
0x82: {  	_ =	shalt  }
0x83: {  	_ =	shalt  }
0x84: {  	_ =	shalt  }
0x85: {  	_ =	shalt  }
0x86: {  	_ =	shalt  }
0x87: {  	_ =	shalt  }
.Lfunc_end0:
.L_simem_size_0:
called_computation_lowered:
.L_overlay_start_0:
0x88: {  	s2 =	sld [smem:$0x3FD9]  }
0x89: {  	s3 =	sld [smem:$0x3FFE];
	_ =	sdelay $0x1  }
0x8a: {  	s1 =	srdreg.scid  }
0x8b: {  	s0 =	sand.u32 $0x1, s1  }
0x8c: {  	s17 =	sshll.u32 s0, $0xA;
	s2 =	sadd.s32 s3, s2  }
0x8d: {  	s2 =	sadd.s32 s2, s17  }
0x8e: {  	[smem:$0x3FC1] =	sst s2  }
0x8f: {  	_ = 	snop  }
0x90: {  	s2 =	sld [smem:$0x3FC9]  }
0x91: {  	s18 =	sld [smem:$0x3FD0];
	(tm) =	ssettm $0x1  }
0x92: {  	s4 =	sld [smem:$0x3FFB];
	_ =	sdelay $0x3  }
0x93: {  	_ =	strace s4  }
0x94: {  	s4 =	sld [smem:$0x3FFC];
	_ =	sdelay $0x3  }
0x95: {  	_ =	strace s4  }
0x96: {  	s4 =	sld [smem:$0x3FFD];
	_ =	sdelay $0x3  }
0x97: {  	_ =	strace s4  }
0x98: {  	_ =	strace $0x8FFFFFFF  }
0x99: {  	s19 =	sld [smem:$0x3FDB];
	_ =	sdelay $0x1  }
0x9a: {  	s5 =	simm.s32 $_scs_section_size  }
0x9b: {  	s6 =	simm.s32 $_size__tile_overlayer_lowered;
	s7 =	simm.s32 $_tile_overlayer_lowered  }
0x9c: {  	s22 =	simm.s32 $0x1BFF;
	s21 =	sshll.u32 s7, $0x1;
	s4 =	sadd.s32 s5, s19  }
0x9d: {  	s8 =	simm.s32 $0x0;
	s20 =	sshll.u32 s6, $0x1;
	s6 =	sadd.s32 s21, s4  }
0x9e: {  	[timem:s8], [sflag:s22] =	dma.local [hbm:s6], s20  }
0x9f: {  	_ =	swait.ge [sflag:s22], s20  }
0xa0: {  	s5 =	ssub.s32 $0x0, s20;
	[sflag:s22] =	ssyncset.done $0x0  }
0xa1: {  	[sflag:s22] =	ssyncadd.s32 s5;
	_ =	sdelay $0x1  }
0xa2: {  	s23 =	simm.s32 $0x1B8B  }
0xa3: {  	_ =	swait.ge [sflag:s23], $0x1  }
0xa4: {  	[sflag:s23] =	ssyncset.done $0x0  }
0xa5: {  	s25 =	simm.s32 $0x1B8E;
	s24 =	sld [smem:$0x3FFE];
	[sflag:s23] =	ssyncadd.s32 $0xFFFFFFFF  }
0xa6: {  	s26 =	simm.s32 $execute0_lowered;
	[smem:$0x3FD2] =	sst s25  }
0xa7: {  	s6 =	sshll.u32 s26, $0x1;
	_ =	strace $0x80000046;
	[dreg:$0x1] =	wrdreg $0xFFFFFFFF  }
0xa8: {  	s28 =	simm.s32 $_size_execute0_lowered;
	s4 =	sadd.s32 s4, s6;
	[dreg:$0x0] =	wrdreg $0x0  }
0xa9: {  	s6 =	sshll.u32 s28, $0x1;
	[dreg:$0x2] =	wrdreg s4  }
0xaa: {  	[dreg:$0x3] =	wrdreg s6  }
0xab: {  	[dreg:$0x4] =	wrdreg $0xC0  }
0xac: {  	_ =	task [dreg:s8], $0x5FFFF  }
0xad: {  	[dreg:$0x1] =	wrdreg $0xFFFFFFFF  }
0xae: {  	[dreg:$0x0] =	wrdreg $0x60  }
0xaf: {  	[dreg:$0x2] =	wrdreg s2  }
0xb0: {  	[dreg:$0x3] =	wrdreg s18  }
0xb1: {  	[dreg:$0x4] =	wrdreg s24  }
0xb2: {  	[dreg:$0x5] =	wrdreg $0x0  }
0xb3: {  	[dreg:$0x6] =	wrdreg $0x140000  }
0xb4: {  	[dreg:$0x7] =	wrdreg $0x9  }
0xb5: {  	_ =	task.clear_ibuf [dreg:s8], $0x8FFFF;
	_ =	strace $0x90000046  }
0xb6: {  	s29 =	simm.s32 $0x9;
	_ =	strace $0x80000048  }
0xb7: {  	_ =	swait.ge [sflag:s29], $0x1  }
0xb8: {  	[sflag:s29] =	ssyncadd.s32 $0xFFFFFFFF  }
0xb9: {  	_ =	strace $0x90000048  }
0xba: {  	_ =	sfence  }
0xbb: {  	s30 =	sld [smem:$0x0];
	_ =	sdelay $0x2  }
0xbc: {  	s31 =	sshll.u32 s1, $0xD;
	s1 =	sshrl.u32 s1, $0x2  }
0xbd: {  	s3 =	sand.u32 $0x4000, s31;
	s1 =	sadd.s32 s1, s30  }
0xbe: {  	s0 =	sor.u32 s3, s0;
	s1 =	sshll.u32 s1, $0x11  }
0xbf: {  	s0 =	sor.u32 s1, s0  }
0xc0: {  	s0 =	sadd.s32 $0x8F2B, s0  }
0xc1: {  	[sflag:s0] =	ssyncadd.remote.s32 $0x1  }
0xc2: {  	_ =	sfence.sel $0xFFFF  }
0xc3: {  	[dreg:$0x0] =	wrdreg $0xFFFFFFFF;
	(pc) =	sbr.abs _section_cstart, $3  }
0xc4: {  	[dreg:$0x1] =	wrdreg $0xFFFFFFFF  }
0xc5: {  	_ =	task.clear_ibuf [dreg:s8], $0x2FFFF;
	_ =	strace $0x9FFFFFFF  }
0xc6: {  	(tm) =	ssettm $0x7FFFFFFF  }
0xc7: {  	_ =	shalt  }
tec
execute0_lowered:
.L_overlay_start_1:
0x0: {  	(tag) =	ssettag $0x1  }
0x1: {  	s0 =	rddreg [dreg:$0x0]  }
0x2: {  	s1 =	rddreg [dreg:$0x1]  }
0x3: {  	s2 =	srdreg.scid;
	s4 =	rddreg [dreg:$0x2]  }
0x4: {  	s13 =	stileid.u32;
	s3 =	rddreg [dreg:$0x3]  }
0x5: {  	s14 =	rddreg [dreg:$0x4];
	s5 =	simm.s32 $0x0;
	s6 =	smul.u32 $0x14000, s13  }
0x6: {  	s29 =	simm.s32 $0x14460;
	s7 =	sand.u32 $0x1, s2;
	s2 =	smul.u32 $0x280, s13  }
0x7: {  	s30 =	simm.s32 $0xD;
	s31 =	simm.s32 $0x14280;
	s10 =	smul.u32 $0x50000, s13  }
0x8: {  	[smem:$0x7FF] =	sst s5;
	s11 =	sshll.u32 s13, $0x1;
	s8 =	smul.u32 $0x140000, s7  }
0x9: {  	p0 =	sne.s32 s13, $0x0;
	s9 =	smul.u32 $0x2800, s7;
	_ =	strace $0x80000047  }
0xa: {  	s26 =	ssub.s32 $0x2, s7;
	s11 =	sor.u32 s7, s11;
	s7 =	smul.u32 $0x2710, s7  }
0xb: {  	s12 =	sshrl.u32 s26, $0x1;
	s10 =	sshrl.u32 s10, $0x2;
	s11 =	smul.u32 $0x2710, s11  }
0xc: {  	s8 =	sadd.s32 s6, s8;
	s10 =	sadd.s32 s10, s3;
	s6 =	sadd.s32 s6, s3  }
0xd: {  	s9 =	sadd.s32 s2, s9;
	[dreg:$0x1c] =	wrdreg s6;
	s28 =	sadd.s32 $0x2800, s10  }
0xe: {  	s8 =	sshrl.u32 s8, $0x3;
	s15 =	sadd.s32 $0x5000, s10;
	[dreg:$0xc] =	wrdreg s28  }
0xf: {  	s9 =	sshrl.u32 s9, $0x3;
	s16 =	sadd.s32 $0x7800, s10;
	[dreg:$0xd] =	wrdreg s15  }
0x10: {  	s6 =	smul.u32 $0x4E20, s13;
	s17 =	sadd.s32 $0xA000, s10;
	[dreg:$0xe] =	wrdreg s16  }
0x11: {  	s18 =	sadd.s32 $0xC800, s10;
	s11 =	sshrl.u32 s11, $0x3;
	[dreg:$0xf] =	wrdreg s17  }
0x12: {  	s19 =	sadd.s32 $0xF000, s10;
	s10 =	sadd.s32 $0x11800, s10;
	[dreg:$0x10] =	wrdreg s18  }
0x13: {  	s8 =	sadd.s32 s8, s4;
	s4 =	sadd.s32 s9, s4;
	[dreg:$0x11] =	wrdreg s19  }
0x14: {  	s9 =	ssub.s32 s26, s12;
	s15 =	sadd.s32 s1, s11;
	[dreg:$0x13] =	wrdreg s10  }
0x15: {  	s7 =	sadd.s32 s7, s6;
	s20 =	sadd.s32 $0xA, s15;
	[dreg:$0x12] =	wrdreg s15  }
0x16: {  	s11 =	sadd.s32 $0x14, s15;
	s16 =	sadd.s32 $0x9C40, s15;
	[dreg:$0x14] =	wrdreg s20  }
0x17: {  	s18 =	sadd.s32 $0x9C4A, s15;
	s19 =	sadd.s32 $0x1E, s15;
	[dreg:$0x15] =	wrdreg s11  }
0x18: {  	s21 =	sadd.s32 $0x1E0, s7;
	s22 =	sadd.s32 $0x190, s7;
	[dreg:$0x16] =	wrdreg s16  }
0x19: {  	s12 =	sadd.s32 $0x4E390, s7;
	s26 =	sadd.s32 $0x4E2F0, s7;
	[dreg:$0x17] =	wrdreg s18  }
0x1a: {  	s6 =	sadd.s32 $0x140, s7;
	s7 =	sadd.s32 $0x4E340, s7;
	[dreg:$0x18] =	wrdreg s19  }
0x1b: {  	s20 =	sadd.s32 $0x9C54, s15;
	s16 =	simm.s32 $0x19460;
	s18 =	simm.s32 $0x1BC60  }
0x1c: {  	s19 =	simm.s32 $0x2;
	s10 =	sshrl.u32 s21, $0x3;
	s11 =	sshrl.u32 s22, $0x3  }
0x1d: {  	s24 =	sshrl.u32 s12, $0x3;
	s28 =	sshrl.u32 s26, $0x3;
	s7 =	sshrl.u32 s7, $0x3  }
0x1e: {  	[dreg:$0x19] =	wrdreg s20;
	s21 =	sadd.s32 $0x4D8, s15;
	s22 =	sadd.s32 $0x1E00, s8  }
0x1f: {  	s26 =	sadd.s32 $0xA10E, s15;
	s8 =	simm.s32 $0x4;
	s12 =	simm.s32 $0x1  }
0x20: {  	s20 =	simm.s32 $0xA;
	s10 =	sadd.s32 s10, s1;
	[dreg:$0x1a] =	wrdreg s21  }
0x21: {  	s23 =	sadd.s32 s11, s1;
	s25 =	sadd.s32 s24, s1;
	[dreg:$0x1b] =	wrdreg s22  }
0x22: {  	s11 =	sshrl.u32 s6, $0x3;
	s24 =	sadd.s32 s2, s14;
	[smem:$0x7FC] =	sst s26  }
0x23: {  	s2 =	simm.s32 $0x142D0;
	s14 =	simm.s32 $0x14410;
	[dreg:$0x6] =	wrdreg s10  }
0x24: {  	s21 =	simm.s32 $0x8;
	s22 =	simm.s32 $0x3;
	[dreg:$0x7] =	wrdreg s23  }
0x25: {  	s26 =	simm.s32 $0x0;
	[dreg:$0x8] =	wrdreg s25;
	s10 =	sadd.s32 s28, s1  }
0x26: {  	s17 =	sadd.s32 s11, s1;
	s1 =	sadd.s32 s7, s1;
	[dreg:$0x9] =	wrdreg s10  }
0x27: {  	s23 =	sadd.s32 $0x51E00, s4;
	s25 =	smax.u32 s9, $0x1;
	[dreg:$0xa] =	wrdreg s17  }
0x28: {  	s28 =	sadd.s32 $0xA118, s15;
	s4 =	simm.s32 $0x14370;
	[dreg:$0xb] =	wrdreg s1  }
0x29: {  	s7 =	simm.s32 $0x143C0;
	s9 =	simm.s32 $0x50;
	[dreg:$0x1d] =	wrdreg s23  }
0x2a: {  	s11 =	simm.s32 $0x16C60;
	s15 =	simm.s32 $0x6;
	[dreg:$0x1e] =	wrdreg s25  }
0x2b: {  	v0 =	vlaneseq.u32;
	s1 =	sshrl.u32 s24, $0x3;
	[smem:$0x7FD] =	sst s28;
	s10 =	simm.s32 $0x5  }
0x2c: {  	v1 =	vimm.f32 $0.0e+00;
	v6 =	vimm.f32 $1.000000000e+00;
	v2 =	vor.u32 $0x10, v0;
	s17 =	simm.s32 $0x7;
	s23 =	simm.s32 $0xB;
	s24 =	simm.s32 $0x9  }
0x2d: {  	v3 =	vor.u32 $0x20, v0;
	v4 =	vor.u32 $0x30, v0;
	v5 =	vor.u32 $0x40, v0;
	s25 =	simm.s32 $0xC;
	[dreg:$0x1f] =	wrdreg s1;
	s1 =	simm.s32 $0x14320  }
.LBB2_1:
0x2e: {  	s28 =	simm.s32 $0x0;
	s13 =	simm.s32 $0x200  }
.LBB2_2:
0x2f: {  	p1 =	sne.s32 s13, $0x9E00;
	[tilespmem:s28+$0x144D0] =	vst v1  }
0x30: {  	[tilespmem:s28+$0x14460] =	vst v1  }
0x31: {  	[tilespmem:s28+$0x14470] =	vst v1  }
.Ltmp0:
0x32: {  	[tilespmem:s28+$0x14480] =	vst v1;
	(pc) =	sbr.rel @p1 .LBB2_2-.Ltmp0, $4  }
0x33: {  	[tilespmem:s28+$0x14490] =	vst v1  }
0x34: {  	[tilespmem:s28+$0x144A0] =	vst v1  }
0x35: {  	[tilespmem:s28+$0x144B0] =	vst v1  }
0x36: {  	[tilespmem:s28+$0x144C0] =	vst v1;
	s28 =	sshra.s32 s13, $0x2;
	s13 =	sadd.s32 $0x200, s13  }
0x37: {  	[tilespmem:s28+$0x144D0] =	vst v1  }
0x38: {  	[tilespmem:s28+$0x14460] =	vst v1  }
0x39: {  	[tilespmem:s28+$0x14470] =	vst v1  }
0x3a: {  	[tilespmem:s28+$0x14480] =	vst v1  }
0x3b: {  	[tilespmem:s28+$0x14490] =	vst v1  }
0x3c: {  	[tilespmem:s28+$0x144A0] =	vst v1  }
0x3d: {  	[tilespmem:s28+$0x144B0] =	vst v1  }
0x3e: {  	[tilespmem:s28+$0x144C0] =	vst v1;
	s28 =	simm.s32 $0x0;
	s13 =	simm.s32 $0x200  }
.LBB2_4:
0x3f: {  	p1 =	sne.s32 s13, $0x9E00;
	[tilespmem:s28+$0x1BCD0] =	vst v1  }
0x40: {  	[tilespmem:s28+$0x1BC60] =	vst v1  }
0x41: {  	[tilespmem:s28+$0x1BC70] =	vst v1  }
.Ltmp1:
0x42: {  	[tilespmem:s28+$0x1BC80] =	vst v1;
	(pc) =	sbr.rel @p1 .LBB2_4-.Ltmp1, $4  }
0x43: {  	[tilespmem:s28+$0x1BC90] =	vst v1  }
0x44: {  	[tilespmem:s28+$0x1BCA0] =	vst v1  }
0x45: {  	[tilespmem:s28+$0x1BCB0] =	vst v1  }
0x46: {  	[tilespmem:s28+$0x1BCC0] =	vst v1;
	s28 =	sshra.s32 s13, $0x2;
	s13 =	sadd.s32 $0x200, s13  }
0x47: {  	[tilespmem:s28+$0x1BCD0] =	vst v1  }
0x48: {  	[tilespmem:s28+$0x1BC60] =	vst v1  }
0x49: {  	[tilespmem:s28+$0x1BC70] =	vst v1  }
0x4a: {  	[tilespmem:s28+$0x1BC80] =	vst v1  }
0x4b: {  	[tilespmem:s28+$0x1BC90] =	vst v1  }
0x4c: {  	[tilespmem:s28+$0x1BCA0] =	vst v1  }
0x4d: {  	[tilespmem:s28+$0x1BCB0] =	vst v1  }
0x4e: {  	[tilespmem:s28+$0x1BCC0] =	vst v1  }
0x4f: {  	[tilespmem:$0x1E460] =	vst v0  }
0x50: {  	[tilespmem:$0x1E470] =	vst v2  }
0x51: {  	[tilespmem:$0x1E480] =	vst v3  }
0x52: {  	[tilespmem:$0x1E490] =	vst v4  }
0x53: {  	s6 =	rddreg [dreg:$0x1c];
	[tilespmem:$0x1E4A0] =	vst v5  }
0x54: {  	[spmem:s6] =	stream.linear.scatter [tilespmem:s29], [sflag:$0xD], $0x2800, $0x38;
	[tilespmem:$0x1E4B0] =	vst v63  }
0x55: {  	_ =	swait.ge [sflag:s30], $0x2800  }
0x56: {  	[sflag:s30] =	ssyncset.done $0x0  }
0x57: {  	s13 =	rddreg [dreg:$0xc];
	[sflag:s30] =	ssyncadd.s32 $0xFFFFD800  }
0x58: {  	[spmem:s13] =	stream.linear.scatter [tilespmem:s29], [sflag:$0xD], $0x2800, $0x38;
	[tilespmem:$0x1E4B0] =	vst v63  }
0x59: {  	_ =	swait.ge [sflag:s30], $0x2800  }
0x5a: {  	[sflag:s30] =	ssyncset.done $0x0  }
0x5b: {  	s6 =	rddreg [dreg:$0xd];
	[sflag:s30] =	ssyncadd.s32 $0xFFFFD800  }
0x5c: {  	[spmem:s6] =	stream.linear.scatter [tilespmem:s29], [sflag:$0xD], $0x2800, $0x38;
	[tilespmem:$0x1E4B0] =	vst v63  }
0x5d: {  	_ =	swait.ge [sflag:s30], $0x2800  }
0x5e: {  	[sflag:s30] =	ssyncset.done $0x0  }
0x5f: {  	s6 =	rddreg [dreg:$0xe];
	[sflag:s30] =	ssyncadd.s32 $0xFFFFD800  }
0x60: {  	[spmem:s6] =	stream.linear.scatter [tilespmem:s29], [sflag:$0xD], $0x2800, $0x38;
	[tilespmem:$0x1E4B0] =	vst v63  }
0x61: {  	_ =	swait.ge [sflag:s30], $0x2800  }
0x62: {  	[sflag:s30] =	ssyncset.done $0x0  }
0x63: {  	s6 =	rddreg [dreg:$0xf];
	[sflag:s30] =	ssyncadd.s32 $0xFFFFD800  }
0x64: {  	[spmem:s6] =	stream.linear.scatter [tilespmem:s29], [sflag:$0xD], $0x2800, $0x38;
	[tilespmem:$0x1E4B0] =	vst v63  }
0x65: {  	_ =	swait.ge [sflag:s30], $0x2800  }
0x66: {  	[sflag:s30] =	ssyncset.done $0x0  }
0x67: {  	s6 =	rddreg [dreg:$0x10];
	[sflag:s30] =	ssyncadd.s32 $0xFFFFD800  }
0x68: {  	[spmem:s6] =	stream.linear.scatter [tilespmem:s29], [sflag:$0xD], $0x2800, $0x38;
	[tilespmem:$0x1E4B0] =	vst v63  }
0x69: {  	_ =	swait.ge [sflag:s30], $0x2800  }
0x6a: {  	[sflag:s30] =	ssyncset.done $0x0  }
0x6b: {  	s6 =	rddreg [dreg:$0x11];
	[sflag:s30] =	ssyncadd.s32 $0xFFFFD800  }
0x6c: {  	[spmem:s6] =	stream.linear.scatter [tilespmem:s29], [sflag:$0xD], $0x2800, $0x38;
	[tilespmem:$0x1E4B0] =	vst v63  }
0x6d: {  	_ =	swait.ge [sflag:s30], $0x2800  }
0x6e: {  	[sflag:s30] =	ssyncset.done $0x0  }
0x6f: {  	s6 =	rddreg [dreg:$0x13];
	[sflag:s30] =	ssyncadd.s32 $0xFFFFD800  }
0x70: {  	[spmem:s6] =	stream.linear.scatter [tilespmem:s29], [sflag:$0xD], $0x2800, $0x38;
	[tilespmem:$0x1E4B0] =	vst v63  }
0x71: {  	_ =	swait.ge [sflag:s30], $0x2800  }
0x72: {  	[sflag:s30] =	ssyncset.done $0x0  }
0x73: {  	[sflag:s30] =	ssyncadd.s32 $0xFFFFD800  }
0x74: {  	s13 =	simm.s32 @!p0 $0x14460;
	s28 =	rddreg [dreg:$0x4]  }
0x75: {  	[spmem:s28] =	stream.linear.scatter @!p0 [tilespmem:s13], [sflag:$0xD], $0x2800, $0x38;
	[tilespmem:$0x1E4B0] =	vst v63  }
0x76: {  	s13 =	simm.s32 @!p0 $0xD  }
0x77: {  	_ =	swait.ge @!p0 [sflag:s13], $0x2800  }
0x78: {  	[sflag:s13] =	ssyncset.done @!p0 $0x0  }
0x79: {  	[sflag:s13] =	ssyncadd.s32 @!p0 $0xFFFFD800  }
0x7a: {  	[bflag:$0x0] =	sbarrier.arrive $0xFFFF  }
0x7b: {  	s28 =	simm.s32 $0x0;
	s6 =	rddreg [dreg:$0x12]  }
0x7c: {  	[tilespmem:s31], [sflag:$0x4] =	stream.linear.gather [hbm4b:s6+s28], $0x50, $0x38;
	[tilespmem:$0x1E4B0] =	vst v63  }
0x7d: {  	s6 =	rddreg [dreg:$0x14]  }
0x7e: {  	[tilespmem:s2], [sflag:$0x5] =	stream.linear.gather [hbm4b:s6+s28], $0x50, $0x38;
	[tilespmem:$0x1E4B0] =	vst v63  }
0x7f: {  	s6 =	rddreg [dreg:$0x15]  }
0x80: {  	[tilespmem:s1], [sflag:$0x6] =	stream.linear.gather [hbm4b:s6+s28], $0x50, $0x38;
	[tilespmem:$0x1E4B0] =	vst v63  }
0x81: {  	s6 =	rddreg [dreg:$0x16]  }
0x82: {  	[tilespmem:s4], [sflag:$0x7] =	stream.linear.gather [hbm4b:s6+s28], $0x50, $0x38;
	[tilespmem:$0x1E4B0] =	vst v63  }
0x83: {  	s6 =	rddreg [dreg:$0x17]  }
0x84: {  	[tilespmem:s7], [sflag:$0x8] =	stream.linear.gather [hbm4b:s6+s28], $0x50, $0x38;
	[tilespmem:$0x1E4B0] =	vst v63  }
0x85: {  	_ =	swait.ge [sflag:s8], $0x50  }
0x86: {  	[sflag:s8] =	ssyncset.done $0x0  }
0x87: {  	[sflag:s8] =	ssyncadd.s32 $0xFFFFFFB0  }
0x88: {  	[tilespmem:s29], [sflag:$0x1] =	stream.indirect.gather [hbm4b:s0+s9], $0x80, s31, s9, $0xb8;
	[tilespmem:$0x1E4B0] =	vst v63  }
0x89: {  	_ =	swait.ge [sflag:s10], $0x50  }
0x8a: {  	[sflag:s10] =	ssyncset.done $0x0  }
0x8b: {  	[sflag:s10] =	ssyncadd.s32 $0xFFFFFFB0  }
0x8c: {  	[tilespmem:s11], [sflag:$0x2] =	stream.indirect.gather [hbm4b:s0+s9], $0x80, s2, s9, $0xb8;
	[tilespmem:$0x1E4B0] =	vst v63  }
0x8d: {  	_ =	swait.ge [sflag:s12], $0x2800  }
0x8e: {  	[sflag:s12] =	ssyncset.done $0x0  }
0x8f: {  	s6 =	rddreg [dreg:$0x18];
	[sflag:s12] =	ssyncadd.s32 $0xFFFFD800  }
0x90: {  	[tilespmem:s31], [sflag:$0x4] =	stream.linear.gather [hbm4b:s6+s28], $0x50, $0x38;
	[tilespmem:$0x1E4B0] =	vst v63  }
0x91: {  	s6 =	rddreg [dreg:$0x19]  }
0x92: {  	[tilespmem:s14], [sflag:$0x9] =	stream.linear.gather [hbm4b:s6+s28], $0x50, $0x38;
	[tilespmem:$0x1E4B0] =	vst v63  }
0x93: {  	_ =	swait.ge [sflag:s15], $0x50  }
0x94: {  	[sflag:s15] =	ssyncset.done $0x0  }
0x95: {  	[sflag:s15] =	ssyncadd.s32 $0xFFFFFFB0  }
0x96: {  	[tilespmem:s16], [sflag:$0x3] =	stream.indirect.gather [hbm4b:s0+s9], $0x80, s1, s9, $0xb8;
	[tilespmem:$0x1E4B0] =	vst v63  }
0x97: {  	_ =	swait.ge [sflag:s17], $0x50  }
0x98: {  	[sflag:s17] =	ssyncset.done $0x0  }
0x99: {  	[sflag:s17] =	ssyncadd.s32 $0xFFFFFFB0  }
0x9a: {  	[spmem:s3] =	stream.indirect.scatter.add.f32 [tilespmem:s29], [sflag:$0xA], $0x80, s4, s9, $0xb8;
	[tilespmem:$0x1E4B0] =	vst v63  }
0x9b: {  	v7 =	vld [tilespmem:$0x14370];
	_ =	sdelay $0x7  }
0x9c: {  	[tilespmem:v7+s18+$0x0] =	vst.idx.add.f32.msk $0xffff, v6  }
0x9d: {  	v7 =	vld [tilespmem:$0x14380];
	_ =	sdelay $0x7  }
0x9e: {  	[tilespmem:v7+s18+$0x0] =	vst.idx.add.f32.msk $0xffff, v6  }
0x9f: {  	v7 =	vld [tilespmem:$0x14390];
	_ =	sdelay $0x7  }
0xa0: {  	[tilespmem:v7+s18+$0x0] =	vst.idx.add.f32.msk $0xffff, v6  }
0xa1: {  	v7 =	vld [tilespmem:$0x143A0];
	_ =	sdelay $0x7  }
0xa2: {  	[tilespmem:v7+s18+$0x0] =	vst.idx.add.f32.msk $0xffff, v6  }
0xa3: {  	v7 =	vld [tilespmem:$0x143B0];
	_ =	sdelay $0x7  }
0xa4: {  	[tilespmem:v7+s18+$0x0] =	vst.idx.add.f32.msk $0xffff, v6  }
.LBB2_6:
0xa5: {  	_ =	swait.ge [sflag:s19], $0x2800  }
0xa6: {  	s13 =	rddreg [dreg:$0xa];
	[sflag:s19] =	ssyncset.done $0x0  }
0xa7: {  	[sflag:s19] =	ssyncadd.s32 $0xFFFFD800;
	s13 =	sadd.s32 s28, s13  }
0xa8: {  	[tilespmem:s2], [sflag:$0x5] =	stream.linear.gather [hbm4b:s13+s5], $0x50, $0x38;
	[tilespmem:$0x1E4B0] =	vst v63  }
0xa9: {  	_ =	swait.ge [sflag:s20], $0x2800  }
0xaa: {  	s6 =	rddreg [dreg:$0x9];
	[sflag:s20] =	ssyncset.done $0x0  }
0xab: {  	[sflag:s20] =	ssyncadd.s32 $0xFFFFD800;
	s13 =	sadd.s32 s28, s6  }
0xac: {  	[tilespmem:s4], [sflag:$0x7] =	stream.linear.gather [hbm4b:s13+s5], $0x50, $0x38;
	[tilespmem:$0x1E4B0] =	vst v63  }
0xad: {  	_ =	swait.ge [sflag:s8], $0x50  }
0xae: {  	[sflag:s8] =	ssyncset.done $0x0  }
0xaf: {  	[sflag:s8] =	ssyncadd.s32 $0xFFFFFFB0  }
0xb0: {  	[tilespmem:s29], [sflag:$0x1] =	stream.indirect.gather [hbm4b:s0+s9], $0x80, s31, s9, $0xb8;
	[tilespmem:$0x1E4B0] =	vst v63  }
0xb1: {  	_ =	swait.ge [sflag:s21], $0x50  }
0xb2: {  	[sflag:s21] =	ssyncset.done $0x0  }
0xb3: {  	[sflag:s21] =	ssyncadd.s32 $0xFFFFFFB0  }
0xb4: {  	[spmem:s3] =	stream.indirect.scatter.add.f32 [tilespmem:s11], [sflag:$0xB], $0x80, s7, s9, $0xb8;
	[tilespmem:$0x1E4B0] =	vst v63  }
0xb5: {  	v7 =	vld [tilespmem:$0x143C0];
	_ =	sdelay $0x7  }
0xb6: {  	[tilespmem:v7+s18+$0x0] =	vst.idx.add.f32.msk $0xffff, v6  }
0xb7: {  	v7 =	vld [tilespmem:$0x143D0];
	_ =	sdelay $0x7  }
0xb8: {  	[tilespmem:v7+s18+$0x0] =	vst.idx.add.f32.msk $0xffff, v6  }
0xb9: {  	v7 =	vld [tilespmem:$0x143E0];
	_ =	sdelay $0x7  }
0xba: {  	[tilespmem:v7+s18+$0x0] =	vst.idx.add.f32.msk $0xffff, v6  }
0xbb: {  	v7 =	vld [tilespmem:$0x143F0];
	_ =	sdelay $0x7  }
0xbc: {  	[tilespmem:v7+s18+$0x0] =	vst.idx.add.f32.msk $0xffff, v6  }
0xbd: {  	v7 =	vld [tilespmem:$0x14400];
	_ =	sdelay $0x7  }
0xbe: {  	[tilespmem:v7+s18+$0x0] =	vst.idx.add.f32.msk $0xffff, v6  }
0xbf: {  	_ =	swait.ge [sflag:s22], $0x2800  }
0xc0: {  	s6 =	rddreg [dreg:$0x7];
	[sflag:s22] =	ssyncset.done $0x0  }
0xc1: {  	[sflag:s22] =	ssyncadd.s32 $0xFFFFD800;
	s13 =	sadd.s32 s28, s6  }
0xc2: {  	[tilespmem:s1], [sflag:$0x6] =	stream.linear.gather [hbm4b:s13+s5], $0x50, $0x38;
	[tilespmem:$0x1E4B0] =	vst v63  }
0xc3: {  	_ =	swait.ge [sflag:s23], $0x2800  }
0xc4: {  	s6 =	rddreg [dreg:$0xb];
	[sflag:s23] =	ssyncset.done $0x0  }
0xc5: {  	[sflag:s23] =	ssyncadd.s32 $0xFFFFD800;
	s13 =	sadd.s32 s28, s6  }
0xc6: {  	[tilespmem:s7], [sflag:$0x8] =	stream.linear.gather [hbm4b:s13+s5], $0x50, $0x38;
	[tilespmem:$0x1E4B0] =	vst v63  }
0xc7: {  	_ =	swait.ge [sflag:s10], $0x50  }
0xc8: {  	[sflag:s10] =	ssyncset.done $0x0  }
0xc9: {  	[sflag:s10] =	ssyncadd.s32 $0xFFFFFFB0  }
0xca: {  	[tilespmem:s11], [sflag:$0x2] =	stream.indirect.gather [hbm4b:s0+s9], $0x80, s2, s9, $0xb8;
	[tilespmem:$0x1E4B0] =	vst v63  }
0xcb: {  	_ =	swait.ge [sflag:s24], $0x50  }
0xcc: {  	[sflag:s24] =	ssyncset.done $0x0  }
0xcd: {  	[sflag:s24] =	ssyncadd.s32 $0xFFFFFFB0  }
0xce: {  	[spmem:s3] =	stream.indirect.scatter.add.f32 [tilespmem:s16], [sflag:$0xC], $0x80, s14, s9, $0xb8;
	[tilespmem:$0x1E4B0] =	vst v63  }
0xcf: {  	v7 =	vld [tilespmem:$0x14410];
	_ =	sdelay $0x7  }
0xd0: {  	[tilespmem:v7+s18+$0x0] =	vst.idx.add.f32.msk $0xffff, v6  }
0xd1: {  	v7 =	vld [tilespmem:$0x14420];
	_ =	sdelay $0x7  }
0xd2: {  	[tilespmem:v7+s18+$0x0] =	vst.idx.add.f32.msk $0xffff, v6  }
0xd3: {  	v7 =	vld [tilespmem:$0x14430];
	_ =	sdelay $0x7  }
0xd4: {  	[tilespmem:v7+s18+$0x0] =	vst.idx.add.f32.msk $0xffff, v6  }
0xd5: {  	v7 =	vld [tilespmem:$0x14440];
	_ =	sdelay $0x7  }
0xd6: {  	[tilespmem:v7+s18+$0x0] =	vst.idx.add.f32.msk $0xffff, v6  }
0xd7: {  	v7 =	vld [tilespmem:$0x14450];
	_ =	sdelay $0x7  }
0xd8: {  	[tilespmem:v7+s18+$0x0] =	vst.idx.add.f32.msk $0xffff, v6  }
0xd9: {  	_ =	swait.ge [sflag:s12], $0x2800  }
0xda: {  	s6 =	rddreg [dreg:$0x6];
	[sflag:s12] =	ssyncset.done $0x0  }
0xdb: {  	[sflag:s12] =	ssyncadd.s32 $0xFFFFD800;
	s13 =	sadd.s32 s28, s6  }
0xdc: {  	[tilespmem:s31], [sflag:$0x4] =	stream.linear.gather [hbm4b:s13+s5], $0x50, $0x38;
	[tilespmem:$0x1E4B0] =	vst v63  }
0xdd: {  	_ =	swait.ge [sflag:s25], $0x2800  }
0xde: {  	s6 =	rddreg [dreg:$0x8];
	[sflag:s25] =	ssyncset.done $0x0  }
0xdf: {  	[sflag:s25] =	ssyncadd.s32 $0xFFFFD800;
	s13 =	sadd.s32 s28, s6  }
0xe0: {  	[tilespmem:s14], [sflag:$0x9] =	stream.linear.gather [hbm4b:s13+s5], $0x50, $0x38;
	[tilespmem:$0x1E4B0] =	vst v63  }
0xe1: {  	_ =	swait.ge [sflag:s15], $0x50  }
0xe2: {  	[sflag:s15] =	ssyncset.done $0x0  }
0xe3: {  	[sflag:s15] =	ssyncadd.s32 $0xFFFFFFB0  }
0xe4: {  	[tilespmem:s16], [sflag:$0x3] =	stream.indirect.gather [hbm4b:s0+s9], $0x80, s1, s9, $0xb8;
	[tilespmem:$0x1E4B0] =	vst v63  }
0xe5: {  	_ =	swait.ge [sflag:s17], $0x50  }
0xe6: {  	[sflag:s17] =	ssyncset.done $0x0  }
0xe7: {  	[sflag:s17] =	ssyncadd.s32 $0xFFFFFFB0  }
0xe8: {  	[spmem:s3] =	stream.indirect.scatter.add.f32 [tilespmem:s29], [sflag:$0xA], $0x80, s4, s9, $0xb8;
	[tilespmem:$0x1E4B0] =	vst v63  }
0xe9: {  	v7 =	vld [tilespmem:$0x14370];
	_ =	sdelay $0x7  }
0xea: {  	[tilespmem:v7+s18+$0x0] =	vst.idx.add.f32.msk $0xffff, v6  }
0xeb: {  	v7 =	vld [tilespmem:$0x14380];
	_ =	sdelay $0x7  }
0xec: {  	[tilespmem:v7+s18+$0x0] =	vst.idx.add.f32.msk $0xffff, v6  }
0xed: {  	v7 =	vld [tilespmem:$0x14390];
	_ =	sdelay $0x7  }
0xee: {  	[tilespmem:v7+s18+$0x0] =	vst.idx.add.f32.msk $0xffff, v6  }
0xef: {  	v7 =	vld [tilespmem:$0x143A0];
	_ =	sdelay $0x7  }
0xf0: {  	[tilespmem:v7+s18+$0x0] =	vst.idx.add.f32.msk $0xffff, v6  }
0xf1: {  	v7 =	vld [tilespmem:$0x143B0];
	_ =	sdelay $0x2  }
0xf2: {  	p1 =	sne.s32 s28, $0x492  }
.Ltmp2:
0xf3: {  	_ = 	snop;
	(pc) =	sbr.rel @p1 .LBB2_6-.Ltmp2, $2  }
0xf4: {  	_ =	sdelay $0x2  }
0xf5: {  	s28 =	sadd.s32 $0x1E, s28;
	[tilespmem:v7+s18+$0x0] =	vst.idx.add.f32.msk $0xffff, v6  }
0xf6: {  	_ =	swait.ge [sflag:s19], $0x2800  }
0xf7: {  	[sflag:s19] =	ssyncset.done $0x0  }
0xf8: {  	s13 =	rddreg [dreg:$0x1a];
	[sflag:s19] =	ssyncadd.s32 $0xFFFFD800  }
0xf9: {  	[tilespmem:s2], [sflag:$0x5] =	stream.linear.gather [hbm4b:s13+s5], $0x50, $0x38;
	[tilespmem:$0x1E4B0] =	vst v63  }
0xfa: {  	_ =	swait.ge [sflag:s20], $0x2800  }
0xfb: {  	s6 =	sld [smem:$0x7FC]  }
0xfc: {  	[sflag:s20] =	ssyncset.done $0x0  }
0xfd: {  	[sflag:s20] =	ssyncadd.s32 $0xFFFFD800  }
0xfe: {  	[tilespmem:s4], [sflag:$0x7] =	stream.linear.gather [hbm4b:s6+s5], $0x50, $0x38;
	[tilespmem:$0x1E4B0] =	vst v63  }
0xff: {  	_ =	swait.ge [sflag:s8], $0x50  }
0x100: {  	[sflag:s8] =	ssyncset.done $0x0  }
0x101: {  	[sflag:s8] =	ssyncadd.s32 $0xFFFFFFB0  }
0x102: {  	[tilespmem:s29], [sflag:$0x1] =	stream.indirect.gather [hbm4b:s0+s9], $0x80, s31, s9, $0xb8;
	[tilespmem:$0x1E4B0] =	vst v63  }
0x103: {  	_ =	swait.ge [sflag:s21], $0x50  }
0x104: {  	[sflag:s21] =	ssyncset.done $0x0  }
0x105: {  	[sflag:s21] =	ssyncadd.s32 $0xFFFFFFB0  }
0x106: {  	[spmem:s3] =	stream.indirect.scatter.add.f32 [tilespmem:s11], [sflag:$0xB], $0x80, s7, s9, $0xb8;
	[tilespmem:$0x1E4B0] =	vst v63  }
0x107: {  	v7 =	vld [tilespmem:$0x143C0];
	_ =	sdelay $0x7  }
0x108: {  	[tilespmem:v7+s18+$0x0] =	vst.idx.add.f32.msk $0xffff, v6  }
0x109: {  	v7 =	vld [tilespmem:$0x143D0];
	_ =	sdelay $0x7  }
0x10a: {  	[tilespmem:v7+s18+$0x0] =	vst.idx.add.f32.msk $0xffff, v6  }
0x10b: {  	v7 =	vld [tilespmem:$0x143E0];
	_ =	sdelay $0x7  }
0x10c: {  	[tilespmem:v7+s18+$0x0] =	vst.idx.add.f32.msk $0xffff, v6  }
0x10d: {  	v7 =	vld [tilespmem:$0x143F0];
	_ =	sdelay $0x7  }
0x10e: {  	[tilespmem:v7+s18+$0x0] =	vst.idx.add.f32.msk $0xffff, v6  }
0x10f: {  	v7 =	vld [tilespmem:$0x14400];
	_ =	sdelay $0x7  }
0x110: {  	[tilespmem:v7+s18+$0x0] =	vst.idx.add.f32.msk $0xffff, v6  }
0x111: {  	_ =	swait.ge [sflag:s22], $0x2800  }
0x112: {  	[sflag:s22] =	ssyncset.done $0x0  }
0x113: {  	[sflag:s22] =	ssyncadd.s32 $0xFFFFD800  }
0x114: {  	_ =	swait.ge [sflag:s23], $0x2800  }
0x115: {  	s28 =	sld [smem:$0x7FD]  }
0x116: {  	[sflag:s23] =	ssyncset.done $0x0  }
0x117: {  	[sflag:s23] =	ssyncadd.s32 $0xFFFFD800  }
0x118: {  	[tilespmem:s7], [sflag:$0x8] =	stream.linear.gather [hbm4b:s28+s5], $0x50, $0x38;
	[tilespmem:$0x1E4B0] =	vst v63  }
0x119: {  	_ =	swait.ge [sflag:s10], $0x50  }
0x11a: {  	[sflag:s10] =	ssyncset.done $0x0  }
0x11b: {  	[sflag:s10] =	ssyncadd.s32 $0xFFFFFFB0  }
0x11c: {  	[tilespmem:s11], [sflag:$0x2] =	stream.indirect.gather [hbm4b:s0+s9], $0x80, s2, s9, $0xb8;
	[tilespmem:$0x1E4B0] =	vst v63  }
0x11d: {  	_ =	swait.ge [sflag:s24], $0x50  }
0x11e: {  	[sflag:s24] =	ssyncset.done $0x0  }
0x11f: {  	[sflag:s24] =	ssyncadd.s32 $0xFFFFFFB0  }
0x120: {  	[spmem:s3] =	stream.indirect.scatter.add.f32 [tilespmem:s16], [sflag:$0xC], $0x80, s14, s9, $0xb8;
	[tilespmem:$0x1E4B0] =	vst v63  }
0x121: {  	v7 =	vld [tilespmem:$0x14410];
	_ =	sdelay $0x7  }
0x122: {  	[tilespmem:v7+s18+$0x0] =	vst.idx.add.f32.msk $0xffff, v6  }
0x123: {  	v7 =	vld [tilespmem:$0x14420];
	_ =	sdelay $0x7  }
0x124: {  	[tilespmem:v7+s18+$0x0] =	vst.idx.add.f32.msk $0xffff, v6  }
0x125: {  	v7 =	vld [tilespmem:$0x14430];
	_ =	sdelay $0x7  }
0x126: {  	[tilespmem:v7+s18+$0x0] =	vst.idx.add.f32.msk $0xffff, v6  }
0x127: {  	v7 =	vld [tilespmem:$0x14440];
	_ =	sdelay $0x7  }
0x128: {  	[tilespmem:v7+s18+$0x0] =	vst.idx.add.f32.msk $0xffff, v6  }
0x129: {  	v7 =	vld [tilespmem:$0x14450];
	_ =	sdelay $0x7  }
0x12a: {  	[tilespmem:v7+s18+$0x0] =	vst.idx.add.f32.msk $0xffff, v6  }
0x12b: {  	_ =	swait.ge [sflag:s12], $0x2800  }
0x12c: {  	[sflag:s12] =	ssyncset.done $0x0  }
0x12d: {  	[sflag:s12] =	ssyncadd.s32 $0xFFFFD800  }
0x12e: {  	_ =	swait.ge [sflag:s25], $0x2800  }
0x12f: {  	[sflag:s25] =	ssyncset.done $0x0  }
0x130: {  	[sflag:s25] =	ssyncadd.s32 $0xFFFFD800  }
0x131: {  	_ =	swait.ge [sflag:s17], $0x50  }
0x132: {  	[sflag:s17] =	ssyncset.done $0x0  }
0x133: {  	[sflag:s17] =	ssyncadd.s32 $0xFFFFFFB0  }
0x134: {  	[spmem:s3] =	stream.indirect.scatter.add.f32 [tilespmem:s29], [sflag:$0xA], $0x80, s4, s9, $0xb8;
	[tilespmem:$0x1E4B0] =	vst v63  }
0x135: {  	v7 =	vld [tilespmem:$0x14370];
	_ =	sdelay $0x7  }
0x136: {  	[tilespmem:v7+s18+$0x0] =	vst.idx.add.f32.msk $0xffff, v6  }
0x137: {  	v7 =	vld [tilespmem:$0x14380];
	_ =	sdelay $0x7  }
0x138: {  	[tilespmem:v7+s18+$0x0] =	vst.idx.add.f32.msk $0xffff, v6  }
0x139: {  	v7 =	vld [tilespmem:$0x14390];
	_ =	sdelay $0x7  }
0x13a: {  	[tilespmem:v7+s18+$0x0] =	vst.idx.add.f32.msk $0xffff, v6  }
0x13b: {  	v7 =	vld [tilespmem:$0x143A0];
	_ =	sdelay $0x7  }
0x13c: {  	[tilespmem:v7+s18+$0x0] =	vst.idx.add.f32.msk $0xffff, v6  }
0x13d: {  	v7 =	vld [tilespmem:$0x143B0];
	_ =	sdelay $0x7  }
0x13e: {  	[tilespmem:v7+s18+$0x0] =	vst.idx.add.f32.msk $0xffff, v6  }
0x13f: {  	_ =	swait.ge [sflag:s19], $0x2800  }
0x140: {  	[sflag:s19] =	ssyncset.done $0x0  }
0x141: {  	[sflag:s19] =	ssyncadd.s32 $0xFFFFD800  }
0x142: {  	_ =	swait.ge [sflag:s20], $0x2800  }
0x143: {  	[sflag:s20] =	ssyncset.done $0x0  }
0x144: {  	[sflag:s20] =	ssyncadd.s32 $0xFFFFD800  }
0x145: {  	_ =	swait.ge [sflag:s21], $0x50  }
0x146: {  	[sflag:s21] =	ssyncset.done $0x0  }
0x147: {  	[sflag:s21] =	ssyncadd.s32 $0xFFFFFFB0  }
0x148: {  	[spmem:s3] =	stream.indirect.scatter.add.f32 [tilespmem:s11], [sflag:$0xB], $0x80, s7, s9, $0xb8;
	[tilespmem:$0x1E4B0] =	vst v63  }
0x149: {  	v7 =	vld [tilespmem:$0x143C0];
	_ =	sdelay $0x7  }
0x14a: {  	[tilespmem:v7+s18+$0x0] =	vst.idx.add.f32.msk $0xffff, v6  }
0x14b: {  	v7 =	vld [tilespmem:$0x143D0];
	_ =	sdelay $0x7  }
0x14c: {  	[tilespmem:v7+s18+$0x0] =	vst.idx.add.f32.msk $0xffff, v6  }
0x14d: {  	v7 =	vld [tilespmem:$0x143E0];
	_ =	sdelay $0x7  }
0x14e: {  	[tilespmem:v7+s18+$0x0] =	vst.idx.add.f32.msk $0xffff, v6  }
0x14f: {  	v7 =	vld [tilespmem:$0x143F0];
	_ =	sdelay $0x7  }
0x150: {  	[tilespmem:v7+s18+$0x0] =	vst.idx.add.f32.msk $0xffff, v6  }
0x151: {  	v7 =	vld [tilespmem:$0x14400];
	_ =	sdelay $0x7  }
0x152: {  	[tilespmem:v7+s18+$0x0] =	vst.idx.add.f32.msk $0xffff, v6  }
0x153: {  	_ =	swait.ge [sflag:s23], $0x2800  }
0x154: {  	[sflag:s23] =	ssyncset.done $0x0  }
0x155: {  	[sflag:s23] =	ssyncadd.s32 $0xFFFFD800  }
0x156: {  	[bflag:$0x0] =	sbarrier.arrive $0xFFFF  }
0x157: {  	s28 =	simm.s32 $0x1E460;
	s6 =	rddreg [dreg:$0x4]  }
0x158: {  	[spmem:s6] =	stream.indirect.scatter.add.f32 [tilespmem:s18], [sflag:$0xD], $0x80, s28, s9, $0xb8;
	[tilespmem:$0x1E4B0] =	vst v63  }
0x159: {  	_ =	swait.ge [sflag:s30], $0x2800  }
0x15a: {  	[sflag:s30] =	ssyncset.done $0x0  }
0x15b: {  	[sflag:s30] =	ssyncadd.s32 $0xFFFFD800  }
0x15c: {  	s6 =	stileid.u32;
	[bflag:$0x0] =	sbarrier.arrive $0xFFFF  }
0x15d: {  	s13 =	sshll.u32 s6, $0x6;
	s28 =	rddreg [dreg:$0x1c]  }
0x15e: {  	s13 =	sor.u32 $0x1C0D, s13;
	s6 =	rddreg [dreg:$0x1b];
	s28 =	sshrl.u32 s28, $0x3  }
0x15f: {  	[hbm:s6], [sflag:s13] =	dma.local [spmem:s28], $0x2800  }
0x160: {  	_ =	swait.ge [sflag:s30], $0x2800  }
0x161: {  	[sflag:s30] =	ssyncset.done $0x0;
	s6 =	rddreg [dreg:$0x1d]  }
0x162: {  	s28 =	rddreg [dreg:$0x1f];
	[sflag:s30] =	ssyncadd.s32 $0xFFFFD800  }
0x163: {  	[hbm:s6], [sflag:s13] =	dma.local [spmem:s28], $0x50  }
0x164: {  	_ =	swait.ge [sflag:s30], $0x50  }
0x165: {  	s26 =	sadd.s32 $0x1, s26;
	s28 =	rddreg [dreg:$0x1e]  }
0x166: {  	p1 =	sne.s32 s26, s28  }
.Ltmp3:
0x167: {  	_ = 	snop;
	(pc) =	sbr.rel @p1 .LBB2_1-.Ltmp3, $3  }
0x168: {  	_ =	sdelay $0x1  }
0x169: {  	[sflag:s30] =	ssyncset.done $0x0  }
0x16a: {  	[sflag:s30] =	ssyncadd.s32 $0xFFFFFFB0  }
0x16b: {  	_ =	sfence.sel $0x180000  }
0x16c: {  	[bflag:$0x0] =	sbarrier.arrive $0xFFFF  }
0x16d: {  	_ =	strace $0x90000047  }
0x16e: {  	[bflag:$0x2] =	sbarrier.arrive $0xFFFF  }
0x16f: {  	s0 =	rddreg [dreg:$0x5]  }
0x170: {  	s0 =	sadd.s32 @!p0 $0x100000, s0  }
0x171: {  	[sflag:s0] =	ssyncadd.tile.s32 @!p0 $0x1;
	_ =	shalt  }
.Lfunc_end2:
_tile_overlayer_lowered:
.L_overlay_start_2:
0x172: {  	(tag) =	ssettag $0x2  }
0x173: {  	s0 =	rddreg [dreg:$0x0];
	s2 =	stileid.u32  }
0x174: {  	s1 =	rddreg [dreg:$0x1];
	p0 =	sne.s32 s2, $0x0  }
0x175: {  	s3 =	rddreg [dreg:$0x2];
	[bflag:$0x3] =	sbarrier.arrive $0xFFFF;
	s2 =	simm.s32 @!p0 $0x1C0D  }
0x176: {  	[timem:s3], [sflag:s2] =	dma.local @!p0 [hbm:s0], s1  }
0x177: {  	s0 =	simm.s32 @!p0 $0xD  }
0x178: {  	_ =	swait.ge @!p0 [sflag:s0], s1  }
0x179: {  	s1 =	ssub.s32 @!p0 $0x0, s1;
	[sflag:s0] =	ssyncset.done @!p0 $0x0  }
0x17a: {  	[sflag:s0] =	ssyncadd.s32 @!p0 s1  }
0x17b: {  	[bflag:$0x3] =	sbarrier.arrive $0xFFFF  }
0x17c: {  	_ =	shalt  }

</sc_bundles>
